<compile_context>
chip_gen: v7x
topology: tpu7x:2x2x1
jax: 0.10.2.dev20260603
libtpu: 0.0.44.dev20260713+nightly
codegen_flags: <defaults>
</compile_context>

<pallas_src>
import functools

import jax
import jax.numpy as jnp
from jax import lax
from jax.experimental import pallas as pl
from jax.experimental.pallas import tpu as pltpu
from jax.experimental.pallas import tpu_sc as plsc

N = 10000
E = 320000
D = 128

NUM_CORES = 2
NUM_SUBCORES = 16
NW = NUM_CORES * NUM_SUBCORES
CHUNK = 128
CHUNKS_PER_TILE = (E + NW * CHUNK - 1) // (NW * CHUNK)
CHUNKS_PAD = CHUNKS_PER_TILE + 1
EDGES_PAD = NW * CHUNKS_PER_TILE * CHUNK
DUMMY = N
R_ROWS = N + 16
DEG_W = 16

_MESH = plsc.VectorSubcoreMesh(core_axis_name="c", subcore_axis_name="s")


def _striped(s, total, copy_fn, align=8):
    r1 = -(-(-(-total // NUM_SUBCORES)) // align) * align
    last = total - (NUM_SUBCORES - 1) * r1

    @pl.when(s < NUM_SUBCORES - 1)
    def _():
        copy_fn(s * r1, r1)

    @pl.when(s == NUM_SUBCORES - 1)
    def _():
        copy_fn((NUM_SUBCORES - 1) * r1, last)



IDX_ROWS = 80
T_C0 = 94
T_C1 = 64
R_BAL = max(T_C0, T_C1)


def _edge_body(q_hbm, z_hbm, src_hbm, dst_hbm, ra_hbm, rb_hbm,
               src_v, dst_v, msg_v, r_sh, sem):
    c = lax.axis_index("c")
    s = lax.axis_index("s")
    wid = c * NUM_SUBCORES + s

    @pl.when(c == 0)
    def _():
        _striped(s, N, lambda o, n: pltpu.sync_copy(
            q_hbm.at[pl.ds(o, n)], r_sh.at[pl.ds(o, n)]))

    @pl.when(c == 1)
    def _():
        _striped(s, N, lambda o, n: pltpu.sync_copy(
            z_hbm.at[pl.ds(o, n)], r_sh.at[pl.ds(o, n)]))

    @pl.when(s == 0)
    def _():
        pltpu.sync_copy(z_hbm.at[pl.ds(0, R_ROWS - N)],
                        r_sh.at[pl.ds(N, R_ROWS - N)])

    plsc.subcore_barrier()

    pltpu.sync_copy(src_hbm.at[wid], src_v)
    pltpu.sync_copy(dst_hbm.at[wid], dst_v)

    def chunk(j, carry):
        pltpu.async_copy(q_hbm.at[src_v.at[j]], msg_v, sem).wait()
        pltpu.sync_copy(msg_v, r_sh.at[dst_v.at[j]], add=True)
        return carry

    @pl.when(c == 0)
    def _():
        lax.fori_loop(0, T_C0, chunk, 0)

    @pl.when(c == 1)
    def _():
        lax.fori_loop(0, T_C1, chunk, 0)

    plsc.subcore_barrier()

    @pl.when(c == 0)
    def _():
        _striped(s, N, lambda o, n: pltpu.sync_copy(
            r_sh.at[pl.ds(o, n)], ra_hbm.at[pl.ds(o, n)]))

    @pl.when(c == 1)
    def _():
        _striped(s, N, lambda o, n: pltpu.sync_copy(
            r_sh.at[pl.ds(o, n)], rb_hbm.at[pl.ds(o, n)]))


_edge_call = pl.kernel(
    _edge_body,
    out_type=[jax.ShapeDtypeStruct((N, D), jnp.float32)] * 2,
    mesh=_MESH,
    scratch_types=[
        pltpu.VMEM((R_BAL, CHUNK), jnp.int32),
        pltpu.VMEM((R_BAL, CHUNK), jnp.int32),
        pltpu.VMEM((CHUNK, D), jnp.float32),
        pltpu.VMEM_SHARED((R_ROWS, D), jnp.float32),
        pltpu.SemaphoreType.DMA,
    ],
)


def _deg_body(ones_hbm, z_hbm, dst_hbm, dega_hbm, degb_hbm,
              dst_v, ones_v, deg_sh):
    c = lax.axis_index("c")
    s = lax.axis_index("s")
    wid = c * NUM_SUBCORES + s
    pltpu.sync_copy(dst_hbm.at[wid], dst_v)
    pltpu.sync_copy(ones_hbm, ones_v)
    _striped(s, N, lambda o, n: pltpu.sync_copy(
        z_hbm.at[pl.ds(o, n)], deg_sh.at[pl.ds(o, n)]))

    @pl.when(s == 0)
    def _():
        pltpu.sync_copy(z_hbm.at[pl.ds(0, R_ROWS - N)],
                        deg_sh.at[pl.ds(N, R_ROWS - N)])

    plsc.subcore_barrier()

    def chunk(j, carry):
        pltpu.sync_copy(ones_v, deg_sh.at[dst_v.at[j]], add=True)
        return carry

    lax.fori_loop(0, CHUNKS_PER_TILE, chunk, 0)
    plsc.subcore_barrier()

    @pl.when(c == 0)
    def _():
        _striped(s, N, lambda o, n: pltpu.sync_copy(
            deg_sh.at[pl.ds(o, n)], dega_hbm.at[pl.ds(o, n)]))

    @pl.when(c == 1)
    def _():
        _striped(s, N, lambda o, n: pltpu.sync_copy(
            deg_sh.at[pl.ds(o, n)], degb_hbm.at[pl.ds(o, n)]))


_deg_call = pl.kernel(
    _deg_body,
    out_type=[jax.ShapeDtypeStruct((N, D), jnp.float32)] * 2,
    mesh=_MESH,
    scratch_types=[
        pltpu.VMEM((IDX_ROWS, CHUNK), jnp.int32),
        pltpu.VMEM((CHUNK, D), jnp.float32),
        pltpu.VMEM_SHARED((R_ROWS, D), jnp.float32),
    ],
)



def _dinv(dega_ref, degb_ref):
    deg = dega_ref[:, 0:1] + degb_ref[:, 0:1] + 1.0
    return lax.rsqrt(deg)


def _mm_t(a, w):
    return lax.dot_general(a, w, (((1,), (1,)), ((), ())),
                           preferred_element_type=jnp.float32)


def _tc0_body(x_ref, w_ref, dega_ref, degb_ref, q_ref):
    q_ref[...] = _mm_t(x_ref[...], w_ref[...]) * _dinv(dega_ref, degb_ref)


_tc0 = pl.pallas_call(
    _tc0_body,
    out_shape=jax.ShapeDtypeStruct((N, D), jnp.float32),
)


def _tc_mid_body(ra_ref, rb_ref, dega_ref, degb_ref, b_ref, w_ref, q_ref):
    dinv = _dinv(dega_ref, degb_ref)
    h = jnp.maximum(dinv * (ra_ref[...] + rb_ref[...]) + b_ref[...], 0.0)
    q_ref[...] = _mm_t(h, w_ref[...]) * dinv


_tc_mid = pl.pallas_call(
    _tc_mid_body,
    out_shape=jax.ShapeDtypeStruct((N, D), jnp.float32),
)


def _sigmoid(x):
    return 1.0 / (1.0 + jnp.exp(-x))


def _tc_final_body(ra_ref, rb_ref, dega_ref, degb_ref, b3_ref,
                   ws1_ref, bs1_ref, ws2_ref, bs2_ref,
                   wi1_ref, bi1_ref, wi2_ref, bi2_ref,
                   score_ref, issues_ref):
    dinv = _dinv(dega_ref, degb_ref)
    h = jnp.maximum(dinv * (ra_ref[...] + rb_ref[...]) + b3_ref[...], 0.0)
    g = jnp.sum(h, axis=0, keepdims=True) * (1.0 / N)
    t = jnp.maximum(_mm_t(g, ws1_ref[...]) + bs1_ref[...], 0.0)
    score_ref[...] = _sigmoid(
        jnp.sum(t * ws2_ref[...], axis=1, keepdims=True) + bs2_ref[...])
    u = jnp.maximum(_mm_t(g, wi1_ref[...]) + bi1_ref[...], 0.0)
    issues_ref[...] = _sigmoid(_mm_t(u, wi2_ref[...]) + bi2_ref[...])


_tc_final = pl.pallas_call(
    _tc_final_body,
    out_shape=[jax.ShapeDtypeStruct((1, 1), jnp.float32),
               jax.ShapeDtypeStruct((1, 10), jnp.float32)],
)



def kernel(x, edge_index, W1, b1, W2, b2, W3, b3,
           Ws1, bs1, Ws2, bs2, Wi1, bi1, Wi2, bi2):
    src = edge_index[0]
    dst = edge_index[1]
    pad = EDGES_PAD - E
    src_p = jnp.concatenate([src, jnp.zeros((pad,), jnp.int32)])
    dst_p = jnp.concatenate([dst, jnp.full((pad,), DUMMY, jnp.int32)])

    dst3_sym = dst_p.reshape(NW, CHUNKS_PER_TILE, CHUNK)
    dst3_sym = jnp.concatenate(
        [dst3_sym,
         jnp.full((NW, IDX_ROWS - CHUNKS_PER_TILE, CHUNK), DUMMY, jnp.int32)],
        axis=1)

    cut = NUM_SUBCORES * T_C0 * CHUNK

    def _bal(flat, fill):
        a = flat[:cut].reshape(NUM_SUBCORES, T_C0, CHUNK)
        a = jnp.concatenate(
            [a, jnp.full((NUM_SUBCORES, R_BAL - T_C0, CHUNK), fill,
                         jnp.int32)], axis=1)
        b = flat[cut:].reshape(NUM_SUBCORES, T_C1, CHUNK)
        b = jnp.concatenate(
            [b, jnp.full((NUM_SUBCORES, R_BAL - T_C1, CHUNK), fill,
                         jnp.int32)], axis=1)
        return jnp.concatenate([a, b], axis=0)

    src3 = _bal(src_p, 0)
    dst3 = _bal(dst_p, DUMMY)
    z = jnp.zeros((N, D), jnp.float32)
    ones_chunk = jnp.ones((CHUNK, D), jnp.float32)

    dega, degb = _deg_call(ones_chunk, z, dst3_sym)
    dega = dega[:, :8]
    degb = degb[:, :8]
    q = _tc0(x, W1, dega, degb)
    ra, rb = _edge_call(q, z, src3, dst3)
    q = _tc_mid(ra, rb, dega, degb, b1.reshape(1, D), W2)
    ra, rb = _edge_call(q, z, src3, dst3)
    q = _tc_mid(ra, rb, dega, degb, b2.reshape(1, D), W3)
    ra, rb = _edge_call(q, z, src3, dst3)
    score, issues = _tc_final(
        ra, rb, dega, degb, b3.reshape(1, D),
        Ws1, bs1.reshape(1, -1), Ws2, bs2.reshape(1, -1),
        Wi1, bi1.reshape(1, -1), Wi2, bi2.reshape(1, -1))
    return (score, issues)

# --- scband reference (transcript-rebuilt; emitter-appended) ---
"""Pipeline reference for scband-single-frame-gnn-31044023615693 (READ-ONLY COPY).

The authoritative reference and input builder live on the scoring server;
editing this copy changes nothing except your own understanding.
"""

import jax, jax.numpy as jnp
import numpy as np

N = 10000
E = 320000
D = 128
H = 128
NC = 10


def setup_inputs(seed: int = 0) -> dict:
    key = jax.random.key(seed)
    ks = jax.random.split(key, 18)
    x = jax.random.normal(ks[0], (N, D), dtype=jnp.float32)
    edge_index = jax.random.randint(ks[1], (2, E), 0, N, dtype=jnp.int32)
    s = 0.05
    params = {
        'W1': jax.random.normal(ks[2], (H, D), dtype=jnp.float32) * s,
        'b1': jnp.zeros((H,), dtype=jnp.float32),
        'W2': jax.random.normal(ks[3], (H, H), dtype=jnp.float32) * s,
        'b2': jnp.zeros((H,), dtype=jnp.float32),
        'W3': jax.random.normal(ks[4], (H, H), dtype=jnp.float32) * s,
        'b3': jnp.zeros((H,), dtype=jnp.float32),
        'Ws1': jax.random.normal(ks[5], (H // 2, H), dtype=jnp.float32) * s,
        'bs1': jnp.zeros((H // 2,), dtype=jnp.float32),
        'Ws2': jax.random.normal(ks[6], (1, H // 2), dtype=jnp.float32) * s,
        'bs2': jnp.zeros((1,), dtype=jnp.float32),
        'Wi1': jax.random.normal(ks[7], (H // 2, H), dtype=jnp.float32) * s,
        'bi1': jnp.zeros((H // 2,), dtype=jnp.float32),
        'Wi2': jax.random.normal(ks[8], (NC, H // 2), dtype=jnp.float32) * s,
        'bi2': jnp.zeros((NC,), dtype=jnp.float32),
    }
    return {'x': x, 'edge_index': edge_index, **params}


def reference(x, edge_index, W1, b1, W2, b2, W3, b3, Ws1, bs1, Ws2, bs2, Wi1, bi1, Wi2, bi2):
    n = x.shape[0]
    loop = jnp.arange(n, dtype=edge_index.dtype)
    src = jnp.concatenate([edge_index[0], loop])
    dst = jnp.concatenate([edge_index[1], loop])
    # GCN normalization: deg computed on dst with self-loops
    deg = jnp.zeros((n,), dtype=x.dtype).at[dst].add(1.0)
    dinv = jnp.where(deg > 0, 1.0 / jnp.sqrt(deg), 0.0)
    norm = (dinv[src] * dinv[dst])[:, None]

    def gcn_conv(h, W, b):
        h = h @ W.T
        msg = h[src] * norm
        out = jnp.zeros((n, h.shape[1]), dtype=h.dtype).at[dst].add(msg)
        return out + b

    h = jax.nn.relu(gcn_conv(x, W1, b1))
    # dropout is identity in eval mode
    h = jax.nn.relu(gcn_conv(h, W2, b2))
    h = jax.nn.relu(gcn_conv(h, W3, b3))
    # batch=None -> all nodes in one graph -> global mean pool over all nodes
    g = jnp.mean(h, axis=0, keepdims=True)
    score = jax.nn.sigmoid(jax.nn.relu(g @ Ws1.T + bs1) @ Ws2.T + bs2)
    issues = jax.nn.sigmoid(jax.nn.relu(g @ Wi1.T + bi1) @ Wi2.T + bi2)
    return (score, issues)

if __name__ == "__main__":
    import jax
    _d = setup_inputs()
    print(jax.jit(kernel)(*tuple(_d.values())))

</pallas_src>

<mosaic_0001>
#map = affine_map<(d0, d1) -> (0, 0)>
#map1 = affine_map<(d0, d1) -> (0, 0, 0)>
module attributes {stable_mosaic.version = 14 : i64} {
  func.func @_deg_body(%arg0: i32, %arg1: i32, %arg2: memref<128x128xf32, #tpu.memory_space<hbm>>, %arg3: memref<10000x128xf32, #tpu.memory_space<hbm>>, %arg4: memref<32x80x128xi32, #tpu.memory_space<hbm>>, %arg5: memref<10000x128xf32, #tpu.memory_space<hbm>>, %arg6: memref<10000x128xf32, #tpu.memory_space<hbm>>, %arg7: memref<80x128xi32, #tpu.memory_space<vmem>>, %arg8: memref<128x128xf32, #tpu.memory_space<vmem>>, %arg9: memref<10016x128xf32, #tpu.memory_space<vmem_shared>>) attributes {dimension_semantics = [#tpu.dimension_semantics<core_parallel>, #tpu.dimension_semantics<subcore_parallel>], iteration_bounds = array<i64: 2, 16>, scalar_prefetch = 0 : i64, scratch_operands = 3 : i64, tpu.core_type = #tpu.core_type<sc_vector_subcore>, window_params = [{transform_indices = #map}, {transform_indices = #map}, {transform_indices = #map1}, {transform_indices = #map}, {transform_indices = #map}]} {
    %mul3A = arith.constant 16 : i32
    %mul3A_0 = arith.muli %arg0, %mul3A : i32
    %add3A = arith.addi %mul3A_0, %arg1 : i32
    "tpu.region"() ({
      %run_scoped3A = tpu.sem_alloc : memref<!tpu.dma_semaphore, #tpu.memory_space<semaphore_mem>>
      %dma_start3A = arith.constant 0 : i32
      %dma_start3A_28 = arith.constant 0 : i32
      %dma_start3A_29 = tpu.memref_slice %arg4[%add3A, %dma_start3A, %dma_start3A_28] : memref<32x80x128xi32, #tpu.memory_space<hbm>> -> memref<1x80x128xi32, #tpu.memory_space<hbm>>
      %dma_start3A_30 = tpu.memref_squeeze %dma_start3A_29 : memref<1x80x128xi32, #tpu.memory_space<hbm>> -> memref<80x128xi32, #tpu.memory_space<hbm>>
      %dma_start3A_31 = arith.constant 0 : i32
      %dma_start3A_32 = arith.constant 0 : i32
      %dma_start3A_33 = tpu.memref_slice %arg4[%add3A, %dma_start3A_31, %dma_start3A_32] : memref<32x80x128xi32, #tpu.memory_space<hbm>> -> memref<1x80x128xi32, #tpu.memory_space<hbm>>
      %dma_start3A_34 = tpu.memref_squeeze %dma_start3A_33 : memref<1x80x128xi32, #tpu.memory_space<hbm>> -> memref<80x128xi32, #tpu.memory_space<hbm>>
      tpu.enqueue_dma source(%dma_start3A_34 : memref<80x128xi32, #tpu.memory_space<hbm>>) target(%arg7 : memref<80x128xi32, #tpu.memory_space<vmem>>) target_semaphore(%run_scoped3A : memref<!tpu.dma_semaphore, #tpu.memory_space<semaphore_mem>>)
      %dma_wait3A = arith.constant 0 : i32
      %dma_wait3A_35 = arith.constant 0 : i32
      %dma_wait3A_36 = tpu.memref_slice %arg4[%add3A, %dma_wait3A, %dma_wait3A_35] : memref<32x80x128xi32, #tpu.memory_space<hbm>> -> memref<1x80x128xi32, #tpu.memory_space<hbm>>
      %dma_wait3A_37 = tpu.memref_squeeze %dma_wait3A_36 : memref<1x80x128xi32, #tpu.memory_space<hbm>> -> memref<80x128xi32, #tpu.memory_space<hbm>>
      %dma_wait3A_38 = arith.constant 0 : i32
      %dma_wait3A_39 = arith.constant 0 : i32
      %dma_wait3A_40 = tpu.memref_slice %arg4[%add3A, %dma_wait3A_38, %dma_wait3A_39] : memref<32x80x128xi32, #tpu.memory_space<hbm>> -> memref<1x80x128xi32, #tpu.memory_space<hbm>>
      %dma_wait3A_41 = tpu.memref_squeeze %dma_wait3A_40 : memref<1x80x128xi32, #tpu.memory_space<hbm>> -> memref<80x128xi32, #tpu.memory_space<hbm>>
      tpu.wait_dma2 semaphore(%run_scoped3A : memref<!tpu.dma_semaphore, #tpu.memory_space<semaphore_mem>>) src(%dma_wait3A_41 : memref<80x128xi32, #tpu.memory_space<hbm>>) dst(%arg7 : memref<80x128xi32, #tpu.memory_space<vmem>>)
      tpu.yield
    }) : () -> ()
    "tpu.region"() ({
      %run_scoped3A = tpu.sem_alloc : memref<!tpu.dma_semaphore, #tpu.memory_space<semaphore_mem>>
      tpu.enqueue_dma source(%arg2 : memref<128x128xf32, #tpu.memory_space<hbm>>) target(%arg8 : memref<128x128xf32, #tpu.memory_space<vmem>>) target_semaphore(%run_scoped3A : memref<!tpu.dma_semaphore, #tpu.memory_space<semaphore_mem>>)
      tpu.wait_dma2 semaphore(%run_scoped3A : memref<!tpu.dma_semaphore, #tpu.memory_space<semaphore_mem>>) src(%arg2 : memref<128x128xf32, #tpu.memory_space<hbm>>) dst(%arg8 : memref<128x128xf32, #tpu.memory_space<vmem>>)
      tpu.yield
    }) : () -> ()
    %lt3A = arith.constant 15 : i32
    %lt3A_1 = arith.cmpi slt, %arg1, %lt3A : i32
    %convert_element_type3A = arith.extui %lt3A_1 : i1 to i32
    %cond3A = arith.constant 0 : i32
    %cond3A_2 = arith.cmpi ne, %convert_element_type3A, %cond3A : i32
    scf.if %cond3A_2 {
      %mul3A_28 = arith.constant 632 : i32
      %mul3A_29 = arith.muli %arg1, %mul3A_28 : i32
      "tpu.region"() ({
        %run_scoped3A = tpu.sem_alloc : memref<!tpu.dma_semaphore, #tpu.memory_space<semaphore_mem>>
        %dma_start3A = arith.constant 0 : i32
        %dma_start3A_30 = tpu.memref_slice %arg9[%mul3A_29, %dma_start3A] : memref<10016x128xf32, #tpu.memory_space<vmem_shared>> -> memref<632x128xf32, #tpu.memory_space<vmem_shared>>
        %dma_start3A_31 = arith.constant 0 : i32
        %dma_start3A_32 = tpu.memref_slice %arg3[%mul3A_29, %dma_start3A_31] : memref<10000x128xf32, #tpu.memory_space<hbm>> -> memref<632x128xf32, #tpu.memory_space<hbm>>
        tpu.enqueue_dma source(%dma_start3A_32 : memref<632x128xf32, #tpu.memory_space<hbm>>) target(%dma_start3A_30 : memref<632x128xf32, #tpu.memory_space<vmem_shared>>) target_semaphore(%run_scoped3A : memref<!tpu.dma_semaphore, #tpu.memory_space<semaphore_mem>>)
        %dma_wait3A = arith.constant 0 : i32
        %dma_wait3A_33 = tpu.memref_slice %arg9[%mul3A_29, %dma_wait3A] : memref<10016x128xf32, #tpu.memory_space<vmem_shared>> -> memref<632x128xf32, #tpu.memory_space<vmem_shared>>
        %dma_wait3A_34 = arith.constant 0 : i32
        %dma_wait3A_35 = tpu.memref_slice %arg3[%mul3A_29, %dma_wait3A_34] : memref<10000x128xf32, #tpu.memory_space<hbm>> -> memref<632x128xf32, #tpu.memory_space<hbm>>
        tpu.wait_dma2 semaphore(%run_scoped3A : memref<!tpu.dma_semaphore, #tpu.memory_space<semaphore_mem>>) src(%dma_wait3A_35 : memref<632x128xf32, #tpu.memory_space<hbm>>) dst(%dma_wait3A_33 : memref<632x128xf32, #tpu.memory_space<vmem_shared>>)
        tpu.yield
      }) : () -> ()
    } else {
    }
    %eq3A = arith.constant 15 : i32
    %eq3A_3 = arith.cmpi eq, %arg1, %eq3A : i32
    %convert_element_type3A_4 = arith.extui %eq3A_3 : i1 to i32
    %cond3A_5 = arith.constant 0 : i32
    %cond3A_6 = arith.cmpi ne, %convert_element_type3A_4, %cond3A_5 : i32
    scf.if %cond3A_6 {
      "tpu.region"() ({
        %run_scoped3A = tpu.sem_alloc : memref<!tpu.dma_semaphore, #tpu.memory_space<semaphore_mem>>
        %dma_start3A = arith.constant 9480 : i32
        %dma_start3A_28 = arith.constant 0 : i32
        %dma_start3A_29 = tpu.memref_slice %arg9[%dma_start3A, %dma_start3A_28] : memref<10016x128xf32, #tpu.memory_space<vmem_shared>> -> memref<520x128xf32, #tpu.memory_space<vmem_shared>>
        %dma_start3A_30 = arith.constant 9480 : i32
        %dma_start3A_31 = arith.constant 0 : i32
        %dma_start3A_32 = tpu.memref_slice %arg3[%dma_start3A_30, %dma_start3A_31] : memref<10000x128xf32, #tpu.memory_space<hbm>> -> memref<520x128xf32, #tpu.memory_space<hbm>>
        tpu.enqueue_dma source(%dma_start3A_32 : memref<520x128xf32, #tpu.memory_space<hbm>>) target(%dma_start3A_29 : memref<520x128xf32, #tpu.memory_space<vmem_shared>>) target_semaphore(%run_scoped3A : memref<!tpu.dma_semaphore, #tpu.memory_space<semaphore_mem>>)
        %dma_wait3A = arith.constant 9480 : i32
        %dma_wait3A_33 = arith.constant 0 : i32
        %dma_wait3A_34 = tpu.memref_slice %arg9[%dma_wait3A, %dma_wait3A_33] : memref<10016x128xf32, #tpu.memory_space<vmem_shared>> -> memref<520x128xf32, #tpu.memory_space<vmem_shared>>
        %dma_wait3A_35 = arith.constant 9480 : i32
        %dma_wait3A_36 = arith.constant 0 : i32
        %dma_wait3A_37 = tpu.memref_slice %arg3[%dma_wait3A_35, %dma_wait3A_36] : memref<10000x128xf32, #tpu.memory_space<hbm>> -> memref<520x128xf32, #tpu.memory_space<hbm>>
        tpu.wait_dma2 semaphore(%run_scoped3A : memref<!tpu.dma_semaphore, #tpu.memory_space<semaphore_mem>>) src(%dma_wait3A_37 : memref<520x128xf32, #tpu.memory_space<hbm>>) dst(%dma_wait3A_34 : memref<520x128xf32, #tpu.memory_space<vmem_shared>>)
        tpu.yield
      }) : () -> ()
    } else {
    }
    %eq3A_7 = arith.constant 0 : i32
    %eq3A_8 = arith.cmpi eq, %arg1, %eq3A_7 : i32
    %convert_element_type3A_9 = arith.extui %eq3A_8 : i1 to i32
    %cond3A_10 = arith.constant 0 : i32
    %cond3A_11 = arith.cmpi ne, %convert_element_type3A_9, %cond3A_10 : i32
    scf.if %cond3A_11 {
      "tpu.region"() ({
        %run_scoped3A = tpu.sem_alloc : memref<!tpu.dma_semaphore, #tpu.memory_space<semaphore_mem>>
        %dma_start3A = arith.constant 10000 : i32
        %dma_start3A_28 = arith.constant 0 : i32
        %dma_start3A_29 = tpu.memref_slice %arg9[%dma_start3A, %dma_start3A_28] : memref<10016x128xf32, #tpu.memory_space<vmem_shared>> -> memref<16x128xf32, #tpu.memory_space<vmem_shared>>
        %dma_start3A_30 = arith.constant 0 : i32
        %dma_start3A_31 = arith.constant 0 : i32
        %dma_start3A_32 = tpu.memref_slice %arg3[%dma_start3A_30, %dma_start3A_31] : memref<10000x128xf32, #tpu.memory_space<hbm>> -> memref<16x128xf32, #tpu.memory_space<hbm>>
        tpu.enqueue_dma source(%dma_start3A_32 : memref<16x128xf32, #tpu.memory_space<hbm>>) target(%dma_start3A_29 : memref<16x128xf32, #tpu.memory_space<vmem_shared>>) target_semaphore(%run_scoped3A : memref<!tpu.dma_semaphore, #tpu.memory_space<semaphore_mem>>)
        %dma_wait3A = arith.constant 10000 : i32
        %dma_wait3A_33 = arith.constant 0 : i32
        %dma_wait3A_34 = tpu.memref_slice %arg9[%dma_wait3A, %dma_wait3A_33] : memref<10016x128xf32, #tpu.memory_space<vmem_shared>> -> memref<16x128xf32, #tpu.memory_space<vmem_shared>>
        %dma_wait3A_35 = arith.constant 0 : i32
        %dma_wait3A_36 = arith.constant 0 : i32
        %dma_wait3A_37 = tpu.memref_slice %arg3[%dma_wait3A_35, %dma_wait3A_36] : memref<10000x128xf32, #tpu.memory_space<hbm>> -> memref<16x128xf32, #tpu.memory_space<hbm>>
        tpu.wait_dma2 semaphore(%run_scoped3A : memref<!tpu.dma_semaphore, #tpu.memory_space<semaphore_mem>>) src(%dma_wait3A_37 : memref<16x128xf32, #tpu.memory_space<hbm>>) dst(%dma_wait3A_34 : memref<16x128xf32, #tpu.memory_space<vmem_shared>>)
        tpu.yield
      }) : () -> ()
    } else {
    }
    %barrier3A = arith.constant 0 : index
    tpu.barrier barrier_id(%barrier3A)
    %scan3A = arith.constant 0 : i32
    %scan3A_12 = arith.constant 0 : i32
    %scan3A_13 = arith.constant 79 : i32
    %scan3A_14 = arith.addi %scan3A_12, %scan3A_13 : i32
    %scan3A_15 = arith.constant 1 : i32
    scf.for %scan3A_28 = %scan3A_12 to %scan3A_14 step %scan3A_15  : i32 {
      "tpu.region"() ({
        %run_scoped3A = tpu.sem_alloc : memref<!tpu.dma_semaphore, #tpu.memory_space<semaphore_mem>>
        %dma_start3A = arith.constant 0 : i32
        %dma_start3A_29 = tpu.memref_slice %arg7[%scan3A_28, %dma_start3A] : memref<80x128xi32, #tpu.memory_space<vmem>> -> memref<1x128xi32, #tpu.memory_space<vmem>>
        %dma_start3A_30 = tpu.memref_squeeze %dma_start3A_29 : memref<1x128xi32, #tpu.memory_space<vmem>> -> memref<128xi32, #tpu.memory_space<vmem>>
        %dma_start3A_31 = arith.constant 0 : i32
        %dma_start3A_32 = arith.constant 0 : i32
        %dma_start3A_33 = tpu.memref_slice %arg9[%dma_start3A_31, %dma_start3A_32] : memref<10016x128xf32, #tpu.memory_space<vmem_shared>> -> memref<10016x128xf32, #tpu.memory_space<vmem_shared>>
        tpu.enqueue_indirect_dma source(%arg8 : memref<128x128xf32, #tpu.memory_space<vmem>>) target(%dma_start3A_33 : memref<10016x128xf32, #tpu.memory_space<vmem_shared>>) offsets(%dma_start3A_30 : memref<128xi32, #tpu.memory_space<vmem>>) semaphore(%run_scoped3A : memref<!tpu.dma_semaphore, #tpu.memory_space<semaphore_mem>>) {add = true}
        %dma_wait3A = arith.constant 0 : i32
        %dma_wait3A_34 = tpu.memref_slice %arg7[%scan3A_28, %dma_wait3A] : memref<80x128xi32, #tpu.memory_space<vmem>> -> memref<1x128xi32, #tpu.memory_space<vmem>>
        %dma_wait3A_35 = tpu.memref_squeeze %dma_wait3A_34 : memref<1x128xi32, #tpu.memory_space<vmem>> -> memref<128xi32, #tpu.memory_space<vmem>>
        %dma_wait3A_36 = arith.constant 0 : i32
        %dma_wait3A_37 = arith.constant 0 : i32
        %dma_wait3A_38 = tpu.memref_slice %arg9[%dma_wait3A_36, %dma_wait3A_37] : memref<10016x128xf32, #tpu.memory_space<vmem_shared>> -> memref<10016x128xf32, #tpu.memory_space<vmem_shared>>
        tpu.wait_indirect_dma semaphore(%run_scoped3A : memref<!tpu.dma_semaphore, #tpu.memory_space<semaphore_mem>>) src(%arg8 : memref<128x128xf32, #tpu.memory_space<vmem>>) dst(%dma_wait3A_38 : memref<10016x128xf32, #tpu.memory_space<vmem_shared>>)
        tpu.yield
      }) : () -> ()
    }
    %scan3A_16 = arith.constant 79 : i32
    %barrier3A_17 = arith.constant 0 : index
    tpu.barrier barrier_id(%barrier3A_17)
    %eq3A_18 = arith.constant 0 : i32
    %eq3A_19 = arith.cmpi eq, %arg0, %eq3A_18 : i32
    %convert_element_type3A_20 = arith.extui %eq3A_19 : i1 to i32
    %cond3A_21 = arith.constant 0 : i32
    %cond3A_22 = arith.cmpi ne, %convert_element_type3A_20, %cond3A_21 : i32
    scf.if %cond3A_22 {
      %lt3A_28 = arith.constant 15 : i32
      %lt3A_29 = arith.cmpi slt, %arg1, %lt3A_28 : i32
      %convert_element_type3A_30 = arith.extui %lt3A_29 : i1 to i32
      %cond3A_31 = arith.constant 0 : i32
      %cond3A_32 = arith.cmpi ne, %convert_element_type3A_30, %cond3A_31 : i32
      scf.if %cond3A_32 {
        %mul3A_38 = arith.constant 632 : i32
        %mul3A_39 = arith.muli %arg1, %mul3A_38 : i32
        "tpu.region"() ({
          %run_scoped3A = tpu.sem_alloc : memref<!tpu.dma_semaphore, #tpu.memory_space<semaphore_mem>>
          %dma_start3A = arith.constant 0 : i32
          %dma_start3A_40 = tpu.memref_slice %arg5[%mul3A_39, %dma_start3A] : memref<10000x128xf32, #tpu.memory_space<hbm>> -> memref<632x128xf32, #tpu.memory_space<hbm>>
          %dma_start3A_41 = arith.constant 0 : i32
          %dma_start3A_42 = tpu.memref_slice %arg9[%mul3A_39, %dma_start3A_41] : memref<10016x128xf32, #tpu.memory_space<vmem_shared>> -> memref<632x128xf32, #tpu.memory_space<vmem_shared>>
          tpu.enqueue_dma source(%dma_start3A_42 : memref<632x128xf32, #tpu.memory_space<vmem_shared>>) target(%dma_start3A_40 : memref<632x128xf32, #tpu.memory_space<hbm>>) target_semaphore(%run_scoped3A : memref<!tpu.dma_semaphore, #tpu.memory_space<semaphore_mem>>)
          %dma_wait3A = arith.constant 0 : i32
          %dma_wait3A_43 = tpu.memref_slice %arg5[%mul3A_39, %dma_wait3A] : memref<10000x128xf32, #tpu.memory_space<hbm>> -> memref<632x128xf32, #tpu.memory_space<hbm>>
          %dma_wait3A_44 = arith.constant 0 : i32
          %dma_wait3A_45 = tpu.memref_slice %arg9[%mul3A_39, %dma_wait3A_44] : memref<10016x128xf32, #tpu.memory_space<vmem_shared>> -> memref<632x128xf32, #tpu.memory_space<vmem_shared>>
          tpu.wait_dma2 semaphore(%run_scoped3A : memref<!tpu.dma_semaphore, #tpu.memory_space<semaphore_mem>>) src(%dma_wait3A_45 : memref<632x128xf32, #tpu.memory_space<vmem_shared>>) dst(%dma_wait3A_43 : memref<632x128xf32, #tpu.memory_space<hbm>>)
          tpu.yield
        }) : () -> ()
      } else {
      }
      %eq3A_33 = arith.constant 15 : i32
      %eq3A_34 = arith.cmpi eq, %arg1, %eq3A_33 : i32
      %convert_element_type3A_35 = arith.extui %eq3A_34 : i1 to i32
      %cond3A_36 = arith.constant 0 : i32
      %cond3A_37 = arith.cmpi ne, %convert_element_type3A_35, %cond3A_36 : i32
      scf.if %cond3A_37 {
        "tpu.region"() ({
          %run_scoped3A = tpu.sem_alloc : memref<!tpu.dma_semaphore, #tpu.memory_space<semaphore_mem>>
          %dma_start3A = arith.constant 9480 : i32
          %dma_start3A_38 = arith.constant 0 : i32
          %dma_start3A_39 = tpu.memref_slice %arg5[%dma_start3A, %dma_start3A_38] : memref<10000x128xf32, #tpu.memory_space<hbm>> -> memref<520x128xf32, #tpu.memory_space<hbm>>
          %dma_start3A_40 = arith.constant 9480 : i32
          %dma_start3A_41 = arith.constant 0 : i32
          %dma_start3A_42 = tpu.memref_slice %arg9[%dma_start3A_40, %dma_start3A_41] : memref<10016x128xf32, #tpu.memory_space<vmem_shared>> -> memref<520x128xf32, #tpu.memory_space<vmem_shared>>
          tpu.enqueue_dma source(%dma_start3A_42 : memref<520x128xf32, #tpu.memory_space<vmem_shared>>) target(%dma_start3A_39 : memref<520x128xf32, #tpu.memory_space<hbm>>) target_semaphore(%run_scoped3A : memref<!tpu.dma_semaphore, #tpu.memory_space<semaphore_mem>>)
          %dma_wait3A = arith.constant 9480 : i32
          %dma_wait3A_43 = arith.constant 0 : i32
          %dma_wait3A_44 = tpu.memref_slice %arg5[%dma_wait3A, %dma_wait3A_43] : memref<10000x128xf32, #tpu.memory_space<hbm>> -> memref<520x128xf32, #tpu.memory_space<hbm>>
          %dma_wait3A_45 = arith.constant 9480 : i32
          %dma_wait3A_46 = arith.constant 0 : i32
          %dma_wait3A_47 = tpu.memref_slice %arg9[%dma_wait3A_45, %dma_wait3A_46] : memref<10016x128xf32, #tpu.memory_space<vmem_shared>> -> memref<520x128xf32, #tpu.memory_space<vmem_shared>>
          tpu.wait_dma2 semaphore(%run_scoped3A : memref<!tpu.dma_semaphore, #tpu.memory_space<semaphore_mem>>) src(%dma_wait3A_47 : memref<520x128xf32, #tpu.memory_space<vmem_shared>>) dst(%dma_wait3A_44 : memref<520x128xf32, #tpu.memory_space<hbm>>)
          tpu.yield
        }) : () -> ()
      } else {
      }
    } else {
    }
    %eq3A_23 = arith.constant 1 : i32
    %eq3A_24 = arith.cmpi eq, %arg0, %eq3A_23 : i32
    %convert_element_type3A_25 = arith.extui %eq3A_24 : i1 to i32
    %cond3A_26 = arith.constant 0 : i32
    %cond3A_27 = arith.cmpi ne, %convert_element_type3A_25, %cond3A_26 : i32
    scf.if %cond3A_27 {
      %lt3A_28 = arith.constant 15 : i32
      %lt3A_29 = arith.cmpi slt, %arg1, %lt3A_28 : i32
      %convert_element_type3A_30 = arith.extui %lt3A_29 : i1 to i32
      %cond3A_31 = arith.constant 0 : i32
      %cond3A_32 = arith.cmpi ne, %convert_element_type3A_30, %cond3A_31 : i32
      scf.if %cond3A_32 {
        %mul3A_38 = arith.constant 632 : i32
        %mul3A_39 = arith.muli %arg1, %mul3A_38 : i32
        "tpu.region"() ({
          %run_scoped3A = tpu.sem_alloc : memref<!tpu.dma_semaphore, #tpu.memory_space<semaphore_mem>>
          %dma_start3A = arith.constant 0 : i32
          %dma_start3A_40 = tpu.memref_slice %arg6[%mul3A_39, %dma_start3A] : memref<10000x128xf32, #tpu.memory_space<hbm>> -> memref<632x128xf32, #tpu.memory_space<hbm>>
          %dma_start3A_41 = arith.constant 0 : i32
          %dma_start3A_42 = tpu.memref_slice %arg9[%mul3A_39, %dma_start3A_41] : memref<10016x128xf32, #tpu.memory_space<vmem_shared>> -> memref<632x128xf32, #tpu.memory_space<vmem_shared>>
          tpu.enqueue_dma source(%dma_start3A_42 : memref<632x128xf32, #tpu.memory_space<vmem_shared>>) target(%dma_start3A_40 : memref<632x128xf32, #tpu.memory_space<hbm>>) target_semaphore(%run_scoped3A : memref<!tpu.dma_semaphore, #tpu.memory_space<semaphore_mem>>)
          %dma_wait3A = arith.constant 0 : i32
          %dma_wait3A_43 = tpu.memref_slice %arg6[%mul3A_39, %dma_wait3A] : memref<10000x128xf32, #tpu.memory_space<hbm>> -> memref<632x128xf32, #tpu.memory_space<hbm>>
          %dma_wait3A_44 = arith.constant 0 : i32
          %dma_wait3A_45 = tpu.memref_slice %arg9[%mul3A_39, %dma_wait3A_44] : memref<10016x128xf32, #tpu.memory_space<vmem_shared>> -> memref<632x128xf32, #tpu.memory_space<vmem_shared>>
          tpu.wait_dma2 semaphore(%run_scoped3A : memref<!tpu.dma_semaphore, #tpu.memory_space<semaphore_mem>>) src(%dma_wait3A_45 : memref<632x128xf32, #tpu.memory_space<vmem_shared>>) dst(%dma_wait3A_43 : memref<632x128xf32, #tpu.memory_space<hbm>>)
          tpu.yield
        }) : () -> ()
      } else {
      }
      %eq3A_33 = arith.constant 15 : i32
      %eq3A_34 = arith.cmpi eq, %arg1, %eq3A_33 : i32
      %convert_element_type3A_35 = arith.extui %eq3A_34 : i1 to i32
      %cond3A_36 = arith.constant 0 : i32
      %cond3A_37 = arith.cmpi ne, %convert_element_type3A_35, %cond3A_36 : i32
      scf.if %cond3A_37 {
        "tpu.region"() ({
          %run_scoped3A = tpu.sem_alloc : memref<!tpu.dma_semaphore, #tpu.memory_space<semaphore_mem>>
          %dma_start3A = arith.constant 9480 : i32
          %dma_start3A_38 = arith.constant 0 : i32
          %dma_start3A_39 = tpu.memref_slice %arg6[%dma_start3A, %dma_start3A_38] : memref<10000x128xf32, #tpu.memory_space<hbm>> -> memref<520x128xf32, #tpu.memory_space<hbm>>
          %dma_start3A_40 = arith.constant 9480 : i32
          %dma_start3A_41 = arith.constant 0 : i32
          %dma_start3A_42 = tpu.memref_slice %arg9[%dma_start3A_40, %dma_start3A_41] : memref<10016x128xf32, #tpu.memory_space<vmem_shared>> -> memref<520x128xf32, #tpu.memory_space<vmem_shared>>
          tpu.enqueue_dma source(%dma_start3A_42 : memref<520x128xf32, #tpu.memory_space<vmem_shared>>) target(%dma_start3A_39 : memref<520x128xf32, #tpu.memory_space<hbm>>) target_semaphore(%run_scoped3A : memref<!tpu.dma_semaphore, #tpu.memory_space<semaphore_mem>>)
          %dma_wait3A = arith.constant 9480 : i32
          %dma_wait3A_43 = arith.constant 0 : i32
          %dma_wait3A_44 = tpu.memref_slice %arg6[%dma_wait3A, %dma_wait3A_43] : memref<10000x128xf32, #tpu.memory_space<hbm>> -> memref<520x128xf32, #tpu.memory_space<hbm>>
          %dma_wait3A_45 = arith.constant 9480 : i32
          %dma_wait3A_46 = arith.constant 0 : i32
          %dma_wait3A_47 = tpu.memref_slice %arg9[%dma_wait3A_45, %dma_wait3A_46] : memref<10016x128xf32, #tpu.memory_space<vmem_shared>> -> memref<520x128xf32, #tpu.memory_space<vmem_shared>>
          tpu.wait_dma2 semaphore(%run_scoped3A : memref<!tpu.dma_semaphore, #tpu.memory_space<semaphore_mem>>) src(%dma_wait3A_47 : memref<520x128xf32, #tpu.memory_space<vmem_shared>>) dst(%dma_wait3A_44 : memref<520x128xf32, #tpu.memory_space<hbm>>)
          tpu.yield
        }) : () -> ()
      } else {
      }
    } else {
    }
    return
  }
}

#map = affine_map<(d0, d1) -> (0, 0)>
#map1 = affine_map<(d0, d1) -> (0, 0, 0)>
module attributes {stable_mosaic.version = 14 : i64} {
  func.func @_edge_body(%arg0: i32, %arg1: i32, %arg2: memref<10000x128xf32, #tpu.memory_space<hbm>>, %arg3: memref<10000x128xf32, #tpu.memory_space<hbm>>, %arg4: memref<32x94x128xi32, #tpu.memory_space<hbm>>, %arg5: memref<32x94x128xi32, #tpu.memory_space<hbm>>, %arg6: memref<10000x128xf32, #tpu.memory_space<hbm>>, %arg7: memref<10000x128xf32, #tpu.memory_space<hbm>>, %arg8: memref<94x128xi32, #tpu.memory_space<vmem>>, %arg9: memref<94x128xi32, #tpu.memory_space<vmem>>, %arg10: memref<128x128xf32, #tpu.memory_space<vmem>>, %arg11: memref<10016x128xf32, #tpu.memory_space<vmem_shared>>, %arg12: memref<!tpu.dma_semaphore, #tpu.memory_space<semaphore_mem>>) attributes {dimension_semantics = [#tpu.dimension_semantics<core_parallel>, #tpu.dimension_semantics<subcore_parallel>], iteration_bounds = array<i64: 2, 16>, scalar_prefetch = 0 : i64, scratch_operands = 5 : i64, tpu.core_type = #tpu.core_type<sc_vector_subcore>, window_params = [{transform_indices = #map}, {transform_indices = #map}, {transform_indices = #map1}, {transform_indices = #map1}, {transform_indices = #map}, {transform_indices = #map}]} {
    %mul3A = arith.constant 16 : i32
    %mul3A_0 = arith.muli %arg0, %mul3A : i32
    %add3A = arith.addi %mul3A_0, %arg1 : i32
    %eq3A = arith.constant 0 : i32
    %eq3A_1 = arith.cmpi eq, %arg0, %eq3A : i32
    %convert_element_type3A = arith.extui %eq3A_1 : i1 to i32
    %cond3A = arith.constant 0 : i32
    %cond3A_2 = arith.cmpi ne, %convert_element_type3A, %cond3A : i32
    scf.if %cond3A_2 {
      %lt3A = arith.constant 15 : i32
      %lt3A_34 = arith.cmpi slt, %arg1, %lt3A : i32
      %convert_element_type3A_35 = arith.extui %lt3A_34 : i1 to i32
      %cond3A_36 = arith.constant 0 : i32
      %cond3A_37 = arith.cmpi ne, %convert_element_type3A_35, %cond3A_36 : i32
      scf.if %cond3A_37 {
        %mul3A_43 = arith.constant 632 : i32
        %mul3A_44 = arith.muli %arg1, %mul3A_43 : i32
        "tpu.region"() ({
          %run_scoped3A = tpu.sem_alloc : memref<!tpu.dma_semaphore, #tpu.memory_space<semaphore_mem>>
          %dma_start3A = arith.constant 0 : i32
          %dma_start3A_45 = tpu.memref_slice %arg11[%mul3A_44, %dma_start3A] : memref<10016x128xf32, #tpu.memory_space<vmem_shared>> -> memref<632x128xf32, #tpu.memory_space<vmem_shared>>
          %dma_start3A_46 = arith.constant 0 : i32
          %dma_start3A_47 = tpu.memref_slice %arg2[%mul3A_44, %dma_start3A_46] : memref<10000x128xf32, #tpu.memory_space<hbm>> -> memref<632x128xf32, #tpu.memory_space<hbm>>
          tpu.enqueue_dma source(%dma_start3A_47 : memref<632x128xf32, #tpu.memory_space<hbm>>) target(%dma_start3A_45 : memref<632x128xf32, #tpu.memory_space<vmem_shared>>) target_semaphore(%run_scoped3A : memref<!tpu.dma_semaphore, #tpu.memory_space<semaphore_mem>>)
          %dma_wait3A = arith.constant 0 : i32
          %dma_wait3A_48 = tpu.memref_slice %arg11[%mul3A_44, %dma_wait3A] : memref<10016x128xf32, #tpu.memory_space<vmem_shared>> -> memref<632x128xf32, #tpu.memory_space<vmem_shared>>
          %dma_wait3A_49 = arith.constant 0 : i32
          %dma_wait3A_50 = tpu.memref_slice %arg2[%mul3A_44, %dma_wait3A_49] : memref<10000x128xf32, #tpu.memory_space<hbm>> -> memref<632x128xf32, #tpu.memory_space<hbm>>
          tpu.wait_dma2 semaphore(%run_scoped3A : memref<!tpu.dma_semaphore, #tpu.memory_space<semaphore_mem>>) src(%dma_wait3A_50 : memref<632x128xf32, #tpu.memory_space<hbm>>) dst(%dma_wait3A_48 : memref<632x128xf32, #tpu.memory_space<vmem_shared>>)
          tpu.yield
        }) : () -> ()
      } else {
      }
      %eq3A_38 = arith.constant 15 : i32
      %eq3A_39 = arith.cmpi eq, %arg1, %eq3A_38 : i32
      %convert_element_type3A_40 = arith.extui %eq3A_39 : i1 to i32
      %cond3A_41 = arith.constant 0 : i32
      %cond3A_42 = arith.cmpi ne, %convert_element_type3A_40, %cond3A_41 : i32
      scf.if %cond3A_42 {
        "tpu.region"() ({
          %run_scoped3A = tpu.sem_alloc : memref<!tpu.dma_semaphore, #tpu.memory_space<semaphore_mem>>
          %dma_start3A = arith.constant 9480 : i32
          %dma_start3A_43 = arith.constant 0 : i32
          %dma_start3A_44 = tpu.memref_slice %arg11[%dma_start3A, %dma_start3A_43] : memref<10016x128xf32, #tpu.memory_space<vmem_shared>> -> memref<520x128xf32, #tpu.memory_space<vmem_shared>>
          %dma_start3A_45 = arith.constant 9480 : i32
          %dma_start3A_46 = arith.constant 0 : i32
          %dma_start3A_47 = tpu.memref_slice %arg2[%dma_start3A_45, %dma_start3A_46] : memref<10000x128xf32, #tpu.memory_space<hbm>> -> memref<520x128xf32, #tpu.memory_space<hbm>>
          tpu.enqueue_dma source(%dma_start3A_47 : memref<520x128xf32, #tpu.memory_space<hbm>>) target(%dma_start3A_44 : memref<520x128xf32, #tpu.memory_space<vmem_shared>>) target_semaphore(%run_scoped3A : memref<!tpu.dma_semaphore, #tpu.memory_space<semaphore_mem>>)
          %dma_wait3A = arith.constant 9480 : i32
          %dma_wait3A_48 = arith.constant 0 : i32
          %dma_wait3A_49 = tpu.memref_slice %arg11[%dma_wait3A, %dma_wait3A_48] : memref<10016x128xf32, #tpu.memory_space<vmem_shared>> -> memref<520x128xf32, #tpu.memory_space<vmem_shared>>
          %dma_wait3A_50 = arith.constant 9480 : i32
          %dma_wait3A_51 = arith.constant 0 : i32
          %dma_wait3A_52 = tpu.memref_slice %arg2[%dma_wait3A_50, %dma_wait3A_51] : memref<10000x128xf32, #tpu.memory_space<hbm>> -> memref<520x128xf32, #tpu.memory_space<hbm>>
          tpu.wait_dma2 semaphore(%run_scoped3A : memref<!tpu.dma_semaphore, #tpu.memory_space<semaphore_mem>>) src(%dma_wait3A_52 : memref<520x128xf32, #tpu.memory_space<hbm>>) dst(%dma_wait3A_49 : memref<520x128xf32, #tpu.memory_space<vmem_shared>>)
          tpu.yield
        }) : () -> ()
      } else {
      }
    } else {
    }
    %eq3A_3 = arith.constant 1 : i32
    %eq3A_4 = arith.cmpi eq, %arg0, %eq3A_3 : i32
    %convert_element_type3A_5 = arith.extui %eq3A_4 : i1 to i32
    %cond3A_6 = arith.constant 0 : i32
    %cond3A_7 = arith.cmpi ne, %convert_element_type3A_5, %cond3A_6 : i32
    scf.if %cond3A_7 {
      %lt3A = arith.constant 15 : i32
      %lt3A_34 = arith.cmpi slt, %arg1, %lt3A : i32
      %convert_element_type3A_35 = arith.extui %lt3A_34 : i1 to i32
      %cond3A_36 = arith.constant 0 : i32
      %cond3A_37 = arith.cmpi ne, %convert_element_type3A_35, %cond3A_36 : i32
      scf.if %cond3A_37 {
        %mul3A_43 = arith.constant 632 : i32
        %mul3A_44 = arith.muli %arg1, %mul3A_43 : i32
        "tpu.region"() ({
          %run_scoped3A = tpu.sem_alloc : memref<!tpu.dma_semaphore, #tpu.memory_space<semaphore_mem>>
          %dma_start3A = arith.constant 0 : i32
          %dma_start3A_45 = tpu.memref_slice %arg11[%mul3A_44, %dma_start3A] : memref<10016x128xf32, #tpu.memory_space<vmem_shared>> -> memref<632x128xf32, #tpu.memory_space<vmem_shared>>
          %dma_start3A_46 = arith.constant 0 : i32
          %dma_start3A_47 = tpu.memref_slice %arg3[%mul3A_44, %dma_start3A_46] : memref<10000x128xf32, #tpu.memory_space<hbm>> -> memref<632x128xf32, #tpu.memory_space<hbm>>
          tpu.enqueue_dma source(%dma_start3A_47 : memref<632x128xf32, #tpu.memory_space<hbm>>) target(%dma_start3A_45 : memref<632x128xf32, #tpu.memory_space<vmem_shared>>) target_semaphore(%run_scoped3A : memref<!tpu.dma_semaphore, #tpu.memory_space<semaphore_mem>>)
          %dma_wait3A = arith.constant 0 : i32
          %dma_wait3A_48 = tpu.memref_slice %arg11[%mul3A_44, %dma_wait3A] : memref<10016x128xf32, #tpu.memory_space<vmem_shared>> -> memref<632x128xf32, #tpu.memory_space<vmem_shared>>
          %dma_wait3A_49 = arith.constant 0 : i32
          %dma_wait3A_50 = tpu.memref_slice %arg3[%mul3A_44, %dma_wait3A_49] : memref<10000x128xf32, #tpu.memory_space<hbm>> -> memref<632x128xf32, #tpu.memory_space<hbm>>
          tpu.wait_dma2 semaphore(%run_scoped3A : memref<!tpu.dma_semaphore, #tpu.memory_space<semaphore_mem>>) src(%dma_wait3A_50 : memref<632x128xf32, #tpu.memory_space<hbm>>) dst(%dma_wait3A_48 : memref<632x128xf32, #tpu.memory_space<vmem_shared>>)
          tpu.yield
        }) : () -> ()
      } else {
      }
      %eq3A_38 = arith.constant 15 : i32
      %eq3A_39 = arith.cmpi eq, %arg1, %eq3A_38 : i32
      %convert_element_type3A_40 = arith.extui %eq3A_39 : i1 to i32
      %cond3A_41 = arith.constant 0 : i32
      %cond3A_42 = arith.cmpi ne, %convert_element_type3A_40, %cond3A_41 : i32
      scf.if %cond3A_42 {
        "tpu.region"() ({
          %run_scoped3A = tpu.sem_alloc : memref<!tpu.dma_semaphore, #tpu.memory_space<semaphore_mem>>
          %dma_start3A = arith.constant 9480 : i32
          %dma_start3A_43 = arith.constant 0 : i32
          %dma_start3A_44 = tpu.memref_slice %arg11[%dma_start3A, %dma_start3A_43] : memref<10016x128xf32, #tpu.memory_space<vmem_shared>> -> memref<520x128xf32, #tpu.memory_space<vmem_shared>>
          %dma_start3A_45 = arith.constant 9480 : i32
          %dma_start3A_46 = arith.constant 0 : i32
          %dma_start3A_47 = tpu.memref_slice %arg3[%dma_start3A_45, %dma_start3A_46] : memref<10000x128xf32, #tpu.memory_space<hbm>> -> memref<520x128xf32, #tpu.memory_space<hbm>>
          tpu.enqueue_dma source(%dma_start3A_47 : memref<520x128xf32, #tpu.memory_space<hbm>>) target(%dma_start3A_44 : memref<520x128xf32, #tpu.memory_space<vmem_shared>>) target_semaphore(%run_scoped3A : memref<!tpu.dma_semaphore, #tpu.memory_space<semaphore_mem>>)
          %dma_wait3A = arith.constant 9480 : i32
          %dma_wait3A_48 = arith.constant 0 : i32
          %dma_wait3A_49 = tpu.memref_slice %arg11[%dma_wait3A, %dma_wait3A_48] : memref<10016x128xf32, #tpu.memory_space<vmem_shared>> -> memref<520x128xf32, #tpu.memory_space<vmem_shared>>
          %dma_wait3A_50 = arith.constant 9480 : i32
          %dma_wait3A_51 = arith.constant 0 : i32
          %dma_wait3A_52 = tpu.memref_slice %arg3[%dma_wait3A_50, %dma_wait3A_51] : memref<10000x128xf32, #tpu.memory_space<hbm>> -> memref<520x128xf32, #tpu.memory_space<hbm>>
          tpu.wait_dma2 semaphore(%run_scoped3A : memref<!tpu.dma_semaphore, #tpu.memory_space<semaphore_mem>>) src(%dma_wait3A_52 : memref<520x128xf32, #tpu.memory_space<hbm>>) dst(%dma_wait3A_49 : memref<520x128xf32, #tpu.memory_space<vmem_shared>>)
          tpu.yield
        }) : () -> ()
      } else {
      }
    } else {
    }
    %eq3A_8 = arith.constant 0 : i32
    %eq3A_9 = arith.cmpi eq, %arg1, %eq3A_8 : i32
    %convert_element_type3A_10 = arith.extui %eq3A_9 : i1 to i32
    %cond3A_11 = arith.constant 0 : i32
    %cond3A_12 = arith.cmpi ne, %convert_element_type3A_10, %cond3A_11 : i32
    scf.if %cond3A_12 {
      "tpu.region"() ({
        %run_scoped3A = tpu.sem_alloc : memref<!tpu.dma_semaphore, #tpu.memory_space<semaphore_mem>>
        %dma_start3A = arith.constant 10000 : i32
        %dma_start3A_34 = arith.constant 0 : i32
        %dma_start3A_35 = tpu.memref_slice %arg11[%dma_start3A, %dma_start3A_34] : memref<10016x128xf32, #tpu.memory_space<vmem_shared>> -> memref<16x128xf32, #tpu.memory_space<vmem_shared>>
        %dma_start3A_36 = arith.constant 0 : i32
        %dma_start3A_37 = arith.constant 0 : i32
        %dma_start3A_38 = tpu.memref_slice %arg3[%dma_start3A_36, %dma_start3A_37] : memref<10000x128xf32, #tpu.memory_space<hbm>> -> memref<16x128xf32, #tpu.memory_space<hbm>>
        tpu.enqueue_dma source(%dma_start3A_38 : memref<16x128xf32, #tpu.memory_space<hbm>>) target(%dma_start3A_35 : memref<16x128xf32, #tpu.memory_space<vmem_shared>>) target_semaphore(%run_scoped3A : memref<!tpu.dma_semaphore, #tpu.memory_space<semaphore_mem>>)
        %dma_wait3A = arith.constant 10000 : i32
        %dma_wait3A_39 = arith.constant 0 : i32
        %dma_wait3A_40 = tpu.memref_slice %arg11[%dma_wait3A, %dma_wait3A_39] : memref<10016x128xf32, #tpu.memory_space<vmem_shared>> -> memref<16x128xf32, #tpu.memory_space<vmem_shared>>
        %dma_wait3A_41 = arith.constant 0 : i32
        %dma_wait3A_42 = arith.constant 0 : i32
        %dma_wait3A_43 = tpu.memref_slice %arg3[%dma_wait3A_41, %dma_wait3A_42] : memref<10000x128xf32, #tpu.memory_space<hbm>> -> memref<16x128xf32, #tpu.memory_space<hbm>>
        tpu.wait_dma2 semaphore(%run_scoped3A : memref<!tpu.dma_semaphore, #tpu.memory_space<semaphore_mem>>) src(%dma_wait3A_43 : memref<16x128xf32, #tpu.memory_space<hbm>>) dst(%dma_wait3A_40 : memref<16x128xf32, #tpu.memory_space<vmem_shared>>)
        tpu.yield
      }) : () -> ()
    } else {
    }
    %barrier3A = arith.constant 0 : index
    tpu.barrier barrier_id(%barrier3A)
    "tpu.region"() ({
      %run_scoped3A = tpu.sem_alloc : memref<!tpu.dma_semaphore, #tpu.memory_space<semaphore_mem>>
      %dma_start3A = arith.constant 0 : i32
      %dma_start3A_34 = arith.constant 0 : i32
      %dma_start3A_35 = tpu.memref_slice %arg4[%add3A, %dma_start3A, %dma_start3A_34] : memref<32x94x128xi32, #tpu.memory_space<hbm>> -> memref<1x94x128xi32, #tpu.memory_space<hbm>>
      %dma_start3A_36 = tpu.memref_squeeze %dma_start3A_35 : memref<1x94x128xi32, #tpu.memory_space<hbm>> -> memref<94x128xi32, #tpu.memory_space<hbm>>
      %dma_start3A_37 = arith.constant 0 : i32
      %dma_start3A_38 = arith.constant 0 : i32
      %dma_start3A_39 = tpu.memref_slice %arg4[%add3A, %dma_start3A_37, %dma_start3A_38] : memref<32x94x128xi32, #tpu.memory_space<hbm>> -> memref<1x94x128xi32, #tpu.memory_space<hbm>>
      %dma_start3A_40 = tpu.memref_squeeze %dma_start3A_39 : memref<1x94x128xi32, #tpu.memory_space<hbm>> -> memref<94x128xi32, #tpu.memory_space<hbm>>
      tpu.enqueue_dma source(%dma_start3A_40 : memref<94x128xi32, #tpu.memory_space<hbm>>) target(%arg8 : memref<94x128xi32, #tpu.memory_space<vmem>>) target_semaphore(%run_scoped3A : memref<!tpu.dma_semaphore, #tpu.memory_space<semaphore_mem>>)
      %dma_wait3A = arith.constant 0 : i32
      %dma_wait3A_41 = arith.constant 0 : i32
      %dma_wait3A_42 = tpu.memref_slice %arg4[%add3A, %dma_wait3A, %dma_wait3A_41] : memref<32x94x128xi32, #tpu.memory_space<hbm>> -> memref<1x94x128xi32, #tpu.memory_space<hbm>>
      %dma_wait3A_43 = tpu.memref_squeeze %dma_wait3A_42 : memref<1x94x128xi32, #tpu.memory_space<hbm>> -> memref<94x128xi32, #tpu.memory_space<hbm>>
      %dma_wait3A_44 = arith.constant 0 : i32
      %dma_wait3A_45 = arith.constant 0 : i32
      %dma_wait3A_46 = tpu.memref_slice %arg4[%add3A, %dma_wait3A_44, %dma_wait3A_45] : memref<32x94x128xi32, #tpu.memory_space<hbm>> -> memref<1x94x128xi32, #tpu.memory_space<hbm>>
      %dma_wait3A_47 = tpu.memref_squeeze %dma_wait3A_46 : memref<1x94x128xi32, #tpu.memory_space<hbm>> -> memref<94x128xi32, #tpu.memory_space<hbm>>
      tpu.wait_dma2 semaphore(%run_scoped3A : memref<!tpu.dma_semaphore, #tpu.memory_space<semaphore_mem>>) src(%dma_wait3A_47 : memref<94x128xi32, #tpu.memory_space<hbm>>) dst(%arg8 : memref<94x128xi32, #tpu.memory_space<vmem>>)
      tpu.yield
    }) : () -> ()
    "tpu.region"() ({
      %run_scoped3A = tpu.sem_alloc : memref<!tpu.dma_semaphore, #tpu.memory_space<semaphore_mem>>
      %dma_start3A = arith.constant 0 : i32
      %dma_start3A_34 = arith.constant 0 : i32
      %dma_start3A_35 = tpu.memref_slice %arg5[%add3A, %dma_start3A, %dma_start3A_34] : memref<32x94x128xi32, #tpu.memory_space<hbm>> -> memref<1x94x128xi32, #tpu.memory_space<hbm>>
      %dma_start3A_36 = tpu.memref_squeeze %dma_start3A_35 : memref<1x94x128xi32, #tpu.memory_space<hbm>> -> memref<94x128xi32, #tpu.memory_space<hbm>>
      %dma_start3A_37 = arith.constant 0 : i32
      %dma_start3A_38 = arith.constant 0 : i32
      %dma_start3A_39 = tpu.memref_slice %arg5[%add3A, %dma_start3A_37, %dma_start3A_38] : memref<32x94x128xi32, #tpu.memory_space<hbm>> -> memref<1x94x128xi32, #tpu.memory_space<hbm>>
      %dma_start3A_40 = tpu.memref_squeeze %dma_start3A_39 : memref<1x94x128xi32, #tpu.memory_space<hbm>> -> memref<94x128xi32, #tpu.memory_space<hbm>>
      tpu.enqueue_dma source(%dma_start3A_40 : memref<94x128xi32, #tpu.memory_space<hbm>>) target(%arg9 : memref<94x128xi32, #tpu.memory_space<vmem>>) target_semaphore(%run_scoped3A : memref<!tpu.dma_semaphore, #tpu.memory_space<semaphore_mem>>)
      %dma_wait3A = arith.constant 0 : i32
      %dma_wait3A_41 = arith.constant 0 : i32
      %dma_wait3A_42 = tpu.memref_slice %arg5[%add3A, %dma_wait3A, %dma_wait3A_41] : memref<32x94x128xi32, #tpu.memory_space<hbm>> -> memref<1x94x128xi32, #tpu.memory_space<hbm>>
      %dma_wait3A_43 = tpu.memref_squeeze %dma_wait3A_42 : memref<1x94x128xi32, #tpu.memory_space<hbm>> -> memref<94x128xi32, #tpu.memory_space<hbm>>
      %dma_wait3A_44 = arith.constant 0 : i32
      %dma_wait3A_45 = arith.constant 0 : i32
      %dma_wait3A_46 = tpu.memref_slice %arg5[%add3A, %dma_wait3A_44, %dma_wait3A_45] : memref<32x94x128xi32, #tpu.memory_space<hbm>> -> memref<1x94x128xi32, #tpu.memory_space<hbm>>
      %dma_wait3A_47 = tpu.memref_squeeze %dma_wait3A_46 : memref<1x94x128xi32, #tpu.memory_space<hbm>> -> memref<94x128xi32, #tpu.memory_space<hbm>>
      tpu.wait_dma2 semaphore(%run_scoped3A : memref<!tpu.dma_semaphore, #tpu.memory_space<semaphore_mem>>) src(%dma_wait3A_47 : memref<94x128xi32, #tpu.memory_space<hbm>>) dst(%arg9 : memref<94x128xi32, #tpu.memory_space<vmem>>)
      tpu.yield
    }) : () -> ()
    %eq3A_13 = arith.constant 0 : i32
    %eq3A_14 = arith.cmpi eq, %arg0, %eq3A_13 : i32
    %convert_element_type3A_15 = arith.extui %eq3A_14 : i1 to i32
    %cond3A_16 = arith.constant 0 : i32
    %cond3A_17 = arith.cmpi ne, %convert_element_type3A_15, %cond3A_16 : i32
    scf.if %cond3A_17 {
      %scan3A = arith.constant 0 : i32
      %scan3A_34 = arith.constant 0 : i32
      %scan3A_35 = arith.constant 94 : i32
      %scan3A_36 = arith.addi %scan3A_34, %scan3A_35 : i32
      %scan3A_37 = arith.constant 1 : i32
      scf.for %scan3A_39 = %scan3A_34 to %scan3A_36 step %scan3A_37  : i32 {
        %dma_start3A = arith.constant 0 : i32
        %dma_start3A_40 = tpu.memref_slice %arg8[%scan3A_39, %dma_start3A] : memref<94x128xi32, #tpu.memory_space<vmem>> -> memref<1x128xi32, #tpu.memory_space<vmem>>
        %dma_start3A_41 = tpu.memref_squeeze %dma_start3A_40 : memref<1x128xi32, #tpu.memory_space<vmem>> -> memref<128xi32, #tpu.memory_space<vmem>>
        %dma_start3A_42 = arith.constant 0 : i32
        %dma_start3A_43 = arith.constant 0 : i32
        %dma_start3A_44 = tpu.memref_slice %arg2[%dma_start3A_42, %dma_start3A_43] : memref<10000x128xf32, #tpu.memory_space<hbm>> -> memref<10000x128xf32, #tpu.memory_space<hbm>>
        tpu.enqueue_indirect_dma source(%dma_start3A_44 : memref<10000x128xf32, #tpu.memory_space<hbm>>) target(%arg10 : memref<128x128xf32, #tpu.memory_space<vmem>>) offsets(%dma_start3A_41 : memref<128xi32, #tpu.memory_space<vmem>>) semaphore(%arg12 : memref<!tpu.dma_semaphore, #tpu.memory_space<semaphore_mem>>)
        %dma_wait3A = arith.constant 0 : i32
        %dma_wait3A_45 = tpu.memref_slice %arg8[%scan3A_39, %dma_wait3A] : memref<94x128xi32, #tpu.memory_space<vmem>> -> memref<1x128xi32, #tpu.memory_space<vmem>>
        %dma_wait3A_46 = tpu.memref_squeeze %dma_wait3A_45 : memref<1x128xi32, #tpu.memory_space<vmem>> -> memref<128xi32, #tpu.memory_space<vmem>>
        %dma_wait3A_47 = arith.constant 0 : i32
        %dma_wait3A_48 = arith.constant 0 : i32
        %dma_wait3A_49 = tpu.memref_slice %arg2[%dma_wait3A_47, %dma_wait3A_48] : memref<10000x128xf32, #tpu.memory_space<hbm>> -> memref<10000x128xf32, #tpu.memory_space<hbm>>
        tpu.wait_indirect_dma semaphore(%arg12 : memref<!tpu.dma_semaphore, #tpu.memory_space<semaphore_mem>>) src(%dma_wait3A_49 : memref<10000x128xf32, #tpu.memory_space<hbm>>) dst(%arg10 : memref<128x128xf32, #tpu.memory_space<vmem>>)
        "tpu.region"() ({
          %run_scoped3A = tpu.sem_alloc : memref<!tpu.dma_semaphore, #tpu.memory_space<semaphore_mem>>
          %dma_start3A_50 = arith.constant 0 : i32
          %dma_start3A_51 = tpu.memref_slice %arg9[%scan3A_39, %dma_start3A_50] : memref<94x128xi32, #tpu.memory_space<vmem>> -> memref<1x128xi32, #tpu.memory_space<vmem>>
          %dma_start3A_52 = tpu.memref_squeeze %dma_start3A_51 : memref<1x128xi32, #tpu.memory_space<vmem>> -> memref<128xi32, #tpu.memory_space<vmem>>
          %dma_start3A_53 = arith.constant 0 : i32
          %dma_start3A_54 = arith.constant 0 : i32
          %dma_start3A_55 = tpu.memref_slice %arg11[%dma_start3A_53, %dma_start3A_54] : memref<10016x128xf32, #tpu.memory_space<vmem_shared>> -> memref<10016x128xf32, #tpu.memory_space<vmem_shared>>
          tpu.enqueue_indirect_dma source(%arg10 : memref<128x128xf32, #tpu.memory_space<vmem>>) target(%dma_start3A_55 : memref<10016x128xf32, #tpu.memory_space<vmem_shared>>) offsets(%dma_start3A_52 : memref<128xi32, #tpu.memory_space<vmem>>) semaphore(%run_scoped3A : memref<!tpu.dma_semaphore, #tpu.memory_space<semaphore_mem>>) {add = true}
          %dma_wait3A_56 = arith.constant 0 : i32
          %dma_wait3A_57 = tpu.memref_slice %arg9[%scan3A_39, %dma_wait3A_56] : memref<94x128xi32, #tpu.memory_space<vmem>> -> memref<1x128xi32, #tpu.memory_space<vmem>>
          %dma_wait3A_58 = tpu.memref_squeeze %dma_wait3A_57 : memref<1x128xi32, #tpu.memory_space<vmem>> -> memref<128xi32, #tpu.memory_space<vmem>>
          %dma_wait3A_59 = arith.constant 0 : i32
          %dma_wait3A_60 = arith.constant 0 : i32
          %dma_wait3A_61 = tpu.memref_slice %arg11[%dma_wait3A_59, %dma_wait3A_60] : memref<10016x128xf32, #tpu.memory_space<vmem_shared>> -> memref<10016x128xf32, #tpu.memory_space<vmem_shared>>
          tpu.wait_indirect_dma semaphore(%run_scoped3A : memref<!tpu.dma_semaphore, #tpu.memory_space<semaphore_mem>>) src(%arg10 : memref<128x128xf32, #tpu.memory_space<vmem>>) dst(%dma_wait3A_61 : memref<10016x128xf32, #tpu.memory_space<vmem_shared>>)
          tpu.yield
        }) : () -> ()
      }
      %scan3A_38 = arith.constant 94 : i32
    } else {
    }
    %eq3A_18 = arith.constant 1 : i32
    %eq3A_19 = arith.cmpi eq, %arg0, %eq3A_18 : i32
    %convert_element_type3A_20 = arith.extui %eq3A_19 : i1 to i32
    %cond3A_21 = arith.constant 0 : i32
    %cond3A_22 = arith.cmpi ne, %convert_element_type3A_20, %cond3A_21 : i32
    scf.if %cond3A_22 {
      %scan3A = arith.constant 0 : i32
      %scan3A_34 = arith.constant 0 : i32
      %scan3A_35 = arith.constant 64 : i32
      %scan3A_36 = arith.addi %scan3A_34, %scan3A_35 : i32
      %scan3A_37 = arith.constant 1 : i32
      scf.for %scan3A_39 = %scan3A_34 to %scan3A_36 step %scan3A_37  : i32 {
        %dma_start3A = arith.constant 0 : i32
        %dma_start3A_40 = tpu.memref_slice %arg8[%scan3A_39, %dma_start3A] : memref<94x128xi32, #tpu.memory_space<vmem>> -> memref<1x128xi32, #tpu.memory_space<vmem>>
        %dma_start3A_41 = tpu.memref_squeeze %dma_start3A_40 : memref<1x128xi32, #tpu.memory_space<vmem>> -> memref<128xi32, #tpu.memory_space<vmem>>
        %dma_start3A_42 = arith.constant 0 : i32
        %dma_start3A_43 = arith.constant 0 : i32
        %dma_start3A_44 = tpu.memref_slice %arg2[%dma_start3A_42, %dma_start3A_43] : memref<10000x128xf32, #tpu.memory_space<hbm>> -> memref<10000x128xf32, #tpu.memory_space<hbm>>
        tpu.enqueue_indirect_dma source(%dma_start3A_44 : memref<10000x128xf32, #tpu.memory_space<hbm>>) target(%arg10 : memref<128x128xf32, #tpu.memory_space<vmem>>) offsets(%dma_start3A_41 : memref<128xi32, #tpu.memory_space<vmem>>) semaphore(%arg12 : memref<!tpu.dma_semaphore, #tpu.memory_space<semaphore_mem>>)
        %dma_wait3A = arith.constant 0 : i32
        %dma_wait3A_45 = tpu.memref_slice %arg8[%scan3A_39, %dma_wait3A] : memref<94x128xi32, #tpu.memory_space<vmem>> -> memref<1x128xi32, #tpu.memory_space<vmem>>
        %dma_wait3A_46 = tpu.memref_squeeze %dma_wait3A_45 : memref<1x128xi32, #tpu.memory_space<vmem>> -> memref<128xi32, #tpu.memory_space<vmem>>
        %dma_wait3A_47 = arith.constant 0 : i32
        %dma_wait3A_48 = arith.constant 0 : i32
        %dma_wait3A_49 = tpu.memref_slice %arg2[%dma_wait3A_47, %dma_wait3A_48] : memref<10000x128xf32, #tpu.memory_space<hbm>> -> memref<10000x128xf32, #tpu.memory_space<hbm>>
        tpu.wait_indirect_dma semaphore(%arg12 : memref<!tpu.dma_semaphore, #tpu.memory_space<semaphore_mem>>) src(%dma_wait3A_49 : memref<10000x128xf32, #tpu.memory_space<hbm>>) dst(%arg10 : memref<128x128xf32, #tpu.memory_space<vmem>>)
        "tpu.region"() ({
          %run_scoped3A = tpu.sem_alloc : memref<!tpu.dma_semaphore, #tpu.memory_space<semaphore_mem>>
          %dma_start3A_50 = arith.constant 0 : i32
          %dma_start3A_51 = tpu.memref_slice %arg9[%scan3A_39, %dma_start3A_50] : memref<94x128xi32, #tpu.memory_space<vmem>> -> memref<1x128xi32, #tpu.memory_space<vmem>>
          %dma_start3A_52 = tpu.memref_squeeze %dma_start3A_51 : memref<1x128xi32, #tpu.memory_space<vmem>> -> memref<128xi32, #tpu.memory_space<vmem>>
          %dma_start3A_53 = arith.constant 0 : i32
          %dma_start3A_54 = arith.constant 0 : i32
          %dma_start3A_55 = tpu.memref_slice %arg11[%dma_start3A_53, %dma_start3A_54] : memref<10016x128xf32, #tpu.memory_space<vmem_shared>> -> memref<10016x128xf32, #tpu.memory_space<vmem_shared>>
          tpu.enqueue_indirect_dma source(%arg10 : memref<128x128xf32, #tpu.memory_space<vmem>>) target(%dma_start3A_55 : memref<10016x128xf32, #tpu.memory_space<vmem_shared>>) offsets(%dma_start3A_52 : memref<128xi32, #tpu.memory_space<vmem>>) semaphore(%run_scoped3A : memref<!tpu.dma_semaphore, #tpu.memory_space<semaphore_mem>>) {add = true}
          %dma_wait3A_56 = arith.constant 0 : i32
          %dma_wait3A_57 = tpu.memref_slice %arg9[%scan3A_39, %dma_wait3A_56] : memref<94x128xi32, #tpu.memory_space<vmem>> -> memref<1x128xi32, #tpu.memory_space<vmem>>
          %dma_wait3A_58 = tpu.memref_squeeze %dma_wait3A_57 : memref<1x128xi32, #tpu.memory_space<vmem>> -> memref<128xi32, #tpu.memory_space<vmem>>
          %dma_wait3A_59 = arith.constant 0 : i32
          %dma_wait3A_60 = arith.constant 0 : i32
          %dma_wait3A_61 = tpu.memref_slice %arg11[%dma_wait3A_59, %dma_wait3A_60] : memref<10016x128xf32, #tpu.memory_space<vmem_shared>> -> memref<10016x128xf32, #tpu.memory_space<vmem_shared>>
          tpu.wait_indirect_dma semaphore(%run_scoped3A : memref<!tpu.dma_semaphore, #tpu.memory_space<semaphore_mem>>) src(%arg10 : memref<128x128xf32, #tpu.memory_space<vmem>>) dst(%dma_wait3A_61 : memref<10016x128xf32, #tpu.memory_space<vmem_shared>>)
          tpu.yield
        }) : () -> ()
      }
      %scan3A_38 = arith.constant 64 : i32
    } else {
    }
    %barrier3A_23 = arith.constant 0 : index
    tpu.barrier barrier_id(%barrier3A_23)
    %eq3A_24 = arith.constant 0 : i32
    %eq3A_25 = arith.cmpi eq, %arg0, %eq3A_24 : i32
    %convert_element_type3A_26 = arith.extui %eq3A_25 : i1 to i32
    %cond3A_27 = arith.constant 0 : i32
    %cond3A_28 = arith.cmpi ne, %convert_element_type3A_26, %cond3A_27 : i32
    scf.if %cond3A_28 {
      %lt3A = arith.constant 15 : i32
      %lt3A_34 = arith.cmpi slt, %arg1, %lt3A : i32
      %convert_element_type3A_35 = arith.extui %lt3A_34 : i1 to i32
      %cond3A_36 = arith.constant 0 : i32
      %cond3A_37 = arith.cmpi ne, %convert_element_type3A_35, %cond3A_36 : i32
      scf.if %cond3A_37 {
        %mul3A_43 = arith.constant 632 : i32
        %mul3A_44 = arith.muli %arg1, %mul3A_43 : i32
        "tpu.region"() ({
          %run_scoped3A = tpu.sem_alloc : memref<!tpu.dma_semaphore, #tpu.memory_space<semaphore_mem>>
          %dma_start3A = arith.constant 0 : i32
          %dma_start3A_45 = tpu.memref_slice %arg6[%mul3A_44, %dma_start3A] : memref<10000x128xf32, #tpu.memory_space<hbm>> -> memref<632x128xf32, #tpu.memory_space<hbm>>
          %dma_start3A_46 = arith.constant 0 : i32
          %dma_start3A_47 = tpu.memref_slice %arg11[%mul3A_44, %dma_start3A_46] : memref<10016x128xf32, #tpu.memory_space<vmem_shared>> -> memref<632x128xf32, #tpu.memory_space<vmem_shared>>
          tpu.enqueue_dma source(%dma_start3A_47 : memref<632x128xf32, #tpu.memory_space<vmem_shared>>) target(%dma_start3A_45 : memref<632x128xf32, #tpu.memory_space<hbm>>) target_semaphore(%run_scoped3A : memref<!tpu.dma_semaphore, #tpu.memory_space<semaphore_mem>>)
          %dma_wait3A = arith.constant 0 : i32
          %dma_wait3A_48 = tpu.memref_slice %arg6[%mul3A_44, %dma_wait3A] : memref<10000x128xf32, #tpu.memory_space<hbm>> -> memref<632x128xf32, #tpu.memory_space<hbm>>
          %dma_wait3A_49 = arith.constant 0 : i32
          %dma_wait3A_50 = tpu.memref_slice %arg11[%mul3A_44, %dma_wait3A_49] : memref<10016x128xf32, #tpu.memory_space<vmem_shared>> -> memref<632x128xf32, #tpu.memory_space<vmem_shared>>
          tpu.wait_dma2 semaphore(%run_scoped3A : memref<!tpu.dma_semaphore, #tpu.memory_space<semaphore_mem>>) src(%dma_wait3A_50 : memref<632x128xf32, #tpu.memory_space<vmem_shared>>) dst(%dma_wait3A_48 : memref<632x128xf32, #tpu.memory_space<hbm>>)
          tpu.yield
        }) : () -> ()
      } else {
      }
      %eq3A_38 = arith.constant 15 : i32
      %eq3A_39 = arith.cmpi eq, %arg1, %eq3A_38 : i32
      %convert_element_type3A_40 = arith.extui %eq3A_39 : i1 to i32
      %cond3A_41 = arith.constant 0 : i32
      %cond3A_42 = arith.cmpi ne, %convert_element_type3A_40, %cond3A_41 : i32
      scf.if %cond3A_42 {
        "tpu.region"() ({
          %run_scoped3A = tpu.sem_alloc : memref<!tpu.dma_semaphore, #tpu.memory_space<semaphore_mem>>
          %dma_start3A = arith.constant 9480 : i32
          %dma_start3A_43 = arith.constant 0 : i32
          %dma_start3A_44 = tpu.memref_slice %arg6[%dma_start3A, %dma_start3A_43] : memref<10000x128xf32, #tpu.memory_space<hbm>> -> memref<520x128xf32, #tpu.memory_space<hbm>>
          %dma_start3A_45 = arith.constant 9480 : i32
          %dma_start3A_46 = arith.constant 0 : i32
          %dma_start3A_47 = tpu.memref_slice %arg11[%dma_start3A_45, %dma_start3A_46] : memref<10016x128xf32, #tpu.memory_space<vmem_shared>> -> memref<520x128xf32, #tpu.memory_space<vmem_shared>>
          tpu.enqueue_dma source(%dma_start3A_47 : memref<520x128xf32, #tpu.memory_space<vmem_shared>>) target(%dma_start3A_44 : memref<520x128xf32, #tpu.memory_space<hbm>>) target_semaphore(%run_scoped3A : memref<!tpu.dma_semaphore, #tpu.memory_space<semaphore_mem>>)
          %dma_wait3A = arith.constant 9480 : i32
          %dma_wait3A_48 = arith.constant 0 : i32
          %dma_wait3A_49 = tpu.memref_slice %arg6[%dma_wait3A, %dma_wait3A_48] : memref<10000x128xf32, #tpu.memory_space<hbm>> -> memref<520x128xf32, #tpu.memory_space<hbm>>
          %dma_wait3A_50 = arith.constant 9480 : i32
          %dma_wait3A_51 = arith.constant 0 : i32
          %dma_wait3A_52 = tpu.memref_slice %arg11[%dma_wait3A_50, %dma_wait3A_51] : memref<10016x128xf32, #tpu.memory_space<vmem_shared>> -> memref<520x128xf32, #tpu.memory_space<vmem_shared>>
          tpu.wait_dma2 semaphore(%run_scoped3A : memref<!tpu.dma_semaphore, #tpu.memory_space<semaphore_mem>>) src(%dma_wait3A_52 : memref<520x128xf32, #tpu.memory_space<vmem_shared>>) dst(%dma_wait3A_49 : memref<520x128xf32, #tpu.memory_space<hbm>>)
          tpu.yield
        }) : () -> ()
      } else {
      }
    } else {
    }
    %eq3A_29 = arith.constant 1 : i32
    %eq3A_30 = arith.cmpi eq, %arg0, %eq3A_29 : i32
    %convert_element_type3A_31 = arith.extui %eq3A_30 : i1 to i32
    %cond3A_32 = arith.constant 0 : i32
    %cond3A_33 = arith.cmpi ne, %convert_element_type3A_31, %cond3A_32 : i32
    scf.if %cond3A_33 {
      %lt3A = arith.constant 15 : i32
      %lt3A_34 = arith.cmpi slt, %arg1, %lt3A : i32
      %convert_element_type3A_35 = arith.extui %lt3A_34 : i1 to i32
      %cond3A_36 = arith.constant 0 : i32
      %cond3A_37 = arith.cmpi ne, %convert_element_type3A_35, %cond3A_36 : i32
      scf.if %cond3A_37 {
        %mul3A_43 = arith.constant 632 : i32
        %mul3A_44 = arith.muli %arg1, %mul3A_43 : i32
        "tpu.region"() ({
          %run_scoped3A = tpu.sem_alloc : memref<!tpu.dma_semaphore, #tpu.memory_space<semaphore_mem>>
          %dma_start3A = arith.constant 0 : i32
          %dma_start3A_45 = tpu.memref_slice %arg7[%mul3A_44, %dma_start3A] : memref<10000x128xf32, #tpu.memory_space<hbm>> -> memref<632x128xf32, #tpu.memory_space<hbm>>
          %dma_start3A_46 = arith.constant 0 : i32
          %dma_start3A_47 = tpu.memref_slice %arg11[%mul3A_44, %dma_start3A_46] : memref<10016x128xf32, #tpu.memory_space<vmem_shared>> -> memref<632x128xf32, #tpu.memory_space<vmem_shared>>
          tpu.enqueue_dma source(%dma_start3A_47 : memref<632x128xf32, #tpu.memory_space<vmem_shared>>) target(%dma_start3A_45 : memref<632x128xf32, #tpu.memory_space<hbm>>) target_semaphore(%run_scoped3A : memref<!tpu.dma_semaphore, #tpu.memory_space<semaphore_mem>>)
          %dma_wait3A = arith.constant 0 : i32
          %dma_wait3A_48 = tpu.memref_slice %arg7[%mul3A_44, %dma_wait3A] : memref<10000x128xf32, #tpu.memory_space<hbm>> -> memref<632x128xf32, #tpu.memory_space<hbm>>
          %dma_wait3A_49 = arith.constant 0 : i32
          %dma_wait3A_50 = tpu.memref_slice %arg11[%mul3A_44, %dma_wait3A_49] : memref<10016x128xf32, #tpu.memory_space<vmem_shared>> -> memref<632x128xf32, #tpu.memory_space<vmem_shared>>
          tpu.wait_dma2 semaphore(%run_scoped3A : memref<!tpu.dma_semaphore, #tpu.memory_space<semaphore_mem>>) src(%dma_wait3A_50 : memref<632x128xf32, #tpu.memory_space<vmem_shared>>) dst(%dma_wait3A_48 : memref<632x128xf32, #tpu.memory_space<hbm>>)
          tpu.yield
        }) : () -> ()
      } else {
      }
      %eq3A_38 = arith.constant 15 : i32
      %eq3A_39 = arith.cmpi eq, %arg1, %eq3A_38 : i32
      %convert_element_type3A_40 = arith.extui %eq3A_39 : i1 to i32
      %cond3A_41 = arith.constant 0 : i32
      %cond3A_42 = arith.cmpi ne, %convert_element_type3A_40, %cond3A_41 : i32
      scf.if %cond3A_42 {
        "tpu.region"() ({
          %run_scoped3A = tpu.sem_alloc : memref<!tpu.dma_semaphore, #tpu.memory_space<semaphore_mem>>
          %dma_start3A = arith.constant 9480 : i32
          %dma_start3A_43 = arith.constant 0 : i32
          %dma_start3A_44 = tpu.memref_slice %arg7[%dma_start3A, %dma_start3A_43] : memref<10000x128xf32, #tpu.memory_space<hbm>> -> memref<520x128xf32, #tpu.memory_space<hbm>>
          %dma_start3A_45 = arith.constant 9480 : i32
          %dma_start3A_46 = arith.constant 0 : i32
          %dma_start3A_47 = tpu.memref_slice %arg11[%dma_start3A_45, %dma_start3A_46] : memref<10016x128xf32, #tpu.memory_space<vmem_shared>> -> memref<520x128xf32, #tpu.memory_space<vmem_shared>>
          tpu.enqueue_dma source(%dma_start3A_47 : memref<520x128xf32, #tpu.memory_space<vmem_shared>>) target(%dma_start3A_44 : memref<520x128xf32, #tpu.memory_space<hbm>>) target_semaphore(%run_scoped3A : memref<!tpu.dma_semaphore, #tpu.memory_space<semaphore_mem>>)
          %dma_wait3A = arith.constant 9480 : i32
          %dma_wait3A_48 = arith.constant 0 : i32
          %dma_wait3A_49 = tpu.memref_slice %arg7[%dma_wait3A, %dma_wait3A_48] : memref<10000x128xf32, #tpu.memory_space<hbm>> -> memref<520x128xf32, #tpu.memory_space<hbm>>
          %dma_wait3A_50 = arith.constant 9480 : i32
          %dma_wait3A_51 = arith.constant 0 : i32
          %dma_wait3A_52 = tpu.memref_slice %arg11[%dma_wait3A_50, %dma_wait3A_51] : memref<10016x128xf32, #tpu.memory_space<vmem_shared>> -> memref<520x128xf32, #tpu.memory_space<vmem_shared>>
          tpu.wait_dma2 semaphore(%run_scoped3A : memref<!tpu.dma_semaphore, #tpu.memory_space<semaphore_mem>>) src(%dma_wait3A_52 : memref<520x128xf32, #tpu.memory_space<vmem_shared>>) dst(%dma_wait3A_49 : memref<520x128xf32, #tpu.memory_space<hbm>>)
          tpu.yield
        }) : () -> ()
      } else {
      }
    } else {
    }
    return
  }
}

#map = affine_map<(d0, d1) -> (0, 0)>
#map1 = affine_map<(d0, d1) -> (0, 0, 0)>
module attributes {stable_mosaic.version = 14 : i64} {
  func.func @_edge_body(%arg0: i32, %arg1: i32, %arg2: memref<10000x128xf32, #tpu.memory_space<hbm>>, %arg3: memref<10000x128xf32, #tpu.memory_space<hbm>>, %arg4: memref<32x94x128xi32, #tpu.memory_space<hbm>>, %arg5: memref<32x94x128xi32, #tpu.memory_space<hbm>>, %arg6: memref<10000x128xf32, #tpu.memory_space<hbm>>, %arg7: memref<10000x128xf32, #tpu.memory_space<hbm>>, %arg8: memref<94x128xi32, #tpu.memory_space<vmem>>, %arg9: memref<94x128xi32, #tpu.memory_space<vmem>>, %arg10: memref<128x128xf32, #tpu.memory_space<vmem>>, %arg11: memref<10016x128xf32, #tpu.memory_space<vmem_shared>>, %arg12: memref<!tpu.dma_semaphore, #tpu.memory_space<semaphore_mem>>) attributes {dimension_semantics = [#tpu.dimension_semantics<core_parallel>, #tpu.dimension_semantics<subcore_parallel>], iteration_bounds = array<i64: 2, 16>, scalar_prefetch = 0 : i64, scratch_operands = 5 : i64, tpu.core_type = #tpu.core_type<sc_vector_subcore>, window_params = [{transform_indices = #map}, {transform_indices = #map}, {transform_indices = #map1}, {transform_indices = #map1}, {transform_indices = #map}, {transform_indices = #map}]} {
    %mul3A = arith.constant 16 : i32
    %mul3A_0 = arith.muli %arg0, %mul3A : i32
    %add3A = arith.addi %mul3A_0, %arg1 : i32
    %eq3A = arith.constant 0 : i32
    %eq3A_1 = arith.cmpi eq, %arg0, %eq3A : i32
    %convert_element_type3A = arith.extui %eq3A_1 : i1 to i32
    %cond3A = arith.constant 0 : i32
    %cond3A_2 = arith.cmpi ne, %convert_element_type3A, %cond3A : i32
    scf.if %cond3A_2 {
      %lt3A = arith.constant 15 : i32
      %lt3A_34 = arith.cmpi slt, %arg1, %lt3A : i32
      %convert_element_type3A_35 = arith.extui %lt3A_34 : i1 to i32
      %cond3A_36 = arith.constant 0 : i32
      %cond3A_37 = arith.cmpi ne, %convert_element_type3A_35, %cond3A_36 : i32
      scf.if %cond3A_37 {
        %mul3A_43 = arith.constant 632 : i32
        %mul3A_44 = arith.muli %arg1, %mul3A_43 : i32
        "tpu.region"() ({
          %run_scoped3A = tpu.sem_alloc : memref<!tpu.dma_semaphore, #tpu.memory_space<semaphore_mem>>
          %dma_start3A = arith.constant 0 : i32
          %dma_start3A_45 = tpu.memref_slice %arg11[%mul3A_44, %dma_start3A] : memref<10016x128xf32, #tpu.memory_space<vmem_shared>> -> memref<632x128xf32, #tpu.memory_space<vmem_shared>>
          %dma_start3A_46 = arith.constant 0 : i32
          %dma_start3A_47 = tpu.memref_slice %arg2[%mul3A_44, %dma_start3A_46] : memref<10000x128xf32, #tpu.memory_space<hbm>> -> memref<632x128xf32, #tpu.memory_space<hbm>>
          tpu.enqueue_dma source(%dma_start3A_47 : memref<632x128xf32, #tpu.memory_space<hbm>>) target(%dma_start3A_45 : memref<632x128xf32, #tpu.memory_space<vmem_shared>>) target_semaphore(%run_scoped3A : memref<!tpu.dma_semaphore, #tpu.memory_space<semaphore_mem>>)
          %dma_wait3A = arith.constant 0 : i32
          %dma_wait3A_48 = tpu.memref_slice %arg11[%mul3A_44, %dma_wait3A] : memref<10016x128xf32, #tpu.memory_space<vmem_shared>> -> memref<632x128xf32, #tpu.memory_space<vmem_shared>>
          %dma_wait3A_49 = arith.constant 0 : i32
          %dma_wait3A_50 = tpu.memref_slice %arg2[%mul3A_44, %dma_wait3A_49] : memref<10000x128xf32, #tpu.memory_space<hbm>> -> memref<632x128xf32, #tpu.memory_space<hbm>>
          tpu.wait_dma2 semaphore(%run_scoped3A : memref<!tpu.dma_semaphore, #tpu.memory_space<semaphore_mem>>) src(%dma_wait3A_50 : memref<632x128xf32, #tpu.memory_space<hbm>>) dst(%dma_wait3A_48 : memref<632x128xf32, #tpu.memory_space<vmem_shared>>)
          tpu.yield
        }) : () -> ()
      } else {
      }
      %eq3A_38 = arith.constant 15 : i32
      %eq3A_39 = arith.cmpi eq, %arg1, %eq3A_38 : i32
      %convert_element_type3A_40 = arith.extui %eq3A_39 : i1 to i32
      %cond3A_41 = arith.constant 0 : i32
      %cond3A_42 = arith.cmpi ne, %convert_element_type3A_40, %cond3A_41 : i32
      scf.if %cond3A_42 {
        "tpu.region"() ({
          %run_scoped3A = tpu.sem_alloc : memref<!tpu.dma_semaphore, #tpu.memory_space<semaphore_mem>>
          %dma_start3A = arith.constant 9480 : i32
          %dma_start3A_43 = arith.constant 0 : i32
          %dma_start3A_44 = tpu.memref_slice %arg11[%dma_start3A, %dma_start3A_43] : memref<10016x128xf32, #tpu.memory_space<vmem_shared>> -> memref<520x128xf32, #tpu.memory_space<vmem_shared>>
          %dma_start3A_45 = arith.constant 9480 : i32
          %dma_start3A_46 = arith.constant 0 : i32
          %dma_start3A_47 = tpu.memref_slice %arg2[%dma_start3A_45, %dma_start3A_46] : memref<10000x128xf32, #tpu.memory_space<hbm>> -> memref<520x128xf32, #tpu.memory_space<hbm>>
          tpu.enqueue_dma source(%dma_start3A_47 : memref<520x128xf32, #tpu.memory_space<hbm>>) target(%dma_start3A_44 : memref<520x128xf32, #tpu.memory_space<vmem_shared>>) target_semaphore(%run_scoped3A : memref<!tpu.dma_semaphore, #tpu.memory_space<semaphore_mem>>)
          %dma_wait3A = arith.constant 9480 : i32
          %dma_wait3A_48 = arith.constant 0 : i32
          %dma_wait3A_49 = tpu.memref_slice %arg11[%dma_wait3A, %dma_wait3A_48] : memref<10016x128xf32, #tpu.memory_space<vmem_shared>> -> memref<520x128xf32, #tpu.memory_space<vmem_shared>>
          %dma_wait3A_50 = arith.constant 9480 : i32
          %dma_wait3A_51 = arith.constant 0 : i32
          %dma_wait3A_52 = tpu.memref_slice %arg2[%dma_wait3A_50, %dma_wait3A_51] : memref<10000x128xf32, #tpu.memory_space<hbm>> -> memref<520x128xf32, #tpu.memory_space<hbm>>
          tpu.wait_dma2 semaphore(%run_scoped3A : memref<!tpu.dma_semaphore, #tpu.memory_space<semaphore_mem>>) src(%dma_wait3A_52 : memref<520x128xf32, #tpu.memory_space<hbm>>) dst(%dma_wait3A_49 : memref<520x128xf32, #tpu.memory_space<vmem_shared>>)
          tpu.yield
        }) : () -> ()
      } else {
      }
    } else {
    }
    %eq3A_3 = arith.constant 1 : i32
    %eq3A_4 = arith.cmpi eq, %arg0, %eq3A_3 : i32
    %convert_element_type3A_5 = arith.extui %eq3A_4 : i1 to i32
    %cond3A_6 = arith.constant 0 : i32
    %cond3A_7 = arith.cmpi ne, %convert_element_type3A_5, %cond3A_6 : i32
    scf.if %cond3A_7 {
      %lt3A = arith.constant 15 : i32
      %lt3A_34 = arith.cmpi slt, %arg1, %lt3A : i32
      %convert_element_type3A_35 = arith.extui %lt3A_34 : i1 to i32
      %cond3A_36 = arith.constant 0 : i32
      %cond3A_37 = arith.cmpi ne, %convert_element_type3A_35, %cond3A_36 : i32
      scf.if %cond3A_37 {
        %mul3A_43 = arith.constant 632 : i32
        %mul3A_44 = arith.muli %arg1, %mul3A_43 : i32
        "tpu.region"() ({
          %run_scoped3A = tpu.sem_alloc : memref<!tpu.dma_semaphore, #tpu.memory_space<semaphore_mem>>
          %dma_start3A = arith.constant 0 : i32
          %dma_start3A_45 = tpu.memref_slice %arg11[%mul3A_44, %dma_start3A] : memref<10016x128xf32, #tpu.memory_space<vmem_shared>> -> memref<632x128xf32, #tpu.memory_space<vmem_shared>>
          %dma_start3A_46 = arith.constant 0 : i32
          %dma_start3A_47 = tpu.memref_slice %arg3[%mul3A_44, %dma_start3A_46] : memref<10000x128xf32, #tpu.memory_space<hbm>> -> memref<632x128xf32, #tpu.memory_space<hbm>>
          tpu.enqueue_dma source(%dma_start3A_47 : memref<632x128xf32, #tpu.memory_space<hbm>>) target(%dma_start3A_45 : memref<632x128xf32, #tpu.memory_space<vmem_shared>>) target_semaphore(%run_scoped3A : memref<!tpu.dma_semaphore, #tpu.memory_space<semaphore_mem>>)
          %dma_wait3A = arith.constant 0 : i32
          %dma_wait3A_48 = tpu.memref_slice %arg11[%mul3A_44, %dma_wait3A] : memref<10016x128xf32, #tpu.memory_space<vmem_shared>> -> memref<632x128xf32, #tpu.memory_space<vmem_shared>>
          %dma_wait3A_49 = arith.constant 0 : i32
          %dma_wait3A_50 = tpu.memref_slice %arg3[%mul3A_44, %dma_wait3A_49] : memref<10000x128xf32, #tpu.memory_space<hbm>> -> memref<632x128xf32, #tpu.memory_space<hbm>>
          tpu.wait_dma2 semaphore(%run_scoped3A : memref<!tpu.dma_semaphore, #tpu.memory_space<semaphore_mem>>) src(%dma_wait3A_50 : memref<632x128xf32, #tpu.memory_space<hbm>>) dst(%dma_wait3A_48 : memref<632x128xf32, #tpu.memory_space<vmem_shared>>)
          tpu.yield
        }) : () -> ()
      } else {
      }
      %eq3A_38 = arith.constant 15 : i32
      %eq3A_39 = arith.cmpi eq, %arg1, %eq3A_38 : i32
      %convert_element_type3A_40 = arith.extui %eq3A_39 : i1 to i32
      %cond3A_41 = arith.constant 0 : i32
      %cond3A_42 = arith.cmpi ne, %convert_element_type3A_40, %cond3A_41 : i32
      scf.if %cond3A_42 {
        "tpu.region"() ({
          %run_scoped3A = tpu.sem_alloc : memref<!tpu.dma_semaphore, #tpu.memory_space<semaphore_mem>>
          %dma_start3A = arith.constant 9480 : i32
          %dma_start3A_43 = arith.constant 0 : i32
          %dma_start3A_44 = tpu.memref_slice %arg11[%dma_start3A, %dma_start3A_43] : memref<10016x128xf32, #tpu.memory_space<vmem_shared>> -> memref<520x128xf32, #tpu.memory_space<vmem_shared>>
          %dma_start3A_45 = arith.constant 9480 : i32
          %dma_start3A_46 = arith.constant 0 : i32
          %dma_start3A_47 = tpu.memref_slice %arg3[%dma_start3A_45, %dma_start3A_46] : memref<10000x128xf32, #tpu.memory_space<hbm>> -> memref<520x128xf32, #tpu.memory_space<hbm>>
          tpu.enqueue_dma source(%dma_start3A_47 : memref<520x128xf32, #tpu.memory_space<hbm>>) target(%dma_start3A_44 : memref<520x128xf32, #tpu.memory_space<vmem_shared>>) target_semaphore(%run_scoped3A : memref<!tpu.dma_semaphore, #tpu.memory_space<semaphore_mem>>)
          %dma_wait3A = arith.constant 9480 : i32
          %dma_wait3A_48 = arith.constant 0 : i32
          %dma_wait3A_49 = tpu.memref_slice %arg11[%dma_wait3A, %dma_wait3A_48] : memref<10016x128xf32, #tpu.memory_space<vmem_shared>> -> memref<520x128xf32, #tpu.memory_space<vmem_shared>>
          %dma_wait3A_50 = arith.constant 9480 : i32
          %dma_wait3A_51 = arith.constant 0 : i32
          %dma_wait3A_52 = tpu.memref_slice %arg3[%dma_wait3A_50, %dma_wait3A_51] : memref<10000x128xf32, #tpu.memory_space<hbm>> -> memref<520x128xf32, #tpu.memory_space<hbm>>
          tpu.wait_dma2 semaphore(%run_scoped3A : memref<!tpu.dma_semaphore, #tpu.memory_space<semaphore_mem>>) src(%dma_wait3A_52 : memref<520x128xf32, #tpu.memory_space<hbm>>) dst(%dma_wait3A_49 : memref<520x128xf32, #tpu.memory_space<vmem_shared>>)
          tpu.yield
        }) : () -> ()
      } else {
      }
    } else {
    }
    %eq3A_8 = arith.constant 0 : i32
    %eq3A_9 = arith.cmpi eq, %arg1, %eq3A_8 : i32
    %convert_element_type3A_10 = arith.extui %eq3A_9 : i1 to i32
    %cond3A_11 = arith.constant 0 : i32
    %cond3A_12 = arith.cmpi ne, %convert_element_type3A_10, %cond3A_11 : i32
    scf.if %cond3A_12 {
      "tpu.region"() ({
        %run_scoped3A = tpu.sem_alloc : memref<!tpu.dma_semaphore, #tpu.memory_space<semaphore_mem>>
        %dma_start3A = arith.constant 10000 : i32
        %dma_start3A_34 = arith.constant 0 : i32
        %dma_start3A_35 = tpu.memref_slice %arg11[%dma_start3A, %dma_start3A_34] : memref<10016x128xf32, #tpu.memory_space<vmem_shared>> -> memref<16x128xf32, #tpu.memory_space<vmem_shared>>
        %dma_start3A_36 = arith.constant 0 : i32
        %dma_start3A_37 = arith.constant 0 : i32
        %dma_start3A_38 = tpu.memref_slice %arg3[%dma_start3A_36, %dma_start3A_37] : memref<10000x128xf32, #tpu.memory_space<hbm>> -> memref<16x128xf32, #tpu.memory_space<hbm>>
        tpu.enqueue_dma source(%dma_start3A_38 : memref<16x128xf32, #tpu.memory_space<hbm>>) target(%dma_start3A_35 : memref<16x128xf32, #tpu.memory_space<vmem_shared>>) target_semaphore(%run_scoped3A : memref<!tpu.dma_semaphore, #tpu.memory_space<semaphore_mem>>)
        %dma_wait3A = arith.constant 10000 : i32
        %dma_wait3A_39 = arith.constant 0 : i32
        %dma_wait3A_40 = tpu.memref_slice %arg11[%dma_wait3A, %dma_wait3A_39] : memref<10016x128xf32, #tpu.memory_space<vmem_shared>> -> memref<16x128xf32, #tpu.memory_space<vmem_shared>>
        %dma_wait3A_41 = arith.constant 0 : i32
        %dma_wait3A_42 = arith.constant 0 : i32
        %dma_wait3A_43 = tpu.memref_slice %arg3[%dma_wait3A_41, %dma_wait3A_42] : memref<10000x128xf32, #tpu.memory_space<hbm>> -> memref<16x128xf32, #tpu.memory_space<hbm>>
        tpu.wait_dma2 semaphore(%run_scoped3A : memref<!tpu.dma_semaphore, #tpu.memory_space<semaphore_mem>>) src(%dma_wait3A_43 : memref<16x128xf32, #tpu.memory_space<hbm>>) dst(%dma_wait3A_40 : memref<16x128xf32, #tpu.memory_space<vmem_shared>>)
        tpu.yield
      }) : () -> ()
    } else {
    }
    %barrier3A = arith.constant 0 : index
    tpu.barrier barrier_id(%barrier3A)
    "tpu.region"() ({
      %run_scoped3A = tpu.sem_alloc : memref<!tpu.dma_semaphore, #tpu.memory_space<semaphore_mem>>
      %dma_start3A = arith.constant 0 : i32
      %dma_start3A_34 = arith.constant 0 : i32
      %dma_start3A_35 = tpu.memref_slice %arg4[%add3A, %dma_start3A, %dma_start3A_34] : memref<32x94x128xi32, #tpu.memory_space<hbm>> -> memref<1x94x128xi32, #tpu.memory_space<hbm>>
      %dma_start3A_36 = tpu.memref_squeeze %dma_start3A_35 : memref<1x94x128xi32, #tpu.memory_space<hbm>> -> memref<94x128xi32, #tpu.memory_space<hbm>>
      %dma_start3A_37 = arith.constant 0 : i32
      %dma_start3A_38 = arith.constant 0 : i32
      %dma_start3A_39 = tpu.memref_slice %arg4[%add3A, %dma_start3A_37, %dma_start3A_38] : memref<32x94x128xi32, #tpu.memory_space<hbm>> -> memref<1x94x128xi32, #tpu.memory_space<hbm>>
      %dma_start3A_40 = tpu.memref_squeeze %dma_start3A_39 : memref<1x94x128xi32, #tpu.memory_space<hbm>> -> memref<94x128xi32, #tpu.memory_space<hbm>>
      tpu.enqueue_dma source(%dma_start3A_40 : memref<94x128xi32, #tpu.memory_space<hbm>>) target(%arg8 : memref<94x128xi32, #tpu.memory_space<vmem>>) target_semaphore(%run_scoped3A : memref<!tpu.dma_semaphore, #tpu.memory_space<semaphore_mem>>)
      %dma_wait3A = arith.constant 0 : i32
      %dma_wait3A_41 = arith.constant 0 : i32
      %dma_wait3A_42 = tpu.memref_slice %arg4[%add3A, %dma_wait3A, %dma_wait3A_41] : memref<32x94x128xi32, #tpu.memory_space<hbm>> -> memref<1x94x128xi32, #tpu.memory_space<hbm>>
      %dma_wait3A_43 = tpu.memref_squeeze %dma_wait3A_42 : memref<1x94x128xi32, #tpu.memory_space<hbm>> -> memref<94x128xi32, #tpu.memory_space<hbm>>
      %dma_wait3A_44 = arith.constant 0 : i32
      %dma_wait3A_45 = arith.constant 0 : i32
      %dma_wait3A_46 = tpu.memref_slice %arg4[%add3A, %dma_wait3A_44, %dma_wait3A_45] : memref<32x94x128xi32, #tpu.memory_space<hbm>> -> memref<1x94x128xi32, #tpu.memory_space<hbm>>
      %dma_wait3A_47 = tpu.memref_squeeze %dma_wait3A_46 : memref<1x94x128xi32, #tpu.memory_space<hbm>> -> memref<94x128xi32, #tpu.memory_space<hbm>>
      tpu.wait_dma2 semaphore(%run_scoped3A : memref<!tpu.dma_semaphore, #tpu.memory_space<semaphore_mem>>) src(%dma_wait3A_47 : memref<94x128xi32, #tpu.memory_space<hbm>>) dst(%arg8 : memref<94x128xi32, #tpu.memory_space<vmem>>)
      tpu.yield
    }) : () -> ()
    "tpu.region"() ({
      %run_scoped3A = tpu.sem_alloc : memref<!tpu.dma_semaphore, #tpu.memory_space<semaphore_mem>>
      %dma_start3A = arith.constant 0 : i32
      %dma_start3A_34 = arith.constant 0 : i32
      %dma_start3A_35 = tpu.memref_slice %arg5[%add3A, %dma_start3A, %dma_start3A_34] : memref<32x94x128xi32, #tpu.memory_space<hbm>> -> memref<1x94x128xi32, #tpu.memory_space<hbm>>
      %dma_start3A_36 = tpu.memref_squeeze %dma_start3A_35 : memref<1x94x128xi32, #tpu.memory_space<hbm>> -> memref<94x128xi32, #tpu.memory_space<hbm>>
      %dma_start3A_37 = arith.constant 0 : i32
      %dma_start3A_38 = arith.constant 0 : i32
      %dma_start3A_39 = tpu.memref_slice %arg5[%add3A, %dma_start3A_37, %dma_start3A_38] : memref<32x94x128xi32, #tpu.memory_space<hbm>> -> memref<1x94x128xi32, #tpu.memory_space<hbm>>
      %dma_start3A_40 = tpu.memref_squeeze %dma_start3A_39 : memref<1x94x128xi32, #tpu.memory_space<hbm>> -> memref<94x128xi32, #tpu.memory_space<hbm>>
      tpu.enqueue_dma source(%dma_start3A_40 : memref<94x128xi32, #tpu.memory_space<hbm>>) target(%arg9 : memref<94x128xi32, #tpu.memory_space<vmem>>) target_semaphore(%run_scoped3A : memref<!tpu.dma_semaphore, #tpu.memory_space<semaphore_mem>>)
      %dma_wait3A = arith.constant 0 : i32
      %dma_wait3A_41 = arith.constant 0 : i32
      %dma_wait3A_42 = tpu.memref_slice %arg5[%add3A, %dma_wait3A, %dma_wait3A_41] : memref<32x94x128xi32, #tpu.memory_space<hbm>> -> memref<1x94x128xi32, #tpu.memory_space<hbm>>
      %dma_wait3A_43 = tpu.memref_squeeze %dma_wait3A_42 : memref<1x94x128xi32, #tpu.memory_space<hbm>> -> memref<94x128xi32, #tpu.memory_space<hbm>>
      %dma_wait3A_44 = arith.constant 0 : i32
      %dma_wait3A_45 = arith.constant 0 : i32
      %dma_wait3A_46 = tpu.memref_slice %arg5[%add3A, %dma_wait3A_44, %dma_wait3A_45] : memref<32x94x128xi32, #tpu.memory_space<hbm>> -> memref<1x94x128xi32, #tpu.memory_space<hbm>>
      %dma_wait3A_47 = tpu.memref_squeeze %dma_wait3A_46 : memref<1x94x128xi32, #tpu.memory_space<hbm>> -> memref<94x128xi32, #tpu.memory_space<hbm>>
      tpu.wait_dma2 semaphore(%run_scoped3A : memref<!tpu.dma_semaphore, #tpu.memory_space<semaphore_mem>>) src(%dma_wait3A_47 : memref<94x128xi32, #tpu.memory_space<hbm>>) dst(%arg9 : memref<94x128xi32, #tpu.memory_space<vmem>>)
      tpu.yield
    }) : () -> ()
    %eq3A_13 = arith.constant 0 : i32
    %eq3A_14 = arith.cmpi eq, %arg0, %eq3A_13 : i32
    %convert_element_type3A_15 = arith.extui %eq3A_14 : i1 to i32
    %cond3A_16 = arith.constant 0 : i32
    %cond3A_17 = arith.cmpi ne, %convert_element_type3A_15, %cond3A_16 : i32
    scf.if %cond3A_17 {
      %scan3A = arith.constant 0 : i32
      %scan3A_34 = arith.constant 0 : i32
      %scan3A_35 = arith.constant 94 : i32
      %scan3A_36 = arith.addi %scan3A_34, %scan3A_35 : i32
      %scan3A_37 = arith.constant 1 : i32
      scf.for %scan3A_39 = %scan3A_34 to %scan3A_36 step %scan3A_37  : i32 {
        %dma_start3A = arith.constant 0 : i32
        %dma_start3A_40 = tpu.memref_slice %arg8[%scan3A_39, %dma_start3A] : memref<94x128xi32, #tpu.memory_space<vmem>> -> memref<1x128xi32, #tpu.memory_space<vmem>>
        %dma_start3A_41 = tpu.memref_squeeze %dma_start3A_40 : memref<1x128xi32, #tpu.memory_space<vmem>> -> memref<128xi32, #tpu.memory_space<vmem>>
        %dma_start3A_42 = arith.constant 0 : i32
        %dma_start3A_43 = arith.constant 0 : i32
        %dma_start3A_44 = tpu.memref_slice %arg2[%dma_start3A_42, %dma_start3A_43] : memref<10000x128xf32, #tpu.memory_space<hbm>> -> memref<10000x128xf32, #tpu.memory_space<hbm>>
        tpu.enqueue_indirect_dma source(%dma_start3A_44 : memref<10000x128xf32, #tpu.memory_space<hbm>>) target(%arg10 : memref<128x128xf32, #tpu.memory_space<vmem>>) offsets(%dma_start3A_41 : memref<128xi32, #tpu.memory_space<vmem>>) semaphore(%arg12 : memref<!tpu.dma_semaphore, #tpu.memory_space<semaphore_mem>>)
        %dma_wait3A = arith.constant 0 : i32
        %dma_wait3A_45 = tpu.memref_slice %arg8[%scan3A_39, %dma_wait3A] : memref<94x128xi32, #tpu.memory_space<vmem>> -> memref<1x128xi32, #tpu.memory_space<vmem>>
        %dma_wait3A_46 = tpu.memref_squeeze %dma_wait3A_45 : memref<1x128xi32, #tpu.memory_space<vmem>> -> memref<128xi32, #tpu.memory_space<vmem>>
        %dma_wait3A_47 = arith.constant 0 : i32
        %dma_wait3A_48 = arith.constant 0 : i32
        %dma_wait3A_49 = tpu.memref_slice %arg2[%dma_wait3A_47, %dma_wait3A_48] : memref<10000x128xf32, #tpu.memory_space<hbm>> -> memref<10000x128xf32, #tpu.memory_space<hbm>>
        tpu.wait_indirect_dma semaphore(%arg12 : memref<!tpu.dma_semaphore, #tpu.memory_space<semaphore_mem>>) src(%dma_wait3A_49 : memref<10000x128xf32, #tpu.memory_space<hbm>>) dst(%arg10 : memref<128x128xf32, #tpu.memory_space<vmem>>)
        "tpu.region"() ({
          %run_scoped3A = tpu.sem_alloc : memref<!tpu.dma_semaphore, #tpu.memory_space<semaphore_mem>>
          %dma_start3A_50 = arith.constant 0 : i32
          %dma_start3A_51 = tpu.memref_slice %arg9[%scan3A_39, %dma_start3A_50] : memref<94x128xi32, #tpu.memory_space<vmem>> -> memref<1x128xi32, #tpu.memory_space<vmem>>
          %dma_start3A_52 = tpu.memref_squeeze %dma_start3A_51 : memref<1x128xi32, #tpu.memory_space<vmem>> -> memref<128xi32, #tpu.memory_space<vmem>>
          %dma_start3A_53 = arith.constant 0 : i32
          %dma_start3A_54 = arith.constant 0 : i32
          %dma_start3A_55 = tpu.memref_slice %arg11[%dma_start3A_53, %dma_start3A_54] : memref<10016x128xf32, #tpu.memory_space<vmem_shared>> -> memref<10016x128xf32, #tpu.memory_space<vmem_shared>>
          tpu.enqueue_indirect_dma source(%arg10 : memref<128x128xf32, #tpu.memory_space<vmem>>) target(%dma_start3A_55 : memref<10016x128xf32, #tpu.memory_space<vmem_shared>>) offsets(%dma_start3A_52 : memref<128xi32, #tpu.memory_space<vmem>>) semaphore(%run_scoped3A : memref<!tpu.dma_semaphore, #tpu.memory_space<semaphore_mem>>) {add = true}
          %dma_wait3A_56 = arith.constant 0 : i32
          %dma_wait3A_57 = tpu.memref_slice %arg9[%scan3A_39, %dma_wait3A_56] : memref<94x128xi32, #tpu.memory_space<vmem>> -> memref<1x128xi32, #tpu.memory_space<vmem>>
          %dma_wait3A_58 = tpu.memref_squeeze %dma_wait3A_57 : memref<1x128xi32, #tpu.memory_space<vmem>> -> memref<128xi32, #tpu.memory_space<vmem>>
          %dma_wait3A_59 = arith.constant 0 : i32
          %dma_wait3A_60 = arith.constant 0 : i32
          %dma_wait3A_61 = tpu.memref_slice %arg11[%dma_wait3A_59, %dma_wait3A_60] : memref<10016x128xf32, #tpu.memory_space<vmem_shared>> -> memref<10016x128xf32, #tpu.memory_space<vmem_shared>>
          tpu.wait_indirect_dma semaphore(%run_scoped3A : memref<!tpu.dma_semaphore, #tpu.memory_space<semaphore_mem>>) src(%arg10 : memref<128x128xf32, #tpu.memory_space<vmem>>) dst(%dma_wait3A_61 : memref<10016x128xf32, #tpu.memory_space<vmem_shared>>)
          tpu.yield
        }) : () -> ()
      }
      %scan3A_38 = arith.constant 94 : i32
    } else {
    }
    %eq3A_18 = arith.constant 1 : i32
    %eq3A_19 = arith.cmpi eq, %arg0, %eq3A_18 : i32
    %convert_element_type3A_20 = arith.extui %eq3A_19 : i1 to i32
    %cond3A_21 = arith.constant 0 : i32
    %cond3A_22 = arith.cmpi ne, %convert_element_type3A_20, %cond3A_21 : i32
    scf.if %cond3A_22 {
      %scan3A = arith.constant 0 : i32
      %scan3A_34 = arith.constant 0 : i32
      %scan3A_35 = arith.constant 64 : i32
      %scan3A_36 = arith.addi %scan3A_34, %scan3A_35 : i32
      %scan3A_37 = arith.constant 1 : i32
      scf.for %scan3A_39 = %scan3A_34 to %scan3A_36 step %scan3A_37  : i32 {
        %dma_start3A = arith.constant 0 : i32
        %dma_start3A_40 = tpu.memref_slice %arg8[%scan3A_39, %dma_start3A] : memref<94x128xi32, #tpu.memory_space<vmem>> -> memref<1x128xi32, #tpu.memory_space<vmem>>
        %dma_start3A_41 = tpu.memref_squeeze %dma_start3A_40 : memref<1x128xi32, #tpu.memory_space<vmem>> -> memref<128xi32, #tpu.memory_space<vmem>>
        %dma_start3A_42 = arith.constant 0 : i32
        %dma_start3A_43 = arith.constant 0 : i32
        %dma_start3A_44 = tpu.memref_slice %arg2[%dma_start3A_42, %dma_start3A_43] : memref<10000x128xf32, #tpu.memory_space<hbm>> -> memref<10000x128xf32, #tpu.memory_space<hbm>>
        tpu.enqueue_indirect_dma source(%dma_start3A_44 : memref<10000x128xf32, #tpu.memory_space<hbm>>) target(%arg10 : memref<128x128xf32, #tpu.memory_space<vmem>>) offsets(%dma_start3A_41 : memref<128xi32, #tpu.memory_space<vmem>>) semaphore(%arg12 : memref<!tpu.dma_semaphore, #tpu.memory_space<semaphore_mem>>)
        %dma_wait3A = arith.constant 0 : i32
        %dma_wait3A_45 = tpu.memref_slice %arg8[%scan3A_39, %dma_wait3A] : memref<94x128xi32, #tpu.memory_space<vmem>> -> memref<1x128xi32, #tpu.memory_space<vmem>>
        %dma_wait3A_46 = tpu.memref_squeeze %dma_wait3A_45 : memref<1x128xi32, #tpu.memory_space<vmem>> -> memref<128xi32, #tpu.memory_space<vmem>>
        %dma_wait3A_47 = arith.constant 0 : i32
        %dma_wait3A_48 = arith.constant 0 : i32
        %dma_wait3A_49 = tpu.memref_slice %arg2[%dma_wait3A_47, %dma_wait3A_48] : memref<10000x128xf32, #tpu.memory_space<hbm>> -> memref<10000x128xf32, #tpu.memory_space<hbm>>
        tpu.wait_indirect_dma semaphore(%arg12 : memref<!tpu.dma_semaphore, #tpu.memory_space<semaphore_mem>>) src(%dma_wait3A_49 : memref<10000x128xf32, #tpu.memory_space<hbm>>) dst(%arg10 : memref<128x128xf32, #tpu.memory_space<vmem>>)
        "tpu.region"() ({
          %run_scoped3A = tpu.sem_alloc : memref<!tpu.dma_semaphore, #tpu.memory_space<semaphore_mem>>
          %dma_start3A_50 = arith.constant 0 : i32
          %dma_start3A_51 = tpu.memref_slice %arg9[%scan3A_39, %dma_start3A_50] : memref<94x128xi32, #tpu.memory_space<vmem>> -> memref<1x128xi32, #tpu.memory_space<vmem>>
          %dma_start3A_52 = tpu.memref_squeeze %dma_start3A_51 : memref<1x128xi32, #tpu.memory_space<vmem>> -> memref<128xi32, #tpu.memory_space<vmem>>
          %dma_start3A_53 = arith.constant 0 : i32
          %dma_start3A_54 = arith.constant 0 : i32
          %dma_start3A_55 = tpu.memref_slice %arg11[%dma_start3A_53, %dma_start3A_54] : memref<10016x128xf32, #tpu.memory_space<vmem_shared>> -> memref<10016x128xf32, #tpu.memory_space<vmem_shared>>
          tpu.enqueue_indirect_dma source(%arg10 : memref<128x128xf32, #tpu.memory_space<vmem>>) target(%dma_start3A_55 : memref<10016x128xf32, #tpu.memory_space<vmem_shared>>) offsets(%dma_start3A_52 : memref<128xi32, #tpu.memory_space<vmem>>) semaphore(%run_scoped3A : memref<!tpu.dma_semaphore, #tpu.memory_space<semaphore_mem>>) {add = true}
          %dma_wait3A_56 = arith.constant 0 : i32
          %dma_wait3A_57 = tpu.memref_slice %arg9[%scan3A_39, %dma_wait3A_56] : memref<94x128xi32, #tpu.memory_space<vmem>> -> memref<1x128xi32, #tpu.memory_space<vmem>>
          %dma_wait3A_58 = tpu.memref_squeeze %dma_wait3A_57 : memref<1x128xi32, #tpu.memory_space<vmem>> -> memref<128xi32, #tpu.memory_space<vmem>>
          %dma_wait3A_59 = arith.constant 0 : i32
          %dma_wait3A_60 = arith.constant 0 : i32
          %dma_wait3A_61 = tpu.memref_slice %arg11[%dma_wait3A_59, %dma_wait3A_60] : memref<10016x128xf32, #tpu.memory_space<vmem_shared>> -> memref<10016x128xf32, #tpu.memory_space<vmem_shared>>
          tpu.wait_indirect_dma semaphore(%run_scoped3A : memref<!tpu.dma_semaphore, #tpu.memory_space<semaphore_mem>>) src(%arg10 : memref<128x128xf32, #tpu.memory_space<vmem>>) dst(%dma_wait3A_61 : memref<10016x128xf32, #tpu.memory_space<vmem_shared>>)
          tpu.yield
        }) : () -> ()
      }
      %scan3A_38 = arith.constant 64 : i32
    } else {
    }
    %barrier3A_23 = arith.constant 0 : index
    tpu.barrier barrier_id(%barrier3A_23)
    %eq3A_24 = arith.constant 0 : i32
    %eq3A_25 = arith.cmpi eq, %arg0, %eq3A_24 : i32
    %convert_element_type3A_26 = arith.extui %eq3A_25 : i1 to i32
    %cond3A_27 = arith.constant 0 : i32
    %cond3A_28 = arith.cmpi ne, %convert_element_type3A_26, %cond3A_27 : i32
    scf.if %cond3A_28 {
      %lt3A = arith.constant 15 : i32
      %lt3A_34 = arith.cmpi slt, %arg1, %lt3A : i32
      %convert_element_type3A_35 = arith.extui %lt3A_34 : i1 to i32
      %cond3A_36 = arith.constant 0 : i32
      %cond3A_37 = arith.cmpi ne, %convert_element_type3A_35, %cond3A_36 : i32
      scf.if %cond3A_37 {
        %mul3A_43 = arith.constant 632 : i32
        %mul3A_44 = arith.muli %arg1, %mul3A_43 : i32
        "tpu.region"() ({
          %run_scoped3A = tpu.sem_alloc : memref<!tpu.dma_semaphore, #tpu.memory_space<semaphore_mem>>
          %dma_start3A = arith.constant 0 : i32
          %dma_start3A_45 = tpu.memref_slice %arg6[%mul3A_44, %dma_start3A] : memref<10000x128xf32, #tpu.memory_space<hbm>> -> memref<632x128xf32, #tpu.memory_space<hbm>>
          %dma_start3A_46 = arith.constant 0 : i32
          %dma_start3A_47 = tpu.memref_slice %arg11[%mul3A_44, %dma_start3A_46] : memref<10016x128xf32, #tpu.memory_space<vmem_shared>> -> memref<632x128xf32, #tpu.memory_space<vmem_shared>>
          tpu.enqueue_dma source(%dma_start3A_47 : memref<632x128xf32, #tpu.memory_space<vmem_shared>>) target(%dma_start3A_45 : memref<632x128xf32, #tpu.memory_space<hbm>>) target_semaphore(%run_scoped3A : memref<!tpu.dma_semaphore, #tpu.memory_space<semaphore_mem>>)
          %dma_wait3A = arith.constant 0 : i32
          %dma_wait3A_48 = tpu.memref_slice %arg6[%mul3A_44, %dma_wait3A] : memref<10000x128xf32, #tpu.memory_space<hbm>> -> memref<632x128xf32, #tpu.memory_space<hbm>>
          %dma_wait3A_49 = arith.constant 0 : i32
          %dma_wait3A_50 = tpu.memref_slice %arg11[%mul3A_44, %dma_wait3A_49] : memref<10016x128xf32, #tpu.memory_space<vmem_shared>> -> memref<632x128xf32, #tpu.memory_space<vmem_shared>>
          tpu.wait_dma2 semaphore(%run_scoped3A : memref<!tpu.dma_semaphore, #tpu.memory_space<semaphore_mem>>) src(%dma_wait3A_50 : memref<632x128xf32, #tpu.memory_space<vmem_shared>>) dst(%dma_wait3A_48 : memref<632x128xf32, #tpu.memory_space<hbm>>)
          tpu.yield
        }) : () -> ()
      } else {
      }
      %eq3A_38 = arith.constant 15 : i32
      %eq3A_39 = arith.cmpi eq, %arg1, %eq3A_38 : i32
      %convert_element_type3A_40 = arith.extui %eq3A_39 : i1 to i32
      %cond3A_41 = arith.constant 0 : i32
      %cond3A_42 = arith.cmpi ne, %convert_element_type3A_40, %cond3A_41 : i32
      scf.if %cond3A_42 {
        "tpu.region"() ({
          %run_scoped3A = tpu.sem_alloc : memref<!tpu.dma_semaphore, #tpu.memory_space<semaphore_mem>>
          %dma_start3A = arith.constant 9480 : i32
          %dma_start3A_43 = arith.constant 0 : i32
          %dma_start3A_44 = tpu.memref_slice %arg6[%dma_start3A, %dma_start3A_43] : memref<10000x128xf32, #tpu.memory_space<hbm>> -> memref<520x128xf32, #tpu.memory_space<hbm>>
          %dma_start3A_45 = arith.constant 9480 : i32
          %dma_start3A_46 = arith.constant 0 : i32
          %dma_start3A_47 = tpu.memref_slice %arg11[%dma_start3A_45, %dma_start3A_46] : memref<10016x128xf32, #tpu.memory_space<vmem_shared>> -> memref<520x128xf32, #tpu.memory_space<vmem_shared>>
          tpu.enqueue_dma source(%dma_start3A_47 : memref<520x128xf32, #tpu.memory_space<vmem_shared>>) target(%dma_start3A_44 : memref<520x128xf32, #tpu.memory_space<hbm>>) target_semaphore(%run_scoped3A : memref<!tpu.dma_semaphore, #tpu.memory_space<semaphore_mem>>)
          %dma_wait3A = arith.constant 9480 : i32
          %dma_wait3A_48 = arith.constant 0 : i32
          %dma_wait3A_49 = tpu.memref_slice %arg6[%dma_wait3A, %dma_wait3A_48] : memref<10000x128xf32, #tpu.memory_space<hbm>> -> memref<520x128xf32, #tpu.memory_space<hbm>>
          %dma_wait3A_50 = arith.constant 9480 : i32
          %dma_wait3A_51 = arith.constant 0 : i32
          %dma_wait3A_52 = tpu.memref_slice %arg11[%dma_wait3A_50, %dma_wait3A_51] : memref<10016x128xf32, #tpu.memory_space<vmem_shared>> -> memref<520x128xf32, #tpu.memory_space<vmem_shared>>
          tpu.wait_dma2 semaphore(%run_scoped3A : memref<!tpu.dma_semaphore, #tpu.memory_space<semaphore_mem>>) src(%dma_wait3A_52 : memref<520x128xf32, #tpu.memory_space<vmem_shared>>) dst(%dma_wait3A_49 : memref<520x128xf32, #tpu.memory_space<hbm>>)
          tpu.yield
        }) : () -> ()
      } else {
      }
    } else {
    }
    %eq3A_29 = arith.constant 1 : i32
    %eq3A_30 = arith.cmpi eq, %arg0, %eq3A_29 : i32
    %convert_element_type3A_31 = arith.extui %eq3A_30 : i1 to i32
    %cond3A_32 = arith.constant 0 : i32
    %cond3A_33 = arith.cmpi ne, %convert_element_type3A_31, %cond3A_32 : i32
    scf.if %cond3A_33 {
      %lt3A = arith.constant 15 : i32
      %lt3A_34 = arith.cmpi slt, %arg1, %lt3A : i32
      %convert_element_type3A_35 = arith.extui %lt3A_34 : i1 to i32
      %cond3A_36 = arith.constant 0 : i32
      %cond3A_37 = arith.cmpi ne, %convert_element_type3A_35, %cond3A_36 : i32
      scf.if %cond3A_37 {
        %mul3A_43 = arith.constant 632 : i32
        %mul3A_44 = arith.muli %arg1, %mul3A_43 : i32
        "tpu.region"() ({
          %run_scoped3A = tpu.sem_alloc : memref<!tpu.dma_semaphore, #tpu.memory_space<semaphore_mem>>
          %dma_start3A = arith.constant 0 : i32
          %dma_start3A_45 = tpu.memref_slice %arg7[%mul3A_44, %dma_start3A] : memref<10000x128xf32, #tpu.memory_space<hbm>> -> memref<632x128xf32, #tpu.memory_space<hbm>>
          %dma_start3A_46 = arith.constant 0 : i32
          %dma_start3A_47 = tpu.memref_slice %arg11[%mul3A_44, %dma_start3A_46] : memref<10016x128xf32, #tpu.memory_space<vmem_shared>> -> memref<632x128xf32, #tpu.memory_space<vmem_shared>>
          tpu.enqueue_dma source(%dma_start3A_47 : memref<632x128xf32, #tpu.memory_space<vmem_shared>>) target(%dma_start3A_45 : memref<632x128xf32, #tpu.memory_space<hbm>>) target_semaphore(%run_scoped3A : memref<!tpu.dma_semaphore, #tpu.memory_space<semaphore_mem>>)
          %dma_wait3A = arith.constant 0 : i32
          %dma_wait3A_48 = tpu.memref_slice %arg7[%mul3A_44, %dma_wait3A] : memref<10000x128xf32, #tpu.memory_space<hbm>> -> memref<632x128xf32, #tpu.memory_space<hbm>>
          %dma_wait3A_49 = arith.constant 0 : i32
          %dma_wait3A_50 = tpu.memref_slice %arg11[%mul3A_44, %dma_wait3A_49] : memref<10016x128xf32, #tpu.memory_space<vmem_shared>> -> memref<632x128xf32, #tpu.memory_space<vmem_shared>>
          tpu.wait_dma2 semaphore(%run_scoped3A : memref<!tpu.dma_semaphore, #tpu.memory_space<semaphore_mem>>) src(%dma_wait3A_50 : memref<632x128xf32, #tpu.memory_space<vmem_shared>>) dst(%dma_wait3A_48 : memref<632x128xf32, #tpu.memory_space<hbm>>)
          tpu.yield
        }) : () -> ()
      } else {
      }
      %eq3A_38 = arith.constant 15 : i32
      %eq3A_39 = arith.cmpi eq, %arg1, %eq3A_38 : i32
      %convert_element_type3A_40 = arith.extui %eq3A_39 : i1 to i32
      %cond3A_41 = arith.constant 0 : i32
      %cond3A_42 = arith.cmpi ne, %convert_element_type3A_40, %cond3A_41 : i32
      scf.if %cond3A_42 {
        "tpu.region"() ({
          %run_scoped3A = tpu.sem_alloc : memref<!tpu.dma_semaphore, #tpu.memory_space<semaphore_mem>>
          %dma_start3A = arith.constant 9480 : i32
          %dma_start3A_43 = arith.constant 0 : i32
          %dma_start3A_44 = tpu.memref_slice %arg7[%dma_start3A, %dma_start3A_43] : memref<10000x128xf32, #tpu.memory_space<hbm>> -> memref<520x128xf32, #tpu.memory_space<hbm>>
          %dma_start3A_45 = arith.constant 9480 : i32
          %dma_start3A_46 = arith.constant 0 : i32
          %dma_start3A_47 = tpu.memref_slice %arg11[%dma_start3A_45, %dma_start3A_46] : memref<10016x128xf32, #tpu.memory_space<vmem_shared>> -> memref<520x128xf32, #tpu.memory_space<vmem_shared>>
          tpu.enqueue_dma source(%dma_start3A_47 : memref<520x128xf32, #tpu.memory_space<vmem_shared>>) target(%dma_start3A_44 : memref<520x128xf32, #tpu.memory_space<hbm>>) target_semaphore(%run_scoped3A : memref<!tpu.dma_semaphore, #tpu.memory_space<semaphore_mem>>)
          %dma_wait3A = arith.constant 9480 : i32
          %dma_wait3A_48 = arith.constant 0 : i32
          %dma_wait3A_49 = tpu.memref_slice %arg7[%dma_wait3A, %dma_wait3A_48] : memref<10000x128xf32, #tpu.memory_space<hbm>> -> memref<520x128xf32, #tpu.memory_space<hbm>>
          %dma_wait3A_50 = arith.constant 9480 : i32
          %dma_wait3A_51 = arith.constant 0 : i32
          %dma_wait3A_52 = tpu.memref_slice %arg11[%dma_wait3A_50, %dma_wait3A_51] : memref<10016x128xf32, #tpu.memory_space<vmem_shared>> -> memref<520x128xf32, #tpu.memory_space<vmem_shared>>
          tpu.wait_dma2 semaphore(%run_scoped3A : memref<!tpu.dma_semaphore, #tpu.memory_space<semaphore_mem>>) src(%dma_wait3A_52 : memref<520x128xf32, #tpu.memory_space<vmem_shared>>) dst(%dma_wait3A_49 : memref<520x128xf32, #tpu.memory_space<hbm>>)
          tpu.yield
        }) : () -> ()
      } else {
      }
    } else {
    }
    return
  }
}

#map = affine_map<(d0, d1) -> (0, 0)>
#map1 = affine_map<(d0, d1) -> (0, 0, 0)>
module attributes {stable_mosaic.version = 14 : i64} {
  func.func @_edge_body(%arg0: i32, %arg1: i32, %arg2: memref<10000x128xf32, #tpu.memory_space<hbm>>, %arg3: memref<10000x128xf32, #tpu.memory_space<hbm>>, %arg4: memref<32x94x128xi32, #tpu.memory_space<hbm>>, %arg5: memref<32x94x128xi32, #tpu.memory_space<hbm>>, %arg6: memref<10000x128xf32, #tpu.memory_space<hbm>>, %arg7: memref<10000x128xf32, #tpu.memory_space<hbm>>, %arg8: memref<94x128xi32, #tpu.memory_space<vmem>>, %arg9: memref<94x128xi32, #tpu.memory_space<vmem>>, %arg10: memref<128x128xf32, #tpu.memory_space<vmem>>, %arg11: memref<10016x128xf32, #tpu.memory_space<vmem_shared>>, %arg12: memref<!tpu.dma_semaphore, #tpu.memory_space<semaphore_mem>>) attributes {dimension_semantics = [#tpu.dimension_semantics<core_parallel>, #tpu.dimension_semantics<subcore_parallel>], iteration_bounds = array<i64: 2, 16>, scalar_prefetch = 0 : i64, scratch_operands = 5 : i64, tpu.core_type = #tpu.core_type<sc_vector_subcore>, window_params = [{transform_indices = #map}, {transform_indices = #map}, {transform_indices = #map1}, {transform_indices = #map1}, {transform_indices = #map}, {transform_indices = #map}]} {
    %mul3A = arith.constant 16 : i32
    %mul3A_0 = arith.muli %arg0, %mul3A : i32
    %add3A = arith.addi %mul3A_0, %arg1 : i32
    %eq3A = arith.constant 0 : i32
    %eq3A_1 = arith.cmpi eq, %arg0, %eq3A : i32
    %convert_element_type3A = arith.extui %eq3A_1 : i1 to i32
    %cond3A = arith.constant 0 : i32
    %cond3A_2 = arith.cmpi ne, %convert_element_type3A, %cond3A : i32
    scf.if %cond3A_2 {
      %lt3A = arith.constant 15 : i32
      %lt3A_34 = arith.cmpi slt, %arg1, %lt3A : i32
      %convert_element_type3A_35 = arith.extui %lt3A_34 : i1 to i32
      %cond3A_36 = arith.constant 0 : i32
      %cond3A_37 = arith.cmpi ne, %convert_element_type3A_35, %cond3A_36 : i32
      scf.if %cond3A_37 {
        %mul3A_43 = arith.constant 632 : i32
        %mul3A_44 = arith.muli %arg1, %mul3A_43 : i32
        "tpu.region"() ({
          %run_scoped3A = tpu.sem_alloc : memref<!tpu.dma_semaphore, #tpu.memory_space<semaphore_mem>>
          %dma_start3A = arith.constant 0 : i32
          %dma_start3A_45 = tpu.memref_slice %arg11[%mul3A_44, %dma_start3A] : memref<10016x128xf32, #tpu.memory_space<vmem_shared>> -> memref<632x128xf32, #tpu.memory_space<vmem_shared>>
          %dma_start3A_46 = arith.constant 0 : i32
          %dma_start3A_47 = tpu.memref_slice %arg2[%mul3A_44, %dma_start3A_46] : memref<10000x128xf32, #tpu.memory_space<hbm>> -> memref<632x128xf32, #tpu.memory_space<hbm>>
          tpu.enqueue_dma source(%dma_start3A_47 : memref<632x128xf32, #tpu.memory_space<hbm>>) target(%dma_start3A_45 : memref<632x128xf32, #tpu.memory_space<vmem_shared>>) target_semaphore(%run_scoped3A : memref<!tpu.dma_semaphore, #tpu.memory_space<semaphore_mem>>)
          %dma_wait3A = arith.constant 0 : i32
          %dma_wait3A_48 = tpu.memref_slice %arg11[%mul3A_44, %dma_wait3A] : memref<10016x128xf32, #tpu.memory_space<vmem_shared>> -> memref<632x128xf32, #tpu.memory_space<vmem_shared>>
          %dma_wait3A_49 = arith.constant 0 : i32
          %dma_wait3A_50 = tpu.memref_slice %arg2[%mul3A_44, %dma_wait3A_49] : memref<10000x128xf32, #tpu.memory_space<hbm>> -> memref<632x128xf32, #tpu.memory_space<hbm>>
          tpu.wait_dma2 semaphore(%run_scoped3A : memref<!tpu.dma_semaphore, #tpu.memory_space<semaphore_mem>>) src(%dma_wait3A_50 : memref<632x128xf32, #tpu.memory_space<hbm>>) dst(%dma_wait3A_48 : memref<632x128xf32, #tpu.memory_space<vmem_shared>>)
          tpu.yield
        }) : () -> ()
      } else {
      }
      %eq3A_38 = arith.constant 15 : i32
      %eq3A_39 = arith.cmpi eq, %arg1, %eq3A_38 : i32
      %convert_element_type3A_40 = arith.extui %eq3A_39 : i1 to i32
      %cond3A_41 = arith.constant 0 : i32
      %cond3A_42 = arith.cmpi ne, %convert_element_type3A_40, %cond3A_41 : i32
      scf.if %cond3A_42 {
        "tpu.region"() ({
          %run_scoped3A = tpu.sem_alloc : memref<!tpu.dma_semaphore, #tpu.memory_space<semaphore_mem>>
          %dma_start3A = arith.constant 9480 : i32
          %dma_start3A_43 = arith.constant 0 : i32
          %dma_start3A_44 = tpu.memref_slice %arg11[%dma_start3A, %dma_start3A_43] : memref<10016x128xf32, #tpu.memory_space<vmem_shared>> -> memref<520x128xf32, #tpu.memory_space<vmem_shared>>
          %dma_start3A_45 = arith.constant 9480 : i32
          %dma_start3A_46 = arith.constant 0 : i32
          %dma_start3A_47 = tpu.memref_slice %arg2[%dma_start3A_45, %dma_start3A_46] : memref<10000x128xf32, #tpu.memory_space<hbm>> -> memref<520x128xf32, #tpu.memory_space<hbm>>
          tpu.enqueue_dma source(%dma_start3A_47 : memref<520x128xf32, #tpu.memory_space<hbm>>) target(%dma_start3A_44 : memref<520x128xf32, #tpu.memory_space<vmem_shared>>) target_semaphore(%run_scoped3A : memref<!tpu.dma_semaphore, #tpu.memory_space<semaphore_mem>>)
          %dma_wait3A = arith.constant 9480 : i32
          %dma_wait3A_48 = arith.constant 0 : i32
          %dma_wait3A_49 = tpu.memref_slice %arg11[%dma_wait3A, %dma_wait3A_48] : memref<10016x128xf32, #tpu.memory_space<vmem_shared>> -> memref<520x128xf32, #tpu.memory_space<vmem_shared>>
          %dma_wait3A_50 = arith.constant 9480 : i32
          %dma_wait3A_51 = arith.constant 0 : i32
          %dma_wait3A_52 = tpu.memref_slice %arg2[%dma_wait3A_50, %dma_wait3A_51] : memref<10000x128xf32, #tpu.memory_space<hbm>> -> memref<520x128xf32, #tpu.memory_space<hbm>>
          tpu.wait_dma2 semaphore(%run_scoped3A : memref<!tpu.dma_semaphore, #tpu.memory_space<semaphore_mem>>) src(%dma_wait3A_52 : memref<520x128xf32, #tpu.memory_space<hbm>>) dst(%dma_wait3A_49 : memref<520x128xf32, #tpu.memory_space<vmem_shared>>)
          tpu.yield
        }) : () -> ()
      } else {
      }
    } else {
    }
    %eq3A_3 = arith.constant 1 : i32
    %eq3A_4 = arith.cmpi eq, %arg0, %eq3A_3 : i32
    %convert_element_type3A_5 = arith.extui %eq3A_4 : i1 to i32
    %cond3A_6 = arith.constant 0 : i32
    %cond3A_7 = arith.cmpi ne, %convert_element_type3A_5, %cond3A_6 : i32
    scf.if %cond3A_7 {
      %lt3A = arith.constant 15 : i32
      %lt3A_34 = arith.cmpi slt, %arg1, %lt3A : i32
      %convert_element_type3A_35 = arith.extui %lt3A_34 : i1 to i32
      %cond3A_36 = arith.constant 0 : i32
      %cond3A_37 = arith.cmpi ne, %convert_element_type3A_35, %cond3A_36 : i32
      scf.if %cond3A_37 {
        %mul3A_43 = arith.constant 632 : i32
        %mul3A_44 = arith.muli %arg1, %mul3A_43 : i32
        "tpu.region"() ({
          %run_scoped3A = tpu.sem_alloc : memref<!tpu.dma_semaphore, #tpu.memory_space<semaphore_mem>>
          %dma_start3A = arith.constant 0 : i32
          %dma_start3A_45 = tpu.memref_slice %arg11[%mul3A_44, %dma_start3A] : memref<10016x128xf32, #tpu.memory_space<vmem_shared>> -> memref<632x128xf32, #tpu.memory_space<vmem_shared>>
          %dma_start3A_46 = arith.constant 0 : i32
          %dma_start3A_47 = tpu.memref_slice %arg3[%mul3A_44, %dma_start3A_46] : memref<10000x128xf32, #tpu.memory_space<hbm>> -> memref<632x128xf32, #tpu.memory_space<hbm>>
          tpu.enqueue_dma source(%dma_start3A_47 : memref<632x128xf32, #tpu.memory_space<hbm>>) target(%dma_start3A_45 : memref<632x128xf32, #tpu.memory_space<vmem_shared>>) target_semaphore(%run_scoped3A : memref<!tpu.dma_semaphore, #tpu.memory_space<semaphore_mem>>)
          %dma_wait3A = arith.constant 0 : i32
          %dma_wait3A_48 = tpu.memref_slice %arg11[%mul3A_44, %dma_wait3A] : memref<10016x128xf32, #tpu.memory_space<vmem_shared>> -> memref<632x128xf32, #tpu.memory_space<vmem_shared>>
          %dma_wait3A_49 = arith.constant 0 : i32
          %dma_wait3A_50 = tpu.memref_slice %arg3[%mul3A_44, %dma_wait3A_49] : memref<10000x128xf32, #tpu.memory_space<hbm>> -> memref<632x128xf32, #tpu.memory_space<hbm>>
          tpu.wait_dma2 semaphore(%run_scoped3A : memref<!tpu.dma_semaphore, #tpu.memory_space<semaphore_mem>>) src(%dma_wait3A_50 : memref<632x128xf32, #tpu.memory_space<hbm>>) dst(%dma_wait3A_48 : memref<632x128xf32, #tpu.memory_space<vmem_shared>>)
          tpu.yield
        }) : () -> ()
      } else {
      }
      %eq3A_38 = arith.constant 15 : i32
      %eq3A_39 = arith.cmpi eq, %arg1, %eq3A_38 : i32
      %convert_element_type3A_40 = arith.extui %eq3A_39 : i1 to i32
      %cond3A_41 = arith.constant 0 : i32
      %cond3A_42 = arith.cmpi ne, %convert_element_type3A_40, %cond3A_41 : i32
      scf.if %cond3A_42 {
        "tpu.region"() ({
          %run_scoped3A = tpu.sem_alloc : memref<!tpu.dma_semaphore, #tpu.memory_space<semaphore_mem>>
          %dma_start3A = arith.constant 9480 : i32
          %dma_start3A_43 = arith.constant 0 : i32
          %dma_start3A_44 = tpu.memref_slice %arg11[%dma_start3A, %dma_start3A_43] : memref<10016x128xf32, #tpu.memory_space<vmem_shared>> -> memref<520x128xf32, #tpu.memory_space<vmem_shared>>
          %dma_start3A_45 = arith.constant 9480 : i32
          %dma_start3A_46 = arith.constant 0 : i32
          %dma_start3A_47 = tpu.memref_slice %arg3[%dma_start3A_45, %dma_start3A_46] : memref<10000x128xf32, #tpu.memory_space<hbm>> -> memref<520x128xf32, #tpu.memory_space<hbm>>
          tpu.enqueue_dma source(%dma_start3A_47 : memref<520x128xf32, #tpu.memory_space<hbm>>) target(%dma_start3A_44 : memref<520x128xf32, #tpu.memory_space<vmem_shared>>) target_semaphore(%run_scoped3A : memref<!tpu.dma_semaphore, #tpu.memory_space<semaphore_mem>>)
          %dma_wait3A = arith.constant 9480 : i32
          %dma_wait3A_48 = arith.constant 0 : i32
          %dma_wait3A_49 = tpu.memref_slice %arg11[%dma_wait3A, %dma_wait3A_48] : memref<10016x128xf32, #tpu.memory_space<vmem_shared>> -> memref<520x128xf32, #tpu.memory_space<vmem_shared>>
          %dma_wait3A_50 = arith.constant 9480 : i32
          %dma_wait3A_51 = arith.constant 0 : i32
          %dma_wait3A_52 = tpu.memref_slice %arg3[%dma_wait3A_50, %dma_wait3A_51] : memref<10000x128xf32, #tpu.memory_space<hbm>> -> memref<520x128xf32, #tpu.memory_space<hbm>>
          tpu.wait_dma2 semaphore(%run_scoped3A : memref<!tpu.dma_semaphore, #tpu.memory_space<semaphore_mem>>) src(%dma_wait3A_52 : memref<520x128xf32, #tpu.memory_space<hbm>>) dst(%dma_wait3A_49 : memref<520x128xf32, #tpu.memory_space<vmem_shared>>)
          tpu.yield
        }) : () -> ()
      } else {
      }
    } else {
    }
    %eq3A_8 = arith.constant 0 : i32
    %eq3A_9 = arith.cmpi eq, %arg1, %eq3A_8 : i32
    %convert_element_type3A_10 = arith.extui %eq3A_9 : i1 to i32
    %cond3A_11 = arith.constant 0 : i32
    %cond3A_12 = arith.cmpi ne, %convert_element_type3A_10, %cond3A_11 : i32
    scf.if %cond3A_12 {
      "tpu.region"() ({
        %run_scoped3A = tpu.sem_alloc : memref<!tpu.dma_semaphore, #tpu.memory_space<semaphore_mem>>
        %dma_start3A = arith.constant 10000 : i32
        %dma_start3A_34 = arith.constant 0 : i32
        %dma_start3A_35 = tpu.memref_slice %arg11[%dma_start3A, %dma_start3A_34] : memref<10016x128xf32, #tpu.memory_space<vmem_shared>> -> memref<16x128xf32, #tpu.memory_space<vmem_shared>>
        %dma_start3A_36 = arith.constant 0 : i32
        %dma_start3A_37 = arith.constant 0 : i32
        %dma_start3A_38 = tpu.memref_slice %arg3[%dma_start3A_36, %dma_start3A_37] : memref<10000x128xf32, #tpu.memory_space<hbm>> -> memref<16x128xf32, #tpu.memory_space<hbm>>
        tpu.enqueue_dma source(%dma_start3A_38 : memref<16x128xf32, #tpu.memory_space<hbm>>) target(%dma_start3A_35 : memref<16x128xf32, #tpu.memory_space<vmem_shared>>) target_semaphore(%run_scoped3A : memref<!tpu.dma_semaphore, #tpu.memory_space<semaphore_mem>>)
        %dma_wait3A = arith.constant 10000 : i32
        %dma_wait3A_39 = arith.constant 0 : i32
        %dma_wait3A_40 = tpu.memref_slice %arg11[%dma_wait3A, %dma_wait3A_39] : memref<10016x128xf32, #tpu.memory_space<vmem_shared>> -> memref<16x128xf32, #tpu.memory_space<vmem_shared>>
        %dma_wait3A_41 = arith.constant 0 : i32
        %dma_wait3A_42 = arith.constant 0 : i32
        %dma_wait3A_43 = tpu.memref_slice %arg3[%dma_wait3A_41, %dma_wait3A_42] : memref<10000x128xf32, #tpu.memory_space<hbm>> -> memref<16x128xf32, #tpu.memory_space<hbm>>
        tpu.wait_dma2 semaphore(%run_scoped3A : memref<!tpu.dma_semaphore, #tpu.memory_space<semaphore_mem>>) src(%dma_wait3A_43 : memref<16x128xf32, #tpu.memory_space<hbm>>) dst(%dma_wait3A_40 : memref<16x128xf32, #tpu.memory_space<vmem_shared>>)
        tpu.yield
      }) : () -> ()
    } else {
    }
    %barrier3A = arith.constant 0 : index
    tpu.barrier barrier_id(%barrier3A)
    "tpu.region"() ({
      %run_scoped3A = tpu.sem_alloc : memref<!tpu.dma_semaphore, #tpu.memory_space<semaphore_mem>>
      %dma_start3A = arith.constant 0 : i32
      %dma_start3A_34 = arith.constant 0 : i32
      %dma_start3A_35 = tpu.memref_slice %arg4[%add3A, %dma_start3A, %dma_start3A_34] : memref<32x94x128xi32, #tpu.memory_space<hbm>> -> memref<1x94x128xi32, #tpu.memory_space<hbm>>
      %dma_start3A_36 = tpu.memref_squeeze %dma_start3A_35 : memref<1x94x128xi32, #tpu.memory_space<hbm>> -> memref<94x128xi32, #tpu.memory_space<hbm>>
      %dma_start3A_37 = arith.constant 0 : i32
      %dma_start3A_38 = arith.constant 0 : i32
      %dma_start3A_39 = tpu.memref_slice %arg4[%add3A, %dma_start3A_37, %dma_start3A_38] : memref<32x94x128xi32, #tpu.memory_space<hbm>> -> memref<1x94x128xi32, #tpu.memory_space<hbm>>
      %dma_start3A_40 = tpu.memref_squeeze %dma_start3A_39 : memref<1x94x128xi32, #tpu.memory_space<hbm>> -> memref<94x128xi32, #tpu.memory_space<hbm>>
      tpu.enqueue_dma source(%dma_start3A_40 : memref<94x128xi32, #tpu.memory_space<hbm>>) target(%arg8 : memref<94x128xi32, #tpu.memory_space<vmem>>) target_semaphore(%run_scoped3A : memref<!tpu.dma_semaphore, #tpu.memory_space<semaphore_mem>>)
      %dma_wait3A = arith.constant 0 : i32
      %dma_wait3A_41 = arith.constant 0 : i32
      %dma_wait3A_42 = tpu.memref_slice %arg4[%add3A, %dma_wait3A, %dma_wait3A_41] : memref<32x94x128xi32, #tpu.memory_space<hbm>> -> memref<1x94x128xi32, #tpu.memory_space<hbm>>
      %dma_wait3A_43 = tpu.memref_squeeze %dma_wait3A_42 : memref<1x94x128xi32, #tpu.memory_space<hbm>> -> memref<94x128xi32, #tpu.memory_space<hbm>>
      %dma_wait3A_44 = arith.constant 0 : i32
      %dma_wait3A_45 = arith.constant 0 : i32
      %dma_wait3A_46 = tpu.memref_slice %arg4[%add3A, %dma_wait3A_44, %dma_wait3A_45] : memref<32x94x128xi32, #tpu.memory_space<hbm>> -> memref<1x94x128xi32, #tpu.memory_space<hbm>>
      %dma_wait3A_47 = tpu.memref_squeeze %dma_wait3A_46 : memref<1x94x128xi32, #tpu.memory_space<hbm>> -> memref<94x128xi32, #tpu.memory_space<hbm>>
      tpu.wait_dma2 semaphore(%run_scoped3A : memref<!tpu.dma_semaphore, #tpu.memory_space<semaphore_mem>>) src(%dma_wait3A_47 : memref<94x128xi32, #tpu.memory_space<hbm>>) dst(%arg8 : memref<94x128xi32, #tpu.memory_space<vmem>>)
      tpu.yield
    }) : () -> ()
    "tpu.region"() ({
      %run_scoped3A = tpu.sem_alloc : memref<!tpu.dma_semaphore, #tpu.memory_space<semaphore_mem>>
      %dma_start3A = arith.constant 0 : i32
      %dma_start3A_34 = arith.constant 0 : i32
      %dma_start3A_35 = tpu.memref_slice %arg5[%add3A, %dma_start3A, %dma_start3A_34] : memref<32x94x128xi32, #tpu.memory_space<hbm>> -> memref<1x94x128xi32, #tpu.memory_space<hbm>>
      %dma_start3A_36 = tpu.memref_squeeze %dma_start3A_35 : memref<1x94x128xi32, #tpu.memory_space<hbm>> -> memref<94x128xi32, #tpu.memory_space<hbm>>
      %dma_start3A_37 = arith.constant 0 : i32
      %dma_start3A_38 = arith.constant 0 : i32
      %dma_start3A_39 = tpu.memref_slice %arg5[%add3A, %dma_start3A_37, %dma_start3A_38] : memref<32x94x128xi32, #tpu.memory_space<hbm>> -> memref<1x94x128xi32, #tpu.memory_space<hbm>>
      %dma_start3A_40 = tpu.memref_squeeze %dma_start3A_39 : memref<1x94x128xi32, #tpu.memory_space<hbm>> -> memref<94x128xi32, #tpu.memory_space<hbm>>
      tpu.enqueue_dma source(%dma_start3A_40 : memref<94x128xi32, #tpu.memory_space<hbm>>) target(%arg9 : memref<94x128xi32, #tpu.memory_space<vmem>>) target_semaphore(%run_scoped3A : memref<!tpu.dma_semaphore, #tpu.memory_space<semaphore_mem>>)
      %dma_wait3A = arith.constant 0 : i32
      %dma_wait3A_41 = arith.constant 0 : i32
      %dma_wait3A_42 = tpu.memref_slice %arg5[%add3A, %dma_wait3A, %dma_wait3A_41] : memref<32x94x128xi32, #tpu.memory_space<hbm>> -> memref<1x94x128xi32, #tpu.memory_space<hbm>>
      %dma_wait3A_43 = tpu.memref_squeeze %dma_wait3A_42 : memref<1x94x128xi32, #tpu.memory_space<hbm>> -> memref<94x128xi32, #tpu.memory_space<hbm>>
      %dma_wait3A_44 = arith.constant 0 : i32
      %dma_wait3A_45 = arith.constant 0 : i32
      %dma_wait3A_46 = tpu.memref_slice %arg5[%add3A, %dma_wait3A_44, %dma_wait3A_45] : memref<32x94x128xi32, #tpu.memory_space<hbm>> -> memref<1x94x128xi32, #tpu.memory_space<hbm>>
      %dma_wait3A_47 = tpu.memref_squeeze %dma_wait3A_46 : memref<1x94x128xi32, #tpu.memory_space<hbm>> -> memref<94x128xi32, #tpu.memory_space<hbm>>
      tpu.wait_dma2 semaphore(%run_scoped3A : memref<!tpu.dma_semaphore, #tpu.memory_space<semaphore_mem>>) src(%dma_wait3A_47 : memref<94x128xi32, #tpu.memory_space<hbm>>) dst(%arg9 : memref<94x128xi32, #tpu.memory_space<vmem>>)
      tpu.yield
    }) : () -> ()
    %eq3A_13 = arith.constant 0 : i32
    %eq3A_14 = arith.cmpi eq, %arg0, %eq3A_13 : i32
    %convert_element_type3A_15 = arith.extui %eq3A_14 : i1 to i32
    %cond3A_16 = arith.constant 0 : i32
    %cond3A_17 = arith.cmpi ne, %convert_element_type3A_15, %cond3A_16 : i32
    scf.if %cond3A_17 {
      %scan3A = arith.constant 0 : i32
      %scan3A_34 = arith.constant 0 : i32
      %scan3A_35 = arith.constant 94 : i32
      %scan3A_36 = arith.addi %scan3A_34, %scan3A_35 : i32
      %scan3A_37 = arith.constant 1 : i32
      scf.for %scan3A_39 = %scan3A_34 to %scan3A_36 step %scan3A_37  : i32 {
        %dma_start3A = arith.constant 0 : i32
        %dma_start3A_40 = tpu.memref_slice %arg8[%scan3A_39, %dma_start3A] : memref<94x128xi32, #tpu.memory_space<vmem>> -> memref<1x128xi32, #tpu.memory_space<vmem>>
        %dma_start3A_41 = tpu.memref_squeeze %dma_start3A_40 : memref<1x128xi32, #tpu.memory_space<vmem>> -> memref<128xi32, #tpu.memory_space<vmem>>
        %dma_start3A_42 = arith.constant 0 : i32
        %dma_start3A_43 = arith.constant 0 : i32
        %dma_start3A_44 = tpu.memref_slice %arg2[%dma_start3A_42, %dma_start3A_43] : memref<10000x128xf32, #tpu.memory_space<hbm>> -> memref<10000x128xf32, #tpu.memory_space<hbm>>
        tpu.enqueue_indirect_dma source(%dma_start3A_44 : memref<10000x128xf32, #tpu.memory_space<hbm>>) target(%arg10 : memref<128x128xf32, #tpu.memory_space<vmem>>) offsets(%dma_start3A_41 : memref<128xi32, #tpu.memory_space<vmem>>) semaphore(%arg12 : memref<!tpu.dma_semaphore, #tpu.memory_space<semaphore_mem>>)
        %dma_wait3A = arith.constant 0 : i32
        %dma_wait3A_45 = tpu.memref_slice %arg8[%scan3A_39, %dma_wait3A] : memref<94x128xi32, #tpu.memory_space<vmem>> -> memref<1x128xi32, #tpu.memory_space<vmem>>
        %dma_wait3A_46 = tpu.memref_squeeze %dma_wait3A_45 : memref<1x128xi32, #tpu.memory_space<vmem>> -> memref<128xi32, #tpu.memory_space<vmem>>
        %dma_wait3A_47 = arith.constant 0 : i32
        %dma_wait3A_48 = arith.constant 0 : i32
        %dma_wait3A_49 = tpu.memref_slice %arg2[%dma_wait3A_47, %dma_wait3A_48] : memref<10000x128xf32, #tpu.memory_space<hbm>> -> memref<10000x128xf32, #tpu.memory_space<hbm>>
        tpu.wait_indirect_dma semaphore(%arg12 : memref<!tpu.dma_semaphore, #tpu.memory_space<semaphore_mem>>) src(%dma_wait3A_49 : memref<10000x128xf32, #tpu.memory_space<hbm>>) dst(%arg10 : memref<128x128xf32, #tpu.memory_space<vmem>>)
        "tpu.region"() ({
          %run_scoped3A = tpu.sem_alloc : memref<!tpu.dma_semaphore, #tpu.memory_space<semaphore_mem>>
          %dma_start3A_50 = arith.constant 0 : i32
          %dma_start3A_51 = tpu.memref_slice %arg9[%scan3A_39, %dma_start3A_50] : memref<94x128xi32, #tpu.memory_space<vmem>> -> memref<1x128xi32, #tpu.memory_space<vmem>>
          %dma_start3A_52 = tpu.memref_squeeze %dma_start3A_51 : memref<1x128xi32, #tpu.memory_space<vmem>> -> memref<128xi32, #tpu.memory_space<vmem>>
          %dma_start3A_53 = arith.constant 0 : i32
          %dma_start3A_54 = arith.constant 0 : i32
          %dma_start3A_55 = tpu.memref_slice %arg11[%dma_start3A_53, %dma_start3A_54] : memref<10016x128xf32, #tpu.memory_space<vmem_shared>> -> memref<10016x128xf32, #tpu.memory_space<vmem_shared>>
          tpu.enqueue_indirect_dma source(%arg10 : memref<128x128xf32, #tpu.memory_space<vmem>>) target(%dma_start3A_55 : memref<10016x128xf32, #tpu.memory_space<vmem_shared>>) offsets(%dma_start3A_52 : memref<128xi32, #tpu.memory_space<vmem>>) semaphore(%run_scoped3A : memref<!tpu.dma_semaphore, #tpu.memory_space<semaphore_mem>>) {add = true}
          %dma_wait3A_56 = arith.constant 0 : i32
          %dma_wait3A_57 = tpu.memref_slice %arg9[%scan3A_39, %dma_wait3A_56] : memref<94x128xi32, #tpu.memory_space<vmem>> -> memref<1x128xi32, #tpu.memory_space<vmem>>
          %dma_wait3A_58 = tpu.memref_squeeze %dma_wait3A_57 : memref<1x128xi32, #tpu.memory_space<vmem>> -> memref<128xi32, #tpu.memory_space<vmem>>
          %dma_wait3A_59 = arith.constant 0 : i32
          %dma_wait3A_60 = arith.constant 0 : i32
          %dma_wait3A_61 = tpu.memref_slice %arg11[%dma_wait3A_59, %dma_wait3A_60] : memref<10016x128xf32, #tpu.memory_space<vmem_shared>> -> memref<10016x128xf32, #tpu.memory_space<vmem_shared>>
          tpu.wait_indirect_dma semaphore(%run_scoped3A : memref<!tpu.dma_semaphore, #tpu.memory_space<semaphore_mem>>) src(%arg10 : memref<128x128xf32, #tpu.memory_space<vmem>>) dst(%dma_wait3A_61 : memref<10016x128xf32, #tpu.memory_space<vmem_shared>>)
          tpu.yield
        }) : () -> ()
      }
      %scan3A_38 = arith.constant 94 : i32
    } else {
    }
    %eq3A_18 = arith.constant 1 : i32
    %eq3A_19 = arith.cmpi eq, %arg0, %eq3A_18 : i32
    %convert_element_type3A_20 = arith.extui %eq3A_19 : i1 to i32
    %cond3A_21 = arith.constant 0 : i32
    %cond3A_22 = arith.cmpi ne, %convert_element_type3A_20, %cond3A_21 : i32
    scf.if %cond3A_22 {
      %scan3A = arith.constant 0 : i32
      %scan3A_34 = arith.constant 0 : i32
      %scan3A_35 = arith.constant 64 : i32
      %scan3A_36 = arith.addi %scan3A_34, %scan3A_35 : i32
      %scan3A_37 = arith.constant 1 : i32
      scf.for %scan3A_39 = %scan3A_34 to %scan3A_36 step %scan3A_37  : i32 {
        %dma_start3A = arith.constant 0 : i32
        %dma_start3A_40 = tpu.memref_slice %arg8[%scan3A_39, %dma_start3A] : memref<94x128xi32, #tpu.memory_space<vmem>> -> memref<1x128xi32, #tpu.memory_space<vmem>>
        %dma_start3A_41 = tpu.memref_squeeze %dma_start3A_40 : memref<1x128xi32, #tpu.memory_space<vmem>> -> memref<128xi32, #tpu.memory_space<vmem>>
        %dma_start3A_42 = arith.constant 0 : i32
        %dma_start3A_43 = arith.constant 0 : i32
        %dma_start3A_44 = tpu.memref_slice %arg2[%dma_start3A_42, %dma_start3A_43] : memref<10000x128xf32, #tpu.memory_space<hbm>> -> memref<10000x128xf32, #tpu.memory_space<hbm>>
        tpu.enqueue_indirect_dma source(%dma_start3A_44 : memref<10000x128xf32, #tpu.memory_space<hbm>>) target(%arg10 : memref<128x128xf32, #tpu.memory_space<vmem>>) offsets(%dma_start3A_41 : memref<128xi32, #tpu.memory_space<vmem>>) semaphore(%arg12 : memref<!tpu.dma_semaphore, #tpu.memory_space<semaphore_mem>>)
        %dma_wait3A = arith.constant 0 : i32
        %dma_wait3A_45 = tpu.memref_slice %arg8[%scan3A_39, %dma_wait3A] : memref<94x128xi32, #tpu.memory_space<vmem>> -> memref<1x128xi32, #tpu.memory_space<vmem>>
        %dma_wait3A_46 = tpu.memref_squeeze %dma_wait3A_45 : memref<1x128xi32, #tpu.memory_space<vmem>> -> memref<128xi32, #tpu.memory_space<vmem>>
        %dma_wait3A_47 = arith.constant 0 : i32
        %dma_wait3A_48 = arith.constant 0 : i32
        %dma_wait3A_49 = tpu.memref_slice %arg2[%dma_wait3A_47, %dma_wait3A_48] : memref<10000x128xf32, #tpu.memory_space<hbm>> -> memref<10000x128xf32, #tpu.memory_space<hbm>>
        tpu.wait_indirect_dma semaphore(%arg12 : memref<!tpu.dma_semaphore, #tpu.memory_space<semaphore_mem>>) src(%dma_wait3A_49 : memref<10000x128xf32, #tpu.memory_space<hbm>>) dst(%arg10 : memref<128x128xf32, #tpu.memory_space<vmem>>)
        "tpu.region"() ({
          %run_scoped3A = tpu.sem_alloc : memref<!tpu.dma_semaphore, #tpu.memory_space<semaphore_mem>>
          %dma_start3A_50 = arith.constant 0 : i32
          %dma_start3A_51 = tpu.memref_slice %arg9[%scan3A_39, %dma_start3A_50] : memref<94x128xi32, #tpu.memory_space<vmem>> -> memref<1x128xi32, #tpu.memory_space<vmem>>
          %dma_start3A_52 = tpu.memref_squeeze %dma_start3A_51 : memref<1x128xi32, #tpu.memory_space<vmem>> -> memref<128xi32, #tpu.memory_space<vmem>>
          %dma_start3A_53 = arith.constant 0 : i32
          %dma_start3A_54 = arith.constant 0 : i32
          %dma_start3A_55 = tpu.memref_slice %arg11[%dma_start3A_53, %dma_start3A_54] : memref<10016x128xf32, #tpu.memory_space<vmem_shared>> -> memref<10016x128xf32, #tpu.memory_space<vmem_shared>>
          tpu.enqueue_indirect_dma source(%arg10 : memref<128x128xf32, #tpu.memory_space<vmem>>) target(%dma_start3A_55 : memref<10016x128xf32, #tpu.memory_space<vmem_shared>>) offsets(%dma_start3A_52 : memref<128xi32, #tpu.memory_space<vmem>>) semaphore(%run_scoped3A : memref<!tpu.dma_semaphore, #tpu.memory_space<semaphore_mem>>) {add = true}
          %dma_wait3A_56 = arith.constant 0 : i32
          %dma_wait3A_57 = tpu.memref_slice %arg9[%scan3A_39, %dma_wait3A_56] : memref<94x128xi32, #tpu.memory_space<vmem>> -> memref<1x128xi32, #tpu.memory_space<vmem>>
          %dma_wait3A_58 = tpu.memref_squeeze %dma_wait3A_57 : memref<1x128xi32, #tpu.memory_space<vmem>> -> memref<128xi32, #tpu.memory_space<vmem>>
          %dma_wait3A_59 = arith.constant 0 : i32
          %dma_wait3A_60 = arith.constant 0 : i32
          %dma_wait3A_61 = tpu.memref_slice %arg11[%dma_wait3A_59, %dma_wait3A_60] : memref<10016x128xf32, #tpu.memory_space<vmem_shared>> -> memref<10016x128xf32, #tpu.memory_space<vmem_shared>>
          tpu.wait_indirect_dma semaphore(%run_scoped3A : memref<!tpu.dma_semaphore, #tpu.memory_space<semaphore_mem>>) src(%arg10 : memref<128x128xf32, #tpu.memory_space<vmem>>) dst(%dma_wait3A_61 : memref<10016x128xf32, #tpu.memory_space<vmem_shared>>)
          tpu.yield
        }) : () -> ()
      }
      %scan3A_38 = arith.constant 64 : i32
    } else {
    }
    %barrier3A_23 = arith.constant 0 : index
    tpu.barrier barrier_id(%barrier3A_23)
    %eq3A_24 = arith.constant 0 : i32
    %eq3A_25 = arith.cmpi eq, %arg0, %eq3A_24 : i32
    %convert_element_type3A_26 = arith.extui %eq3A_25 : i1 to i32
    %cond3A_27 = arith.constant 0 : i32
    %cond3A_28 = arith.cmpi ne, %convert_element_type3A_26, %cond3A_27 : i32
    scf.if %cond3A_28 {
      %lt3A = arith.constant 15 : i32
      %lt3A_34 = arith.cmpi slt, %arg1, %lt3A : i32
      %convert_element_type3A_35 = arith.extui %lt3A_34 : i1 to i32
      %cond3A_36 = arith.constant 0 : i32
      %cond3A_37 = arith.cmpi ne, %convert_element_type3A_35, %cond3A_36 : i32
      scf.if %cond3A_37 {
        %mul3A_43 = arith.constant 632 : i32
        %mul3A_44 = arith.muli %arg1, %mul3A_43 : i32
        "tpu.region"() ({
          %run_scoped3A = tpu.sem_alloc : memref<!tpu.dma_semaphore, #tpu.memory_space<semaphore_mem>>
          %dma_start3A = arith.constant 0 : i32
          %dma_start3A_45 = tpu.memref_slice %arg6[%mul3A_44, %dma_start3A] : memref<10000x128xf32, #tpu.memory_space<hbm>> -> memref<632x128xf32, #tpu.memory_space<hbm>>
          %dma_start3A_46 = arith.constant 0 : i32
          %dma_start3A_47 = tpu.memref_slice %arg11[%mul3A_44, %dma_start3A_46] : memref<10016x128xf32, #tpu.memory_space<vmem_shared>> -> memref<632x128xf32, #tpu.memory_space<vmem_shared>>
          tpu.enqueue_dma source(%dma_start3A_47 : memref<632x128xf32, #tpu.memory_space<vmem_shared>>) target(%dma_start3A_45 : memref<632x128xf32, #tpu.memory_space<hbm>>) target_semaphore(%run_scoped3A : memref<!tpu.dma_semaphore, #tpu.memory_space<semaphore_mem>>)
          %dma_wait3A = arith.constant 0 : i32
          %dma_wait3A_48 = tpu.memref_slice %arg6[%mul3A_44, %dma_wait3A] : memref<10000x128xf32, #tpu.memory_space<hbm>> -> memref<632x128xf32, #tpu.memory_space<hbm>>
          %dma_wait3A_49 = arith.constant 0 : i32
          %dma_wait3A_50 = tpu.memref_slice %arg11[%mul3A_44, %dma_wait3A_49] : memref<10016x128xf32, #tpu.memory_space<vmem_shared>> -> memref<632x128xf32, #tpu.memory_space<vmem_shared>>
          tpu.wait_dma2 semaphore(%run_scoped3A : memref<!tpu.dma_semaphore, #tpu.memory_space<semaphore_mem>>) src(%dma_wait3A_50 : memref<632x128xf32, #tpu.memory_space<vmem_shared>>) dst(%dma_wait3A_48 : memref<632x128xf32, #tpu.memory_space<hbm>>)
          tpu.yield
        }) : () -> ()
      } else {
      }
      %eq3A_38 = arith.constant 15 : i32
      %eq3A_39 = arith.cmpi eq, %arg1, %eq3A_38 : i32
      %convert_element_type3A_40 = arith.extui %eq3A_39 : i1 to i32
      %cond3A_41 = arith.constant 0 : i32
      %cond3A_42 = arith.cmpi ne, %convert_element_type3A_40, %cond3A_41 : i32
      scf.if %cond3A_42 {
        "tpu.region"() ({
          %run_scoped3A = tpu.sem_alloc : memref<!tpu.dma_semaphore, #tpu.memory_space<semaphore_mem>>
          %dma_start3A = arith.constant 9480 : i32
          %dma_start3A_43 = arith.constant 0 : i32
          %dma_start3A_44 = tpu.memref_slice %arg6[%dma_start3A, %dma_start3A_43] : memref<10000x128xf32, #tpu.memory_space<hbm>> -> memref<520x128xf32, #tpu.memory_space<hbm>>
          %dma_start3A_45 = arith.constant 9480 : i32
          %dma_start3A_46 = arith.constant 0 : i32
          %dma_start3A_47 = tpu.memref_slice %arg11[%dma_start3A_45, %dma_start3A_46] : memref<10016x128xf32, #tpu.memory_space<vmem_shared>> -> memref<520x128xf32, #tpu.memory_space<vmem_shared>>
          tpu.enqueue_dma source(%dma_start3A_47 : memref<520x128xf32, #tpu.memory_space<vmem_shared>>) target(%dma_start3A_44 : memref<520x128xf32, #tpu.memory_space<hbm>>) target_semaphore(%run_scoped3A : memref<!tpu.dma_semaphore, #tpu.memory_space<semaphore_mem>>)
          %dma_wait3A = arith.constant 9480 : i32
          %dma_wait3A_48 = arith.constant 0 : i32
          %dma_wait3A_49 = tpu.memref_slice %arg6[%dma_wait3A, %dma_wait3A_48] : memref<10000x128xf32, #tpu.memory_space<hbm>> -> memref<520x128xf32, #tpu.memory_space<hbm>>
          %dma_wait3A_50 = arith.constant 9480 : i32
          %dma_wait3A_51 = arith.constant 0 : i32
          %dma_wait3A_52 = tpu.memref_slice %arg11[%dma_wait3A_50, %dma_wait3A_51] : memref<10016x128xf32, #tpu.memory_space<vmem_shared>> -> memref<520x128xf32, #tpu.memory_space<vmem_shared>>
          tpu.wait_dma2 semaphore(%run_scoped3A : memref<!tpu.dma_semaphore, #tpu.memory_space<semaphore_mem>>) src(%dma_wait3A_52 : memref<520x128xf32, #tpu.memory_space<vmem_shared>>) dst(%dma_wait3A_49 : memref<520x128xf32, #tpu.memory_space<hbm>>)
          tpu.yield
        }) : () -> ()
      } else {
      }
    } else {
    }
    %eq3A_29 = arith.constant 1 : i32
    %eq3A_30 = arith.cmpi eq, %arg0, %eq3A_29 : i32
    %convert_element_type3A_31 = arith.extui %eq3A_30 : i1 to i32
    %cond3A_32 = arith.constant 0 : i32
    %cond3A_33 = arith.cmpi ne, %convert_element_type3A_31, %cond3A_32 : i32
    scf.if %cond3A_33 {
      %lt3A = arith.constant 15 : i32
      %lt3A_34 = arith.cmpi slt, %arg1, %lt3A : i32
      %convert_element_type3A_35 = arith.extui %lt3A_34 : i1 to i32
      %cond3A_36 = arith.constant 0 : i32
      %cond3A_37 = arith.cmpi ne, %convert_element_type3A_35, %cond3A_36 : i32
      scf.if %cond3A_37 {
        %mul3A_43 = arith.constant 632 : i32
        %mul3A_44 = arith.muli %arg1, %mul3A_43 : i32
        "tpu.region"() ({
          %run_scoped3A = tpu.sem_alloc : memref<!tpu.dma_semaphore, #tpu.memory_space<semaphore_mem>>
          %dma_start3A = arith.constant 0 : i32
          %dma_start3A_45 = tpu.memref_slice %arg7[%mul3A_44, %dma_start3A] : memref<10000x128xf32, #tpu.memory_space<hbm>> -> memref<632x128xf32, #tpu.memory_space<hbm>>
          %dma_start3A_46 = arith.constant 0 : i32
          %dma_start3A_47 = tpu.memref_slice %arg11[%mul3A_44, %dma_start3A_46] : memref<10016x128xf32, #tpu.memory_space<vmem_shared>> -> memref<632x128xf32, #tpu.memory_space<vmem_shared>>
          tpu.enqueue_dma source(%dma_start3A_47 : memref<632x128xf32, #tpu.memory_space<vmem_shared>>) target(%dma_start3A_45 : memref<632x128xf32, #tpu.memory_space<hbm>>) target_semaphore(%run_scoped3A : memref<!tpu.dma_semaphore, #tpu.memory_space<semaphore_mem>>)
          %dma_wait3A = arith.constant 0 : i32
          %dma_wait3A_48 = tpu.memref_slice %arg7[%mul3A_44, %dma_wait3A] : memref<10000x128xf32, #tpu.memory_space<hbm>> -> memref<632x128xf32, #tpu.memory_space<hbm>>
          %dma_wait3A_49 = arith.constant 0 : i32
          %dma_wait3A_50 = tpu.memref_slice %arg11[%mul3A_44, %dma_wait3A_49] : memref<10016x128xf32, #tpu.memory_space<vmem_shared>> -> memref<632x128xf32, #tpu.memory_space<vmem_shared>>
          tpu.wait_dma2 semaphore(%run_scoped3A : memref<!tpu.dma_semaphore, #tpu.memory_space<semaphore_mem>>) src(%dma_wait3A_50 : memref<632x128xf32, #tpu.memory_space<vmem_shared>>) dst(%dma_wait3A_48 : memref<632x128xf32, #tpu.memory_space<hbm>>)
          tpu.yield
        }) : () -> ()
      } else {
      }
      %eq3A_38 = arith.constant 15 : i32
      %eq3A_39 = arith.cmpi eq, %arg1, %eq3A_38 : i32
      %convert_element_type3A_40 = arith.extui %eq3A_39 : i1 to i32
      %cond3A_41 = arith.constant 0 : i32
      %cond3A_42 = arith.cmpi ne, %convert_element_type3A_40, %cond3A_41 : i32
      scf.if %cond3A_42 {
        "tpu.region"() ({
          %run_scoped3A = tpu.sem_alloc : memref<!tpu.dma_semaphore, #tpu.memory_space<semaphore_mem>>
          %dma_start3A = arith.constant 9480 : i32
          %dma_start3A_43 = arith.constant 0 : i32
          %dma_start3A_44 = tpu.memref_slice %arg7[%dma_start3A, %dma_start3A_43] : memref<10000x128xf32, #tpu.memory_space<hbm>> -> memref<520x128xf32, #tpu.memory_space<hbm>>
          %dma_start3A_45 = arith.constant 9480 : i32
          %dma_start3A_46 = arith.constant 0 : i32
          %dma_start3A_47 = tpu.memref_slice %arg11[%dma_start3A_45, %dma_start3A_46] : memref<10016x128xf32, #tpu.memory_space<vmem_shared>> -> memref<520x128xf32, #tpu.memory_space<vmem_shared>>
          tpu.enqueue_dma source(%dma_start3A_47 : memref<520x128xf32, #tpu.memory_space<vmem_shared>>) target(%dma_start3A_44 : memref<520x128xf32, #tpu.memory_space<hbm>>) target_semaphore(%run_scoped3A : memref<!tpu.dma_semaphore, #tpu.memory_space<semaphore_mem>>)
          %dma_wait3A = arith.constant 9480 : i32
          %dma_wait3A_48 = arith.constant 0 : i32
          %dma_wait3A_49 = tpu.memref_slice %arg7[%dma_wait3A, %dma_wait3A_48] : memref<10000x128xf32, #tpu.memory_space<hbm>> -> memref<520x128xf32, #tpu.memory_space<hbm>>
          %dma_wait3A_50 = arith.constant 9480 : i32
          %dma_wait3A_51 = arith.constant 0 : i32
          %dma_wait3A_52 = tpu.memref_slice %arg11[%dma_wait3A_50, %dma_wait3A_51] : memref<10016x128xf32, #tpu.memory_space<vmem_shared>> -> memref<520x128xf32, #tpu.memory_space<vmem_shared>>
          tpu.wait_dma2 semaphore(%run_scoped3A : memref<!tpu.dma_semaphore, #tpu.memory_space<semaphore_mem>>) src(%dma_wait3A_52 : memref<520x128xf32, #tpu.memory_space<vmem_shared>>) dst(%dma_wait3A_49 : memref<520x128xf32, #tpu.memory_space<hbm>>)
          tpu.yield
        }) : () -> ()
      } else {
      }
    } else {
    }
    return
  }
}

module attributes {stable_mosaic.version = 14 : i64} {
  func.func @_tc0_body(%arg0: memref<10000x128xf32, #tpu.memory_space<vmem>>, %arg1: memref<128x128xf32, #tpu.memory_space<vmem>>, %arg2: memref<10000x8xf32, #tpu.memory_space<vmem>>, %arg3: memref<10000x8xf32, #tpu.memory_space<vmem>>, %arg4: memref<10000x128xf32, #tpu.memory_space<vmem>>) attributes {dimension_semantics = [], scalar_prefetch = 0 : i64, scratch_operands = 0 : i64, tpu.core_type = #tpu.core_type<tc>} {
    %get3A = arith.constant 0 : index
    %get3A_0 = arith.constant 0 : index
    %get3A_1 = vector.load %arg0[%get3A, %get3A_0] : memref<10000x128xf32, #tpu.memory_space<vmem>>, vector<10000x128xf32>
    %get3A_2 = arith.constant 0 : index
    %get3A_3 = arith.constant 0 : index
    %get3A_4 = vector.load %arg1[%get3A_2, %get3A_3] : memref<128x128xf32, #tpu.memory_space<vmem>>, vector<128x128xf32>
    %dot_general3A = arith.constant dense<0.000000e+00> : vector<10000x128xf32>
    %dot_general3A_5 = tpu.matmul %get3A_1, %get3A_4, %dot_general3A {dimension_numbers = #tpu.dot_dimension_numbers<[1], [1], [0], [0], [0, 0, 1, 0], [], []>, transpose_lhs_hint = false} : vector<10000x128xf32>, vector<128x128xf32>, vector<10000x128xf32> -> vector<10000x128xf32>
    %get3A_6 = arith.constant 0 : index
    %get3A_7 = arith.constant 0 : index
    %get3A_8 = vector.load %arg2[%get3A_6, %get3A_7] : memref<10000x8xf32, #tpu.memory_space<vmem>>, vector<10000x1xf32>
    %get3A_9 = arith.constant 0 : index
    %get3A_10 = arith.constant 0 : index
    %get3A_11 = vector.load %arg3[%get3A_9, %get3A_10] : memref<10000x8xf32, #tpu.memory_space<vmem>>, vector<10000x1xf32>
    %add3A = arith.addf %get3A_8, %get3A_11 : vector<10000x1xf32>
    %add3A_12 = arith.constant 1.000000e+00 : f32
    %add3A_13 = vector.broadcast %add3A_12 : f32 to vector<10000x1xf32>
    %add3A_14 = arith.addf %add3A, %add3A_13 : vector<10000x1xf32>
    %rsqrt3A = math.rsqrt %add3A_14 : vector<10000x1xf32>
    %mul3A = vector.broadcast %rsqrt3A : vector<10000x1xf32> to vector<10000x128xf32>
    %mul3A_15 = arith.mulf %dot_general3A_5, %mul3A : vector<10000x128xf32>
    %swap3A = arith.constant 0 : index
    %swap3A_16 = arith.constant 0 : index
    %swap3A_17 = vector.load %arg4[%swap3A, %swap3A_16] : memref<10000x128xf32, #tpu.memory_space<vmem>>, vector<10000x128xf32>
    tpu.vector_store %arg4[%swap3A, %swap3A_16], %mul3A_15 {strides = array<i32>} : memref<10000x128xf32, #tpu.memory_space<vmem>>, vector<10000x128xf32>,
    return
  }
}

module attributes {stable_mosaic.version = 14 : i64} {
  func.func @_tc_mid_body(%arg0: memref<10000x128xf32, #tpu.memory_space<vmem>>, %arg1: memref<10000x128xf32, #tpu.memory_space<vmem>>, %arg2: memref<10000x8xf32, #tpu.memory_space<vmem>>, %arg3: memref<10000x8xf32, #tpu.memory_space<vmem>>, %arg4: memref<1x128xf32, #tpu.memory_space<vmem>>, %arg5: memref<128x128xf32, #tpu.memory_space<vmem>>, %arg6: memref<10000x128xf32, #tpu.memory_space<vmem>>) attributes {dimension_semantics = [], scalar_prefetch = 0 : i64, scratch_operands = 0 : i64, tpu.core_type = #tpu.core_type<tc>} {
    %get3A = arith.constant 0 : index
    %get3A_0 = arith.constant 0 : index
    %get3A_1 = vector.load %arg2[%get3A, %get3A_0] : memref<10000x8xf32, #tpu.memory_space<vmem>>, vector<10000x1xf32>
    %get3A_2 = arith.constant 0 : index
    %get3A_3 = arith.constant 0 : index
    %get3A_4 = vector.load %arg3[%get3A_2, %get3A_3] : memref<10000x8xf32, #tpu.memory_space<vmem>>, vector<10000x1xf32>
    %add3A = arith.addf %get3A_1, %get3A_4 : vector<10000x1xf32>
    %add3A_5 = arith.constant 1.000000e+00 : f32
    %add3A_6 = vector.broadcast %add3A_5 : f32 to vector<10000x1xf32>
    %add3A_7 = arith.addf %add3A, %add3A_6 : vector<10000x1xf32>
    %rsqrt3A = math.rsqrt %add3A_7 : vector<10000x1xf32>
    %get3A_8 = arith.constant 0 : index
    %get3A_9 = arith.constant 0 : index
    %get3A_10 = vector.load %arg0[%get3A_8, %get3A_9] : memref<10000x128xf32, #tpu.memory_space<vmem>>, vector<10000x128xf32>
    %get3A_11 = arith.constant 0 : index
    %get3A_12 = arith.constant 0 : index
    %get3A_13 = vector.load %arg1[%get3A_11, %get3A_12] : memref<10000x128xf32, #tpu.memory_space<vmem>>, vector<10000x128xf32>
    %add3A_14 = arith.addf %get3A_10, %get3A_13 : vector<10000x128xf32>
    %mul3A = vector.broadcast %rsqrt3A : vector<10000x1xf32> to vector<10000x128xf32>
    %mul3A_15 = arith.mulf %mul3A, %add3A_14 : vector<10000x128xf32>
    %get3A_16 = arith.constant 0 : index
    %get3A_17 = arith.constant 0 : index
    %get3A_18 = vector.load %arg4[%get3A_16, %get3A_17] : memref<1x128xf32, #tpu.memory_space<vmem>>, vector<1x128xf32>
    %add3A_19 = vector.broadcast %get3A_18 : vector<1x128xf32> to vector<10000x128xf32>
    %add3A_20 = arith.addf %mul3A_15, %add3A_19 : vector<10000x128xf32>
    %max3A = arith.constant 0.000000e+00 : f32
    %max3A_21 = vector.broadcast %max3A : f32 to vector<10000x128xf32>
    %max3A_22 = arith.maximumf %add3A_20, %max3A_21 : vector<10000x128xf32>
    %get3A_23 = arith.constant 0 : index
    %get3A_24 = arith.constant 0 : index
    %get3A_25 = vector.load %arg5[%get3A_23, %get3A_24] : memref<128x128xf32, #tpu.memory_space<vmem>>, vector<128x128xf32>
    %dot_general3A = arith.constant dense<0.000000e+00> : vector<10000x128xf32>
    %dot_general3A_26 = tpu.matmul %max3A_22, %get3A_25, %dot_general3A {dimension_numbers = #tpu.dot_dimension_numbers<[1], [1], [0], [0], [0, 0, 1, 0], [], []>, transpose_lhs_hint = false} : vector<10000x128xf32>, vector<128x128xf32>, vector<10000x128xf32> -> vector<10000x128xf32>
    %mul3A_27 = vector.broadcast %rsqrt3A : vector<10000x1xf32> to vector<10000x128xf32>
    %mul3A_28 = arith.mulf %dot_general3A_26, %mul3A_27 : vector<10000x128xf32>
    %swap3A = arith.constant 0 : index
    %swap3A_29 = arith.constant 0 : index
    %swap3A_30 = vector.load %arg6[%swap3A, %swap3A_29] : memref<10000x128xf32, #tpu.memory_space<vmem>>, vector<10000x128xf32>
    tpu.vector_store %arg6[%swap3A, %swap3A_29], %mul3A_28 {strides = array<i32>} : memref<10000x128xf32, #tpu.memory_space<vmem>>, vector<10000x128xf32>,
    return
  }
}

module attributes {stable_mosaic.version = 14 : i64} {
  func.func @_tc_final_body(%arg0: memref<10000x128xf32, #tpu.memory_space<vmem>>, %arg1: memref<10000x128xf32, #tpu.memory_space<vmem>>, %arg2: memref<10000x8xf32, #tpu.memory_space<vmem>>, %arg3: memref<10000x8xf32, #tpu.memory_space<vmem>>, %arg4: memref<1x128xf32, #tpu.memory_space<vmem>>, %arg5: memref<64x128xf32, #tpu.memory_space<vmem>>, %arg6: memref<1x64xf32, #tpu.memory_space<vmem>>, %arg7: memref<1x64xf32, #tpu.memory_space<vmem>>, %arg8: memref<1x1xf32, #tpu.memory_space<vmem>>, %arg9: memref<64x128xf32, #tpu.memory_space<vmem>>, %arg10: memref<1x64xf32, #tpu.memory_space<vmem>>, %arg11: memref<10x64xf32, #tpu.memory_space<vmem>>, %arg12: memref<1x10xf32, #tpu.memory_space<vmem>>, %arg13: memref<1x1xf32, #tpu.memory_space<vmem>>, %arg14: memref<1x10xf32, #tpu.memory_space<vmem>>) attributes {dimension_semantics = [], scalar_prefetch = 0 : i64, scratch_operands = 0 : i64, tpu.core_type = #tpu.core_type<tc>} {
    %get3A = arith.constant 0 : index
    %get3A_0 = arith.constant 0 : index
    %get3A_1 = vector.load %arg2[%get3A, %get3A_0] : memref<10000x8xf32, #tpu.memory_space<vmem>>, vector<10000x1xf32>
    %get3A_2 = arith.constant 0 : index
    %get3A_3 = arith.constant 0 : index
    %get3A_4 = vector.load %arg3[%get3A_2, %get3A_3] : memref<10000x8xf32, #tpu.memory_space<vmem>>, vector<10000x1xf32>
    %add3A = arith.addf %get3A_1, %get3A_4 : vector<10000x1xf32>
    %add3A_5 = arith.constant 1.000000e+00 : f32
    %add3A_6 = vector.broadcast %add3A_5 : f32 to vector<10000x1xf32>
    %add3A_7 = arith.addf %add3A, %add3A_6 : vector<10000x1xf32>
    %rsqrt3A = math.rsqrt %add3A_7 : vector<10000x1xf32>
    %get3A_8 = arith.constant 0 : index
    %get3A_9 = arith.constant 0 : index
    %get3A_10 = vector.load %arg0[%get3A_8, %get3A_9] : memref<10000x128xf32, #tpu.memory_space<vmem>>, vector<10000x128xf32>
    %get3A_11 = arith.constant 0 : index
    %get3A_12 = arith.constant 0 : index
    %get3A_13 = vector.load %arg1[%get3A_11, %get3A_12] : memref<10000x128xf32, #tpu.memory_space<vmem>>, vector<10000x128xf32>
    %add3A_14 = arith.addf %get3A_10, %get3A_13 : vector<10000x128xf32>
    %mul3A = vector.broadcast %rsqrt3A : vector<10000x1xf32> to vector<10000x128xf32>
    %mul3A_15 = arith.mulf %mul3A, %add3A_14 : vector<10000x128xf32>
    %get3A_16 = arith.constant 0 : index
    %get3A_17 = arith.constant 0 : index
    %get3A_18 = vector.load %arg4[%get3A_16, %get3A_17] : memref<1x128xf32, #tpu.memory_space<vmem>>, vector<1x128xf32>
    %add3A_19 = vector.broadcast %get3A_18 : vector<1x128xf32> to vector<10000x128xf32>
    %add3A_20 = arith.addf %mul3A_15, %add3A_19 : vector<10000x128xf32>
    %max3A = arith.constant 0.000000e+00 : f32
    %max3A_21 = vector.broadcast %max3A : f32 to vector<10000x128xf32>
    %max3A_22 = arith.maximumf %add3A_20, %max3A_21 : vector<10000x128xf32>
    %reduce_sum3A = arith.constant dense<0.000000e+00> : vector<128xf32>
    %reduce_sum3A_23 = vector.multi_reduction <add>, %max3A_22, %reduce_sum3A [0] : vector<10000x128xf32> to vector<128xf32>
    %broadcast_in_dim3A = vector.shape_cast %reduce_sum3A_23 : vector<128xf32> to vector<1x128xf32>
    %mul3A_24 = arith.constant 9.99999974E-5 : f32
    %mul3A_25 = vector.broadcast %mul3A_24 : f32 to vector<1x128xf32>
    %mul3A_26 = arith.mulf %broadcast_in_dim3A, %mul3A_25 : vector<1x128xf32>
    %get3A_27 = arith.constant 0 : index
    %get3A_28 = arith.constant 0 : index
    %get3A_29 = vector.load %arg5[%get3A_27, %get3A_28] : memref<64x128xf32, #tpu.memory_space<vmem>>, vector<64x128xf32>
    %dot_general3A = arith.constant dense<0.000000e+00> : vector<1x64xf32>
    %dot_general3A_30 = tpu.matmul %mul3A_26, %get3A_29, %dot_general3A {dimension_numbers = #tpu.dot_dimension_numbers<[1], [1], [0], [0], [0, 0, 1, 0], [], []>, transpose_lhs_hint = false} : vector<1x128xf32>, vector<64x128xf32>, vector<1x64xf32> -> vector<1x64xf32>
    %get3A_31 = arith.constant 0 : index
    %get3A_32 = arith.constant 0 : index
    %get3A_33 = vector.load %arg6[%get3A_31, %get3A_32] : memref<1x64xf32, #tpu.memory_space<vmem>>, vector<1x64xf32>
    %add3A_34 = arith.addf %dot_general3A_30, %get3A_33 : vector<1x64xf32>
    %max3A_35 = arith.constant 0.000000e+00 : f32
    %max3A_36 = vector.broadcast %max3A_35 : f32 to vector<1x64xf32>
    %max3A_37 = arith.maximumf %add3A_34, %max3A_36 : vector<1x64xf32>
    %get3A_38 = arith.constant 0 : index
    %get3A_39 = arith.constant 0 : index
    %get3A_40 = vector.load %arg7[%get3A_38, %get3A_39] : memref<1x64xf32, #tpu.memory_space<vmem>>, vector<1x64xf32>
    %mul3A_41 = arith.mulf %max3A_37, %get3A_40 : vector<1x64xf32>
    %reduce_sum3A_42 = arith.constant dense<0.000000e+00> : vector<1xf32>
    %reduce_sum3A_43 = vector.multi_reduction <add>, %mul3A_41, %reduce_sum3A_42 [1] : vector<1x64xf32> to vector<1xf32>
    %broadcast_in_dim3A_44 = vector.shape_cast %reduce_sum3A_43 : vector<1xf32> to vector<1x1xf32>
    %get3A_45 = arith.constant 0 : index
    %get3A_46 = arith.constant 0 : index
    %get3A_47 = vector.load %arg8[%get3A_45, %get3A_46] : memref<1x1xf32, #tpu.memory_space<vmem>>, vector<1x1xf32>
    %add3A_48 = arith.addf %broadcast_in_dim3A_44, %get3A_47 : vector<1x1xf32>
    %neg3A = arith.constant 0.000000e+00 : f32
    %neg3A_49 = vector.broadcast %neg3A : f32 to vector<1x1xf32>
    %neg3A_50 = arith.subf %neg3A_49, %add3A_48 : vector<1x1xf32>
    %exp3A = math.exp %neg3A_50 : vector<1x1xf32>
    %add3A_51 = arith.constant 1.000000e+00 : f32
    %add3A_52 = vector.broadcast %add3A_51 : f32 to vector<1x1xf32>
    %add3A_53 = arith.addf %add3A_52, %exp3A : vector<1x1xf32>
    %div3A = arith.constant 1.000000e+00 : f32
    %div3A_54 = vector.broadcast %div3A : f32 to vector<1x1xf32>
    %div3A_55 = arith.divf %div3A_54, %add3A_53 : vector<1x1xf32>
    %swap3A = arith.constant 0 : index
    %swap3A_56 = arith.constant 0 : index
    %swap3A_57 = vector.load %arg13[%swap3A, %swap3A_56] : memref<1x1xf32, #tpu.memory_space<vmem>>, vector<1x1xf32>
    tpu.vector_store %arg13[%swap3A, %swap3A_56], %div3A_55 {strides = array<i32>} : memref<1x1xf32, #tpu.memory_space<vmem>>, vector<1x1xf32>,
    %get3A_58 = arith.constant 0 : index
    %get3A_59 = arith.constant 0 : index
    %get3A_60 = vector.load %arg9[%get3A_58, %get3A_59] : memref<64x128xf32, #tpu.memory_space<vmem>>, vector<64x128xf32>
    %dot_general3A_61 = arith.constant dense<0.000000e+00> : vector<1x64xf32>
    %dot_general3A_62 = tpu.matmul %mul3A_26, %get3A_60, %dot_general3A_61 {dimension_numbers = #tpu.dot_dimension_numbers<[1], [1], [0], [0], [0, 0, 1, 0], [], []>, transpose_lhs_hint = false} : vector<1x128xf32>, vector<64x128xf32>, vector<1x64xf32> -> vector<1x64xf32>
    %get3A_63 = arith.constant 0 : index
    %get3A_64 = arith.constant 0 : index
    %get3A_65 = vector.load %arg10[%get3A_63, %get3A_64] : memref<1x64xf32, #tpu.memory_space<vmem>>, vector<1x64xf32>
    %add3A_66 = arith.addf %dot_general3A_62, %get3A_65 : vector<1x64xf32>
    %max3A_67 = arith.constant 0.000000e+00 : f32
    %max3A_68 = vector.broadcast %max3A_67 : f32 to vector<1x64xf32>
    %max3A_69 = arith.maximumf %add3A_66, %max3A_68 : vector<1x64xf32>
    %get3A_70 = arith.constant 0 : index
    %get3A_71 = arith.constant 0 : index
    %get3A_72 = vector.load %arg11[%get3A_70, %get3A_71] : memref<10x64xf32, #tpu.memory_space<vmem>>, vector<10x64xf32>
    %dot_general3A_73 = arith.constant dense<0.000000e+00> : vector<1x10xf32>
    %dot_general3A_74 = tpu.matmul %max3A_69, %get3A_72, %dot_general3A_73 {dimension_numbers = #tpu.dot_dimension_numbers<[1], [1], [0], [0], [0, 0, 1, 0], [], []>, transpose_lhs_hint = false} : vector<1x64xf32>, vector<10x64xf32>, vector<1x10xf32> -> vector<1x10xf32>
    %get3A_75 = arith.constant 0 : index
    %get3A_76 = arith.constant 0 : index
    %get3A_77 = vector.load %arg12[%get3A_75, %get3A_76] : memref<1x10xf32, #tpu.memory_space<vmem>>, vector<1x10xf32>
    %add3A_78 = arith.addf %dot_general3A_74, %get3A_77 : vector<1x10xf32>
    %neg3A_79 = arith.constant 0.000000e+00 : f32
    %neg3A_80 = vector.broadcast %neg3A_79 : f32 to vector<1x10xf32>
    %neg3A_81 = arith.subf %neg3A_80, %add3A_78 : vector<1x10xf32>
    %exp3A_82 = math.exp %neg3A_81 : vector<1x10xf32>
    %add3A_83 = arith.constant 1.000000e+00 : f32
    %add3A_84 = vector.broadcast %add3A_83 : f32 to vector<1x10xf32>
    %add3A_85 = arith.addf %add3A_84, %exp3A_82 : vector<1x10xf32>
    %div3A_86 = arith.constant 1.000000e+00 : f32
    %div3A_87 = vector.broadcast %div3A_86 : f32 to vector<1x10xf32>
    %div3A_88 = arith.divf %div3A_87, %add3A_85 : vector<1x10xf32>
    %swap3A_89 = arith.constant 0 : index
    %swap3A_90 = arith.constant 0 : index
    %swap3A_91 = vector.load %arg14[%swap3A_89, %swap3A_90] : memref<1x10xf32, #tpu.memory_space<vmem>>, vector<1x10xf32>
    tpu.vector_store %arg14[%swap3A_89, %swap3A_90], %div3A_88 {strides = array<i32>} : memref<1x10xf32, #tpu.memory_space<vmem>>, vector<1x10xf32>,
    return
  }
}

</mosaic_0001>

<sc_bundles>
// kernel: kernel.10.cloned.1.call-start
scs
__scs_entry_jumppad:
0x0: {  	(pc) =	sbr.rel $0x88, $3  }
0x1: {  	(tag) =	ssettag $0x0;
	lr =	simm.s32 $0x1  }
0x2: {  	[smem:$0x3F91] =	sst lr;
	_ =	strace $0xD0000000  }
0x3: {  	_ = 	snop  }
0x4: {  	_ = 	snop  }
0x5: {  	_ = 	snop  }
0x6: {  	_ = 	snop  }
0x7: {  	_ = 	snop  }
__scs_overlays_trampoline_lowered:
0x8: {  	[smem:$0x3FA0] =	sst s0  }
0x9: {  	[smem:$0x3FA1] =	sst s1  }
0xa: {  	[smem:$0x3FA2] =	sst s2  }
0xb: {  	[smem:$0x3FA3] =	sst s3  }
0xc: {  	[smem:$0x3FA4] =	sst s4  }
0xd: {  	[smem:$0x3FA5] =	sst s5  }
0xe: {  	[smem:$0x3FA6] =	sst s6  }
0xf: {  	[smem:$0x3FA7] =	sst s7  }
0x10: {  	[smem:$0x3FA8] =	sst s8  }
0x11: {  	[smem:$0x3FA9] =	sst s9;
	s0 =	simm.s32 @!p0 $0x0  }
0x12: {  	s1 =	sld [smem:$0x3F8F];
	s0 =	simm.s32 @p0 $0x1  }
0x13: {  	[smem:$0x3FAA] =	sst s0;
	s0 =	simm.s32 @!p1 $0x0  }
0x14: {  	s2 =	sld [smem:$0x3F8E];
	s0 =	simm.s32 @p1 $0x1  }
0x15: {  	[smem:$0x3FAB] =	sst s0;
	s0 =	simm.s32 @!p2 $0x0  }
0x16: {  	s3 =	sld [smem:$0x3FDB];
	s0 =	simm.s32 @p2 $0x1  }
0x17: {  	s4 =	simm.s32 $0x1BF5;
	[smem:$0x3FAD] =	sst s0  }
0x18: {  	s0 =	sld [smem:$0x3F90];
	_ =	swait.ge [sflag:s4], $0x0  }
0x19: {  	s7 =	sld [smem:$0x3F91]  }
0x1a: {  	s8 =	sadd.s32 $0xFFFFE003, lr  }
0x1b: {  	s9 =	sadd.s32 $0xFFFFFEF7, lr;
	s5 =	simm.s32 $0xFFFFFFFF;
	p2 =	slt.u32 s8, $0xFFFFF086  }
0x1c: {  	p1 =	slt.u32 s9, $0xF7A;
	s5 =	simm.s32 @!p2 $0x0  }
0x1d: {  	s5 =	simm.s32 @p1 $0x1;
	p0 =	seq.s32 s7, s2  }
0x1e: {  	s7 =	smul.u32 @!p0 $0xF7A, s2;
	p2 =	seq.s32 @!p0 s5, $0x0  }
0x1f: {  	s9 =	smul.u32 $0xF7A, s1;
	s8 =	simm.s32 @!p0 $0x1BF5;
	p2 =	por !p2, p0  }
0x20: {  	[sflag:s8] =	ssyncset.s32 @!p0 $0xFFFFF086;
	s6 =	sadd.s32 @!p0 s3, s7;
	s7 =	simm.s32 @!p0 $0x108  }
0x21: {  	s3 =	sadd.s32 s3, s9;
	s6 =	sadd.s32 @!p0 $0x88, s6;
	s7 =	simm.s32 @p2 $0x1082  }
0x22: {  	[simem:s7], [sflag:s8] =	dma.local @!p0 [hbm:s6], $0xF7A  }
0x23: {  	s9 =	sor.u32 $0xD0000000, s2;
	s6 =	simm.s32 $0x108;
	_ =	swait.ge @!p0 [sflag:s8], $0x0  }
0x24: {  	s3 =	sadd.s32 $0x88, s3;
	s6 =	simm.s32 @!p1 $0x1082;
	[sflag:s4] =	ssyncset.s32 $0xFFFFF086  }
0x25: {  	[simem:s6], [sflag:s4] =	dma.local [hbm:s3], $0xF7A  }
0x26: {  	[smem:$0x3F91] =	sst s1;
	(tag) =	ssettag s2;
	_ =	strace s9  }
0x27: {  	s1 =	sld [smem:$0x3FA1]  }
0x28: {  	s2 =	sld [smem:$0x3FA2]  }
0x29: {  	s4 =	sld [smem:$0x3FA4]  }
0x2a: {  	p0 =	seq.s32 s5, $0x0;
	s5 =	sld [smem:$0x3FA5]  }
0x2b: {  	s6 =	sld [smem:$0x3FA6]  }
0x2c: {  	s7 =	sld [smem:$0x3FA7]  }
0x2d: {  	s3 =	simm.s32 $0x108;
	s8 =	sld [smem:$0x3FA8]  }
0x2e: {  	s3 =	simm.s32 @!p0 $0x1082;
	s9 =	sld [smem:$0x3FA9]  }
0x2f: {  	lr =	sadd.s32 s0, s3;
	s0 =	sld [smem:$0x3FA0]  }
0x30: {  	s3 =	sld [smem:$0x3FA3]  }
0x31: {  	[smem:$0x3FAC] =	sst s10  }
0x32: {  	s10 =	sld [smem:$0x3FAA];
	_ =	sdelay $0x3  }
0x33: {  	p0 =	seq.s32 s10, $0x1;
	s10 =	sld [smem:$0x3FAC];
	_ =	sdelay $0x3  }
0x34: {  	[smem:$0x3FAC] =	sst s10  }
0x35: {  	s10 =	sld [smem:$0x3FAB];
	_ =	sdelay $0x3  }
0x36: {  	p1 =	seq.s32 s10, $0x1;
	s10 =	sld [smem:$0x3FAC];
	_ =	sdelay $0x3  }
0x37: {  	[smem:$0x3FAC] =	sst s10  }
0x38: {  	s10 =	sld [smem:$0x3FAD]  }
0x39: {  	_ = 	snop;
	(pc) =	sbr.ind lr, $3  }
0x3a: {  	_ = 	snop  }
0x3b: {  	_ = 	snop  }
0x3c: {  	p2 =	seq.s32 s10, $0x1;
	s10 =	sld [smem:$0x3FAC]  }
0x3d: {  	_ =	shalt  }
0x3e: {  	_ =	shalt  }
0x3f: {  	_ =	shalt  }
0x40: {  	_ =	shalt  }
0x41: {  	_ =	shalt  }
0x42: {  	_ =	shalt  }
0x43: {  	_ =	shalt  }
0x44: {  	_ =	shalt  }
0x45: {  	_ =	shalt  }
0x46: {  	_ =	shalt  }
0x47: {  	_ =	shalt  }
0x48: {  	_ =	shalt  }
0x49: {  	_ =	shalt  }
0x4a: {  	_ =	shalt  }
0x4b: {  	_ =	shalt  }
0x4c: {  	_ =	shalt  }
0x4d: {  	_ =	shalt  }
0x4e: {  	_ =	shalt  }
0x4f: {  	_ =	shalt  }
0x50: {  	_ =	shalt  }
0x51: {  	_ =	shalt  }
0x52: {  	_ =	shalt  }
0x53: {  	_ =	shalt  }
0x54: {  	_ =	shalt  }
0x55: {  	_ =	shalt  }
0x56: {  	_ =	shalt  }
0x57: {  	_ =	shalt  }
0x58: {  	_ =	shalt  }
0x59: {  	_ =	shalt  }
0x5a: {  	_ =	shalt  }
0x5b: {  	_ =	shalt  }
0x5c: {  	_ =	shalt  }
0x5d: {  	_ =	shalt  }
0x5e: {  	_ =	shalt  }
0x5f: {  	_ =	shalt  }
0x60: {  	_ =	shalt  }
0x61: {  	_ =	shalt  }
0x62: {  	_ =	shalt  }
0x63: {  	_ =	shalt  }
0x64: {  	_ =	shalt  }
0x65: {  	_ =	shalt  }
0x66: {  	_ =	shalt  }
0x67: {  	_ =	shalt  }
0x68: {  	_ =	shalt  }
0x69: {  	_ =	shalt  }
0x6a: {  	_ =	shalt  }
0x6b: {  	_ =	shalt  }
0x6c: {  	_ =	shalt  }
0x6d: {  	_ =	shalt  }
0x6e: {  	_ =	shalt  }
0x6f: {  	_ =	shalt  }
0x70: {  	_ =	shalt  }
0x71: {  	_ =	shalt  }
0x72: {  	_ =	shalt  }
0x73: {  	_ =	shalt  }
0x74: {  	_ =	shalt  }
0x75: {  	_ =	shalt  }
0x76: {  	_ =	shalt  }
0x77: {  	_ =	shalt  }
0x78: {  	_ =	shalt  }
0x79: {  	_ =	shalt  }
0x7a: {  	_ =	shalt  }
0x7b: {  	_ =	shalt  }
0x7c: {  	_ =	shalt  }
0x7d: {  	_ =	shalt  }
0x7e: {  	_ =	shalt  }
0x7f: {  	_ =	shalt  }
0x80: {  	_ =	shalt  }
0x81: {  	_ =	shalt  }
0x82: {  	_ =	shalt  }
0x83: {  	_ =	shalt  }
0x84: {  	_ =	shalt  }
0x85: {  	_ =	shalt  }
0x86: {  	_ =	shalt  }
0x87: {  	_ =	shalt  }
.Lfunc_end0:
.L_simem_size_0:
called_computation_lowered:
.L_overlay_start_0:
0x88: {  	s2 =	sld [smem:$0x3FD9]  }
0x89: {  	s3 =	sld [smem:$0x3FFE];
	_ =	sdelay $0x1  }
0x8a: {  	s1 =	srdreg.scid  }
0x8b: {  	s0 =	sand.u32 $0x1, s1  }
0x8c: {  	s16 =	sshll.u32 s0, $0xA;
	s2 =	sadd.s32 s3, s2  }
0x8d: {  	s2 =	sadd.s32 s2, s16  }
0x8e: {  	[smem:$0x3FB8] =	sst s2  }
0x8f: {  	_ = 	snop  }
0x90: {  	(tm) =	ssettm $0x1  }
0x91: {  	s17 =	sld [smem:$0x3FFB];
	_ =	sdelay $0x3  }
0x92: {  	_ =	strace s17  }
0x93: {  	s2 =	sld [smem:$0x3FFC];
	_ =	sdelay $0x3  }
0x94: {  	_ =	strace s2  }
0x95: {  	s2 =	sld [smem:$0x3FFD];
	_ =	sdelay $0x3  }
0x96: {  	_ =	strace s2  }
0x97: {  	_ =	strace $0x8FFFFFFF  }
0x98: {  	s18 =	sld [smem:$0x3FDB];
	_ =	sdelay $0x1  }
0x99: {  	s19 =	simm.s32 $_scs_section_size  }
0x9a: {  	s4 =	simm.s32 $_size__tile_overlayer_lowered;
	s5 =	simm.s32 $_tile_overlayer_lowered  }
0x9b: {  	s22 =	simm.s32 $0x1BFF;
	s21 =	sshll.u32 s5, $0x1;
	s2 =	sadd.s32 s19, s18  }
0x9c: {  	s6 =	simm.s32 $0x0;
	s20 =	sshll.u32 s4, $0x1;
	s4 =	sadd.s32 s21, s2  }
0x9d: {  	[timem:s6], [sflag:s22] =	dma.local [hbm:s4], s20  }
0x9e: {  	_ =	swait.ge [sflag:s22], s20  }
0x9f: {  	s3 =	ssub.s32 $0x0, s20;
	[sflag:s22] =	ssyncset.done $0x0  }
0xa0: {  	[sflag:s22] =	ssyncadd.s32 s3;
	_ =	sdelay $0x1  }
0xa1: {  	s23 =	simm.s32 $0x1B8B  }
0xa2: {  	_ =	swait.ge [sflag:s23], $0x1  }
0xa3: {  	[sflag:s23] =	ssyncset.done $0x0  }
0xa4: {  	s25 =	simm.s32 $0x1B8E;
	s24 =	sld [smem:$0x3FFE];
	[sflag:s23] =	ssyncadd.s32 $0xFFFFFFFF  }
0xa5: {  	s26 =	simm.s32 $execute0_lowered;
	[smem:$0x3FD2] =	sst s25  }
0xa6: {  	s4 =	sshll.u32 s26, $0x1;
	_ =	strace $0x80000046;
	[dreg:$0x1] =	wrdreg $0xFFFFFFFF  }
0xa7: {  	s28 =	simm.s32 $_size_execute0_lowered;
	s2 =	sadd.s32 s2, s4;
	[dreg:$0x0] =	wrdreg $0x0  }
0xa8: {  	s4 =	sshll.u32 s28, $0x1;
	[dreg:$0x2] =	wrdreg s2  }
0xa9: {  	[dreg:$0x3] =	wrdreg s4  }
0xaa: {  	[dreg:$0x4] =	wrdreg $0xC0  }
0xab: {  	_ =	task [dreg:s6], $0x5FFFF  }
0xac: {  	[dreg:$0x1] =	wrdreg $0xFFFFFFFF  }
0xad: {  	[dreg:$0x0] =	wrdreg $0x60  }
0xae: {  	[dreg:$0x2] =	wrdreg s24  }
0xaf: {  	[dreg:$0x3] =	wrdreg $0x68000  }
0xb0: {  	[dreg:$0x4] =	wrdreg $0x9  }
0xb1: {  	_ =	task.clear_ibuf [dreg:s6], $0x5FFFF;
	_ =	strace $0x90000046  }
0xb2: {  	s29 =	simm.s32 $0x9;
	_ =	strace $0x80000048  }
0xb3: {  	_ =	swait.ge [sflag:s29], $0x1  }
0xb4: {  	[sflag:s29] =	ssyncadd.s32 $0xFFFFFFFF  }
0xb5: {  	_ =	strace $0x90000048  }
0xb6: {  	_ =	sfence  }
0xb7: {  	s30 =	sld [smem:$0x0];
	_ =	sdelay $0x2  }
0xb8: {  	s31 =	sshll.u32 s1, $0xD;
	s1 =	sshrl.u32 s1, $0x2  }
0xb9: {  	s3 =	sand.u32 $0x4000, s31;
	s1 =	sadd.s32 s1, s30  }
0xba: {  	s0 =	sor.u32 s3, s0;
	s1 =	sshll.u32 s1, $0x11  }
0xbb: {  	s0 =	sor.u32 s1, s0  }
0xbc: {  	s0 =	sadd.s32 $0x8F2B, s0  }
0xbd: {  	[sflag:s0] =	ssyncadd.remote.s32 $0x1  }
0xbe: {  	_ =	sfence.sel $0xFFFF  }
0xbf: {  	[dreg:$0x0] =	wrdreg $0xFFFFFFFF;
	(pc) =	sbr.abs _section_cstart, $3  }
0xc0: {  	[dreg:$0x1] =	wrdreg $0xFFFFFFFF  }
0xc1: {  	_ =	task.clear_ibuf [dreg:s6], $0x2FFFF;
	_ =	strace $0x9FFFFFFF  }
0xc2: {  	(tm) =	ssettm $0x7FFFFFFF  }
0xc3: {  	_ =	shalt  }
tec
execute0_lowered:
.L_overlay_start_1:
0x0: {  	(tag) =	ssettag $0x1  }
0x1: {  	s0 =	srdreg.scid;
	s14 =	rddreg [dreg:$0x0]  }
0x2: {  	s2 =	rddreg [dreg:$0x1];
	s1 =	stileid.u32  }
0x3: {  	s3 =	simm.s32 $0x0;
	s16 =	simm.s32 $0x1;
	s17 =	simm.s32 $0x2800  }
0x4: {  	s22 =	simm.s32 $0x80;
	s11 =	sand.u32 $0x1, s0;
	s0 =	rddreg [dreg:$0x2]  }
0x5: {  	s25 =	simm.s32 $0x0;
	[smem:$0x7FF] =	sst s3;
	s8 =	smul.u32 $0x2780, s1  }
0x6: {  	s9 =	smul.u32 $0x4F000, s1;
	s5 =	sadd.s32 $0xF200, s14;
	s20 =	sadd.s32 $0x138800, s2  }
0x7: {  	s12 =	sadd.s32 $0x5BC80, s14;
	p0 =	sne.s32 s1, $0xF;
	s4 =	sshll.u32 s11, $0x4  }
0x8: {  	_ =	strace $0x80000047;
	s7 =	ssub.s32 $0x2, s11;
	p5 =	seq.s32 s11, $0x1  }
0x9: {  	s18 =	sshll.u32 @p0 s1, $0x6;
	p1 =	sne.s32 @p0 s1, $0x0;
	s4 =	sor.u32 s1, s4  }
0xa: {  	s10 =	sshrl.u32 s7, $0x1;
	s13 =	sadd.s32 s8, s14;
	s31 =	sshrl.u32 s9, $0x2  }
0xb: {  	s8 =	sadd.s32 s5, s8;
	s9 =	sadd.s32 $0x128400, s2;
	s18 =	sor.u32 @p0 $0x1C01, s18  }
0xc: {  	p1 =	por p1, !p0;
	p3 =	seq.s32 @p5 s1, $0xF;
	p6 =	seq.s32 @!p5 s1, $0xF  }
0xd: {  	s6 =	smul.u32 $0x500, s4;
	s4 =	sadd.s32 $0x36400, s14;
	s15 =	ssub.s32 s7, s10  }
0xe: {  	s7 =	sadd.s32 s31, s2;
	s10 =	sadd.s32 $0x34280, s14;
	s11 =	sadd.s32 $0x36C00, s13  }
0xf: {  	s13 =	sadd.s32 $0x5DE00, s13;
	s20 =	sshrl.u32 @!p1 s20, $0x3;
	s21 =	sshrl.u32 @!p0 s9, $0x3  }
0x10: {  	p2 =	por p3, !p5;
	p3 =	por !p3, !p5;
	p4 =	por !p6, p5  }
0x11: {  	p5 =	por p6, p5;
	s15 =	smax.u32 s15, $0x1;
	s19 =	sshrl.u32 @p0 s7, $0x3  }
0x12: {  	s24 =	sshll.u32 @!p2 s1, $0x6;
	s23 =	sshrl.u32 @!p3 s9, $0x3;
	s6 =	sadd.s32 s6, s14  }
0x13: {  	s14 =	sadd.s32 $0x82E80, s14;
	s24 =	sor.u32 @!p2 $0x1C01, s24;
	s6 =	sadd.s32 $0x5200, s6  }
.LBB2_1:
0x14: {  	[tilespmem:s3], [sflag:$0x1] =	stream.linear.gather [hbm4b:s6+s3], $0x2800, $0x38;
	[tilespmem:$0x1A100] =	vst v63  }
0x15: {  	_ =	swait.ge [sflag:s16], $0x2800  }
0x16: {  	[sflag:s16] =	ssyncset.done $0x0  }
0x17: {  	[sflag:s16] =	ssyncadd.s32 $0xFFFFD800  }
0x18: {  	[tilespmem:s17], [sflag:$0x1] =	stream.linear.gather [hbm4b:s4+s3], $0x4000, $0x38;
	[tilespmem:$0x1A100] =	vst v63  }
0x19: {  	_ =	swait.ge [sflag:s16], $0x4000  }
0x1a: {  	[sflag:s16] =	ssyncset.done $0x0  }
0x1b: {  	s26 =	simm.s32 @p0 $0x1;
	[sflag:s16] =	ssyncadd.s32 $0xFFFFC000  }
0x1c: {  	[spmem:s19], [sflag:s18] =	dma.local @p0 [hbm:s8], $0x2780  }
0x1d: {  	_ =	swait.ge @p0 [sflag:s26], $0x2780  }
0x1e: {  	[sflag:s26] =	ssyncset.done @p0 $0x0  }
0x1f: {  	[sflag:s26] =	ssyncadd.s32 @p0 $0xFFFFD880;
	s26 =	simm.s32 @!p1 $0x1C01  }
0x20: {  	[spmem:s20], [sflag:s26] =	dma.local @!p1 [hbm:s5], $0x100  }
0x21: {  	s26 =	simm.s32 @!p1 $0x1  }
0x22: {  	_ =	swait.ge @!p1 [sflag:s26], $0x100  }
0x23: {  	[sflag:s26] =	ssyncset.done @!p1 $0x0  }
0x24: {  	[sflag:s26] =	ssyncadd.s32 @!p1 $0xFFFFFF00;
	s26 =	simm.s32 @!p0 $0x1FC1  }
0x25: {  	[spmem:s21], [sflag:s26] =	dma.local @!p0 [hbm:s10], $0x2080  }
0x26: {  	s26 =	simm.s32 @!p0 $0x1  }
0x27: {  	_ =	swait.ge @!p0 [sflag:s26], $0x2080  }
0x28: {  	[sflag:s26] =	ssyncset.done @!p0 $0x0  }
0x29: {  	[sflag:s26] =	ssyncadd.s32 @!p0 $0xFFFFDF80  }
0x2a: {  	s31 =	simm.s32 $0x0;
	[bflag:$0x0] =	sbarrier.arrive $0xFFFF  }
0x2b: {  	[spmem:s2] =	stream.indirect.scatter.add.f32 [tilespmem:s17], [sflag:$0x1], $0x80, s31, s22, $0xb8;
	[tilespmem:$0x1A100] =	vst v63  }
0x2c: {  	_ =	swait.ge [sflag:s16], $0x4000  }
0x2d: {  	s26 =	simm.s32 $0x200;
	[sflag:s16] =	ssyncset.done $0x0  }
.LBB2_2:
0x2e: {  	s28 =	sshra.s32 s26, $0x2;
	[sflag:s16] =	ssyncadd.s32 $0xFFFFC000;
	p6 =	sne.s32 s26, $0x9C00  }
0x2f: {  	[spmem:s2] =	stream.indirect.scatter.add.f32 [tilespmem:s17], [sflag:$0x1], $0x80, s28, s22, $0xb8;
	[tilespmem:$0x1A100] =	vst v63  }
.Ltmp0:
0x30: {  	_ = 	snop;
	(pc) =	sbr.rel @p6 .LBB2_2-.Ltmp0, $4  }
0x31: {  	_ = 	snop  }
0x32: {  	s26 =	sadd.s32 $0x200, s26  }
0x33: {  	_ =	swait.ge [sflag:s16], $0x4000  }
0x34: {  	[sflag:s16] =	ssyncset.done $0x0  }
0x35: {  	[sflag:s16] =	ssyncadd.s32 $0xFFFFC000  }
0x36: {  	s26 =	simm.s32 @!p3 $0x1FC1;
	[bflag:$0x0] =	sbarrier.arrive $0xFFFF  }
0x37: {  	[hbm:s14], [sflag:s26] =	dma.local @!p3 [spmem:s23], $0x2080  }
0x38: {  	s26 =	simm.s32 @!p3 $0x1  }
0x39: {  	_ =	swait.ge @!p3 [sflag:s26], $0x2080  }
0x3a: {  	[sflag:s26] =	ssyncset.done @!p3 $0x0  }
0x3b: {  	[sflag:s26] =	ssyncadd.s32 @!p3 $0xFFFFDF80;
	s26 =	sshrl.u32 @!p2 s7, $0x3  }
0x3c: {  	[hbm:s13], [sflag:s24] =	dma.local @!p2 [spmem:s26], $0x2780  }
0x3d: {  	s26 =	simm.s32 @!p2 $0x1  }
0x3e: {  	_ =	swait.ge @!p2 [sflag:s26], $0x2780  }
0x3f: {  	[sflag:s26] =	ssyncset.done @!p2 $0x0  }
0x40: {  	s28 =	simm.s32 @!p4 $0x1FC1;
	[sflag:s26] =	ssyncadd.s32 @!p2 $0xFFFFD880;
	s26 =	sshrl.u32 @!p4 s9, $0x3  }
0x41: {  	[hbm:s12], [sflag:s28] =	dma.local @!p4 [spmem:s26], $0x2080  }
0x42: {  	s26 =	simm.s32 @!p4 $0x1  }
0x43: {  	s25 =	sadd.s32 $0x1, s25;
	_ =	swait.ge @!p4 [sflag:s26], $0x2080  }
0x44: {  	p6 =	sne.s32 s25, s15;
	s28 =	sshll.u32 @!p5 s1, $0x6;
	[sflag:s26] =	ssyncset.done @!p4 $0x0  }
0x45: {  	[sflag:s26] =	ssyncadd.s32 @!p4 $0xFFFFDF80;
	s26 =	sor.u32 @!p5 $0x1C01, s28;
	s28 =	sshrl.u32 @!p5 s7, $0x3  }
0x46: {  	[hbm:s11], [sflag:s26] =	dma.local @!p5 [spmem:s28], $0x2780  }
.Ltmp1:
0x47: {  	_ = 	snop;
	(pc) =	sbr.rel @p6 .LBB2_1-.Ltmp1, $4  }
0x48: {  	s26 =	simm.s32 @!p5 $0x1  }
0x49: {  	_ =	swait.ge @!p5 [sflag:s26], $0x2780  }
0x4a: {  	[sflag:s26] =	ssyncset.done @!p5 $0x0  }
0x4b: {  	[sflag:s26] =	ssyncadd.s32 @!p5 $0xFFFFD880  }
0x4c: {  	_ =	sfence.sel $0x180000  }
0x4d: {  	[bflag:$0x0] =	sbarrier.arrive $0xFFFF  }
0x4e: {  	p0 =	sne.s32 s1, $0x0;
	_ =	strace $0x90000047  }
0x4f: {  	s0 =	sadd.s32 @!p0 $0x100000, s0;
	[bflag:$0x2] =	sbarrier.arrive $0xFFFF  }
0x50: {  	[sflag:s0] =	ssyncadd.tile.s32 @!p0 $0x1;
	_ =	shalt  }
.Lfunc_end2:
_tile_overlayer_lowered:
.L_overlay_start_2:
0x51: {  	(tag) =	ssettag $0x2  }
0x52: {  	s0 =	rddreg [dreg:$0x0];
	s2 =	stileid.u32  }
0x53: {  	s1 =	rddreg [dreg:$0x1];
	p0 =	sne.s32 s2, $0x0  }
0x54: {  	s3 =	rddreg [dreg:$0x2];
	[bflag:$0x3] =	sbarrier.arrive $0xFFFF;
	s2 =	simm.s32 @!p0 $0x1C01  }
0x55: {  	[timem:s3], [sflag:s2] =	dma.local @!p0 [hbm:s0], s1  }
0x56: {  	s0 =	simm.s32 @!p0 $0x1  }
0x57: {  	_ =	swait.ge @!p0 [sflag:s0], s1  }
0x58: {  	s1 =	ssub.s32 @!p0 $0x0, s1;
	[sflag:s0] =	ssyncset.done @!p0 $0x0  }
0x59: {  	[sflag:s0] =	ssyncadd.s32 @!p0 s1  }
0x5a: {  	[bflag:$0x3] =	sbarrier.arrive $0xFFFF  }
0x5b: {  	_ =	shalt  }

// kernel: kernel.13.cloned.1.call-start
scs
__scs_entry_jumppad:
0x0: {  	(pc) =	sbr.rel $0x88, $3  }
0x1: {  	(tag) =	ssettag $0x0;
	lr =	simm.s32 $0x1  }
0x2: {  	[smem:$0x3F91] =	sst lr;
	_ =	strace $0xD0000000  }
0x3: {  	_ = 	snop  }
0x4: {  	_ = 	snop  }
0x5: {  	_ = 	snop  }
0x6: {  	_ = 	snop  }
0x7: {  	_ = 	snop  }
__scs_overlays_trampoline_lowered:
0x8: {  	[smem:$0x3FA0] =	sst s0  }
0x9: {  	[smem:$0x3FA1] =	sst s1  }
0xa: {  	[smem:$0x3FA2] =	sst s2  }
0xb: {  	[smem:$0x3FA3] =	sst s3  }
0xc: {  	[smem:$0x3FA4] =	sst s4  }
0xd: {  	[smem:$0x3FA5] =	sst s5  }
0xe: {  	[smem:$0x3FA6] =	sst s6  }
0xf: {  	[smem:$0x3FA7] =	sst s7  }
0x10: {  	[smem:$0x3FA8] =	sst s8  }
0x11: {  	[smem:$0x3FA9] =	sst s9;
	s0 =	simm.s32 @!p0 $0x0  }
0x12: {  	s1 =	sld [smem:$0x3F8F];
	s0 =	simm.s32 @p0 $0x1  }
0x13: {  	[smem:$0x3FAA] =	sst s0;
	s0 =	simm.s32 @!p1 $0x0  }
0x14: {  	s2 =	sld [smem:$0x3F8E];
	s0 =	simm.s32 @p1 $0x1  }
0x15: {  	[smem:$0x3FAB] =	sst s0;
	s0 =	simm.s32 @!p2 $0x0  }
0x16: {  	s3 =	sld [smem:$0x3FDB];
	s0 =	simm.s32 @p2 $0x1  }
0x17: {  	s4 =	simm.s32 $0x1BF5;
	[smem:$0x3FAD] =	sst s0  }
0x18: {  	s0 =	sld [smem:$0x3F90];
	_ =	swait.ge [sflag:s4], $0x0  }
0x19: {  	s7 =	sld [smem:$0x3F91]  }
0x1a: {  	s8 =	sadd.s32 $0xFFFFE003, lr  }
0x1b: {  	s9 =	sadd.s32 $0xFFFFFEF7, lr;
	s5 =	simm.s32 $0xFFFFFFFF;
	p2 =	slt.u32 s8, $0xFFFFF086  }
0x1c: {  	p1 =	slt.u32 s9, $0xF7A;
	s5 =	simm.s32 @!p2 $0x0  }
0x1d: {  	s5 =	simm.s32 @p1 $0x1;
	p0 =	seq.s32 s7, s2  }
0x1e: {  	s7 =	smul.u32 @!p0 $0xF7A, s2;
	p2 =	seq.s32 @!p0 s5, $0x0  }
0x1f: {  	s9 =	smul.u32 $0xF7A, s1;
	s8 =	simm.s32 @!p0 $0x1BF5;
	p2 =	por !p2, p0  }
0x20: {  	[sflag:s8] =	ssyncset.s32 @!p0 $0xFFFFF086;
	s6 =	sadd.s32 @!p0 s3, s7;
	s7 =	simm.s32 @!p0 $0x108  }
0x21: {  	s3 =	sadd.s32 s3, s9;
	s6 =	sadd.s32 @!p0 $0x88, s6;
	s7 =	simm.s32 @p2 $0x1082  }
0x22: {  	[simem:s7], [sflag:s8] =	dma.local @!p0 [hbm:s6], $0xF7A  }
0x23: {  	s9 =	sor.u32 $0xD0000000, s2;
	s6 =	simm.s32 $0x108;
	_ =	swait.ge @!p0 [sflag:s8], $0x0  }
0x24: {  	s3 =	sadd.s32 $0x88, s3;
	s6 =	simm.s32 @!p1 $0x1082;
	[sflag:s4] =	ssyncset.s32 $0xFFFFF086  }
0x25: {  	[simem:s6], [sflag:s4] =	dma.local [hbm:s3], $0xF7A  }
0x26: {  	[smem:$0x3F91] =	sst s1;
	(tag) =	ssettag s2;
	_ =	strace s9  }
0x27: {  	s1 =	sld [smem:$0x3FA1]  }
0x28: {  	s2 =	sld [smem:$0x3FA2]  }
0x29: {  	s4 =	sld [smem:$0x3FA4]  }
0x2a: {  	p0 =	seq.s32 s5, $0x0;
	s5 =	sld [smem:$0x3FA5]  }
0x2b: {  	s6 =	sld [smem:$0x3FA6]  }
0x2c: {  	s7 =	sld [smem:$0x3FA7]  }
0x2d: {  	s3 =	simm.s32 $0x108;
	s8 =	sld [smem:$0x3FA8]  }
0x2e: {  	s3 =	simm.s32 @!p0 $0x1082;
	s9 =	sld [smem:$0x3FA9]  }
0x2f: {  	lr =	sadd.s32 s0, s3;
	s0 =	sld [smem:$0x3FA0]  }
0x30: {  	s3 =	sld [smem:$0x3FA3]  }
0x31: {  	[smem:$0x3FAC] =	sst s10  }
0x32: {  	s10 =	sld [smem:$0x3FAA];
	_ =	sdelay $0x3  }
0x33: {  	p0 =	seq.s32 s10, $0x1;
	s10 =	sld [smem:$0x3FAC];
	_ =	sdelay $0x3  }
0x34: {  	[smem:$0x3FAC] =	sst s10  }
0x35: {  	s10 =	sld [smem:$0x3FAB];
	_ =	sdelay $0x3  }
0x36: {  	p1 =	seq.s32 s10, $0x1;
	s10 =	sld [smem:$0x3FAC];
	_ =	sdelay $0x3  }
0x37: {  	[smem:$0x3FAC] =	sst s10  }
0x38: {  	s10 =	sld [smem:$0x3FAD]  }
0x39: {  	_ = 	snop;
	(pc) =	sbr.ind lr, $3  }
0x3a: {  	_ = 	snop  }
0x3b: {  	_ = 	snop  }
0x3c: {  	p2 =	seq.s32 s10, $0x1;
	s10 =	sld [smem:$0x3FAC]  }
0x3d: {  	_ =	shalt  }
0x3e: {  	_ =	shalt  }
0x3f: {  	_ =	shalt  }
0x40: {  	_ =	shalt  }
0x41: {  	_ =	shalt  }
0x42: {  	_ =	shalt  }
0x43: {  	_ =	shalt  }
0x44: {  	_ =	shalt  }
0x45: {  	_ =	shalt  }
0x46: {  	_ =	shalt  }
0x47: {  	_ =	shalt  }
0x48: {  	_ =	shalt  }
0x49: {  	_ =	shalt  }
0x4a: {  	_ =	shalt  }
0x4b: {  	_ =	shalt  }
0x4c: {  	_ =	shalt  }
0x4d: {  	_ =	shalt  }
0x4e: {  	_ =	shalt  }
0x4f: {  	_ =	shalt  }
0x50: {  	_ =	shalt  }
0x51: {  	_ =	shalt  }
0x52: {  	_ =	shalt  }
0x53: {  	_ =	shalt  }
0x54: {  	_ =	shalt  }
0x55: {  	_ =	shalt  }
0x56: {  	_ =	shalt  }
0x57: {  	_ =	shalt  }
0x58: {  	_ =	shalt  }
0x59: {  	_ =	shalt  }
0x5a: {  	_ =	shalt  }
0x5b: {  	_ =	shalt  }
0x5c: {  	_ =	shalt  }
0x5d: {  	_ =	shalt  }
0x5e: {  	_ =	shalt  }
0x5f: {  	_ =	shalt  }
0x60: {  	_ =	shalt  }
0x61: {  	_ =	shalt  }
0x62: {  	_ =	shalt  }
0x63: {  	_ =	shalt  }
0x64: {  	_ =	shalt  }
0x65: {  	_ =	shalt  }
0x66: {  	_ =	shalt  }
0x67: {  	_ =	shalt  }
0x68: {  	_ =	shalt  }
0x69: {  	_ =	shalt  }
0x6a: {  	_ =	shalt  }
0x6b: {  	_ =	shalt  }
0x6c: {  	_ =	shalt  }
0x6d: {  	_ =	shalt  }
0x6e: {  	_ =	shalt  }
0x6f: {  	_ =	shalt  }
0x70: {  	_ =	shalt  }
0x71: {  	_ =	shalt  }
0x72: {  	_ =	shalt  }
0x73: {  	_ =	shalt  }
0x74: {  	_ =	shalt  }
0x75: {  	_ =	shalt  }
0x76: {  	_ =	shalt  }
0x77: {  	_ =	shalt  }
0x78: {  	_ =	shalt  }
0x79: {  	_ =	shalt  }
0x7a: {  	_ =	shalt  }
0x7b: {  	_ =	shalt  }
0x7c: {  	_ =	shalt  }
0x7d: {  	_ =	shalt  }
0x7e: {  	_ =	shalt  }
0x7f: {  	_ =	shalt  }
0x80: {  	_ =	shalt  }
0x81: {  	_ =	shalt  }
0x82: {  	_ =	shalt  }
0x83: {  	_ =	shalt  }
0x84: {  	_ =	shalt  }
0x85: {  	_ =	shalt  }
0x86: {  	_ =	shalt  }
0x87: {  	_ =	shalt  }
.Lfunc_end0:
.L_simem_size_0:
called_computation.1_lowered:
.L_overlay_start_0:
0x88: {  	s2 =	sld [smem:$0x3FD9]  }
0x89: {  	s3 =	sld [smem:$0x3FFE];
	_ =	sdelay $0x1  }
0x8a: {  	s1 =	srdreg.scid  }
0x8b: {  	s0 =	sand.u32 $0x1, s1  }
0x8c: {  	s16 =	sshll.u32 s0, $0xA;
	s2 =	sadd.s32 s3, s2  }
0x8d: {  	s2 =	sadd.s32 s2, s16  }
0x8e: {  	[smem:$0x3FB8] =	sst s2  }
0x8f: {  	_ = 	snop  }
0x90: {  	(tm) =	ssettm $0x1  }
0x91: {  	s17 =	sld [smem:$0x3FFB];
	_ =	sdelay $0x3  }
0x92: {  	_ =	strace s17  }
0x93: {  	s2 =	sld [smem:$0x3FFC];
	_ =	sdelay $0x3  }
0x94: {  	_ =	strace s2  }
0x95: {  	s2 =	sld [smem:$0x3FFD];
	_ =	sdelay $0x3  }
0x96: {  	_ =	strace s2  }
0x97: {  	_ =	strace $0x8FFFFFFF  }
0x98: {  	s18 =	sld [smem:$0x3FDB];
	_ =	sdelay $0x1  }
0x99: {  	s19 =	simm.s32 $_scs_section_size  }
0x9a: {  	s4 =	simm.s32 $_size__tile_overlayer_lowered;
	s5 =	simm.s32 $_tile_overlayer_lowered  }
0x9b: {  	s22 =	simm.s32 $0x1BFF;
	s21 =	sshll.u32 s5, $0x1;
	s2 =	sadd.s32 s19, s18  }
0x9c: {  	s6 =	simm.s32 $0x0;
	s20 =	sshll.u32 s4, $0x1;
	s4 =	sadd.s32 s21, s2  }
0x9d: {  	[timem:s6], [sflag:s22] =	dma.local [hbm:s4], s20  }
0x9e: {  	_ =	swait.ge [sflag:s22], s20  }
0x9f: {  	s3 =	ssub.s32 $0x0, s20;
	[sflag:s22] =	ssyncset.done $0x0  }
0xa0: {  	[sflag:s22] =	ssyncadd.s32 s3;
	_ =	sdelay $0x1  }
0xa1: {  	s23 =	simm.s32 $0x1B8B  }
0xa2: {  	_ =	swait.ge [sflag:s23], $0x1  }
0xa3: {  	[sflag:s23] =	ssyncset.done $0x0  }
0xa4: {  	s25 =	simm.s32 $0x1B8E;
	s24 =	sld [smem:$0x3FFE];
	[sflag:s23] =	ssyncadd.s32 $0xFFFFFFFF  }
0xa5: {  	s26 =	simm.s32 $execute0_lowered;
	[smem:$0x3FD2] =	sst s25  }
0xa6: {  	s4 =	sshll.u32 s26, $0x1;
	_ =	strace $0x80000049;
	[dreg:$0x1] =	wrdreg $0xFFFFFFFF  }
0xa7: {  	s28 =	simm.s32 $_size_execute0_lowered;
	s2 =	sadd.s32 s2, s4;
	[dreg:$0x0] =	wrdreg $0x0  }
0xa8: {  	s4 =	sshll.u32 s28, $0x1;
	[dreg:$0x2] =	wrdreg s2  }
0xa9: {  	[dreg:$0x3] =	wrdreg s4  }
0xaa: {  	[dreg:$0x4] =	wrdreg $0xC0  }
0xab: {  	_ =	task [dreg:s6], $0x5FFFF  }
0xac: {  	[dreg:$0x1] =	wrdreg $0xFFFFFFFF  }
0xad: {  	[dreg:$0x0] =	wrdreg $0x60  }
0xae: {  	[dreg:$0x2] =	wrdreg s24  }
0xaf: {  	[dreg:$0x3] =	wrdreg $0xA0000  }
0xb0: {  	[dreg:$0x4] =	wrdreg $0x9  }
0xb1: {  	_ =	task.clear_ibuf [dreg:s6], $0x5FFFF;
	_ =	strace $0x90000049  }
0xb2: {  	s29 =	simm.s32 $0x9;
	_ =	strace $0x8000004B  }
0xb3: {  	_ =	swait.ge [sflag:s29], $0x1  }
0xb4: {  	[sflag:s29] =	ssyncadd.s32 $0xFFFFFFFF  }
0xb5: {  	_ =	strace $0x9000004B  }
0xb6: {  	_ =	sfence  }
0xb7: {  	s30 =	sld [smem:$0x0];
	_ =	sdelay $0x2  }
0xb8: {  	s31 =	sshll.u32 s1, $0xD;
	s1 =	sshrl.u32 s1, $0x2  }
0xb9: {  	s3 =	sand.u32 $0x4000, s31;
	s1 =	sadd.s32 s1, s30  }
0xba: {  	s0 =	sor.u32 s3, s0;
	s1 =	sshll.u32 s1, $0x11  }
0xbb: {  	s0 =	sor.u32 s1, s0  }
0xbc: {  	s0 =	sadd.s32 $0x8F2B, s0  }
0xbd: {  	[sflag:s0] =	ssyncadd.remote.s32 $0x1  }
0xbe: {  	_ =	sfence.sel $0xFFFF  }
0xbf: {  	[dreg:$0x0] =	wrdreg $0xFFFFFFFF;
	(pc) =	sbr.abs _section_cstart, $3  }
0xc0: {  	[dreg:$0x1] =	wrdreg $0xFFFFFFFF  }
0xc1: {  	_ =	task.clear_ibuf [dreg:s6], $0x2FFFF;
	_ =	strace $0x9FFFFFFF  }
0xc2: {  	(tm) =	ssettm $0x7FFFFFFF  }
0xc3: {  	_ =	shalt  }
tec
execute0_lowered:
.L_overlay_start_1:
0x0: {  	(tag) =	ssettag $0x1  }
0x1: {  	s0 =	srdreg.scid  }
0x2: {  	s5 =	rddreg [dreg:$0x0];
	s1 =	stileid.u32  }
0x3: {  	s2 =	rddreg [dreg:$0x1];
	s20 =	simm.s32 $0x1FC2;
	s21 =	simm.s32 $0x2  }
0x4: {  	s23 =	simm.s32 $0x3000;
	s24 =	simm.s32 $0x80;
	s10 =	smul.u32 $0x2780, s1  }
0x5: {  	s28 =	simm.s32 $0x1;
	s0 =	sand.u32 $0x1, s0;
	s7 =	smul.u32 $0x4F000, s1  }
0x6: {  	s9 =	sadd.s32 $0xF200, s5;
	s25 =	sadd.s32 $0x138800, s2;
	s11 =	sadd.s32 $0x5B480, s5  }
0x7: {  	s15 =	sadd.s32 $0xE9280, s5;
	s17 =	sadd.s32 $0xC2080, s5;
	p2 =	sne.s32 s1, $0xF  }
0x8: {  	s30 =	sshll.u32 s1, $0x6;
	p0 =	sne.s32 s1, $0x0;
	p3 =	seq.s32 s1, $0xF  }
0x9: {  	p4 =	seq.s32 s1, $0x0;
	s3 =	sshll.u32 s0, $0x4;
	s26 =	ssub.s32 $0x2, s0  }
0xa: {  	p1 =	sne.s32 s0, $0x0;
	s22 =	sor.u32 $0x1C02, s30;
	s31 =	sshrl.u32 s25, $0x3  }
0xb: {  	s4 =	sor.u32 s1, s3;
	s3 =	simm.s32 $0x0;
	s16 =	sadd.s32 s10, s5  }
0xc: {  	s8 =	sshrl.u32 s26, $0x1;
	s7 =	sshrl.u32 s7, $0x2;
	s29 =	sadd.s32 s9, s10  }
0xd: {  	s6 =	smul.u32 $0x600, s4;
	[smem:$0x7FF] =	sst s3;
	s4 =	sadd.s32 $0x36400, s5  }
0xe: {  	s18 =	ssub.s32 s26, s8;
	s8 =	sadd.s32 $0x128400, s2;
	s14 =	sadd.s32 $0xC4200, s16  }
.Ltmp0:
0xf: {  	_ =	strace $0x8000004A;
	[dreg:$0x3] =	wrdreg s9;
	(pc) =	sbr.rel .LBB2_1-.Ltmp0, $4  }
0x10: {  	s16 =	sadd.s32 $0x9D000, s16;
	s26 =	simm.s32 $0x6000;
	[dreg:$0x4] =	wrdreg s29  }
0x11: {  	s9 =	sadd.s32 $0x34280, s5;
	s10 =	sadd.s32 s4, s10;
	s18 =	smax.u32 s18, $0x1  }
0x12: {  	s19 =	sshrl.u32 s8, $0x3;
	[dreg:$0x5] =	wrdreg s31;
	s13 =	sadd.s32 s6, s5  }
0x13: {  	s6 =	sadd.s32 s7, s2;
	s12 =	sadd.s32 $0x85000, s13;
	s13 =	sadd.s32 $0x91000, s13  }
.LBB2_15:
0x14: {  	s0 =	sshra.s32 s0, $0x2;
	[sflag:s21] =	ssyncadd.s32 $0xFFFFC000  }
0x15: {  	[tilespmem:s26], [sflag:$0x1] =	stream.indirect.gather [hbm4b:s4+s24], $0x80, s0, s24, $0xb8;
	[tilespmem:$0x1D900] =	vst v63  }
0x16: {  	_ =	swait.ge [sflag:s28], $0x4000  }
0x17: {  	[sflag:s28] =	ssyncset.done $0x0  }
0x18: {  	s0 =	sadd.s32 $0x3000, s0;
	[sflag:s28] =	ssyncadd.s32 $0xFFFFC000  }
0x19: {  	[spmem:s2] =	stream.indirect.scatter.add.f32 [tilespmem:s26], [sflag:$0x2], $0x80, s0, s24, $0xb8;
	[tilespmem:$0x1D900] =	vst v63  }
0x1a: {  	_ =	swait.ge [sflag:s21], $0x4000  }
0x1b: {  	[sflag:s21] =	ssyncset.done $0x0  }
0x1c: {  	[sflag:s21] =	ssyncadd.s32 $0xFFFFC000  }
0x1d: {  	s0 =	simm.s32 @p3 $0x1FC2;
	[bflag:$0x0] =	sbarrier.arrive $0xFFFF  }
0x1e: {  	[hbm:s15], [sflag:s0] =	dma.local @p3 [spmem:s31], $0x2080  }
0x1f: {  	s0 =	simm.s32 @p3 $0x2  }
0x20: {  	_ =	swait.ge @p3 [sflag:s0], $0x2080  }
0x21: {  	[sflag:s0] =	ssyncset.done @p3 $0x0  }
0x22: {  	[sflag:s0] =	ssyncadd.s32 @p3 $0xFFFFDF80;
	s0 =	simm.s32 @!p3 $0x2  }
0x23: {  	[hbm:s14], [sflag:s30] =	dma.local @!p3 [spmem:s29], $0x2780  }
0x24: {  	_ =	swait.ge @!p3 [sflag:s0], $0x2780  }
0x25: {  	[sflag:s0] =	ssyncset.done @!p3 $0x0  }
0x26: {  	[sflag:s0] =	ssyncadd.s32 @!p3 $0xFFFFD880  }
.LBB2_16:
0x27: {  	s3 =	sadd.s32 $0x1, s3  }
0x28: {  	p5 =	sne.s32 s3, s18  }
.Ltmp1:
0x29: {  	_ = 	snop;
	(pc) =	sbr.rel @!p5 .LBB2_17-.Ltmp1, $1  }
0x2a: {  	_ =	sdelay $0x3  }
.LBB2_1:
.Ltmp2:
0x2b: {  	(pc) =	sbr.rel @p1 .LBB2_4-.Ltmp2, $1  }
0x2c: {  	_ =	sdelay $0x3  }
.Ltmp3:
0x2d: {  	(pc) =	sbr.rel @p2 .LBB2_7-.Ltmp3, $1  }
0x2e: {  	_ =	sdelay $0x3  }
.Ltmp4:
0x2f: {  	(pc) =	sbr.rel .LBB2_9-.Ltmp4, $4  }
0x30: {  	[spmem:s19], [sflag:s20] =	dma.local [hbm:s11], $0x2080  }
0x31: {  	_ =	swait.ge [sflag:s21], $0x2080  }
0x32: {  	[sflag:s21] =	ssyncset.done $0x0  }
0x33: {  	[sflag:s21] =	ssyncadd.s32 $0xFFFFDF80  }
.LBB2_4:
.Ltmp5:
0x34: {  	(pc) =	sbr.rel @!p3 .LBB2_5-.Ltmp5, $1  }
0x35: {  	_ =	sdelay $0x3  }
.Ltmp6:
0x36: {  	(pc) =	sbr.rel .LBB2_9-.Ltmp6, $4  }
0x37: {  	[spmem:s19], [sflag:s20] =	dma.local [hbm:s9], $0x2080  }
0x38: {  	_ =	swait.ge [sflag:s21], $0x2080  }
0x39: {  	[sflag:s21] =	ssyncset.done $0x0  }
0x3a: {  	[sflag:s21] =	ssyncadd.s32 $0xFFFFDF80  }
.LBB2_7:
0x3b: {  	s0 =	sshrl.u32 s6, $0x3  }
0x3c: {  	[spmem:s0], [sflag:s22] =	dma.local [hbm:s10], $0x2780  }
.Ltmp7:
0x3d: {  	_ = 	snop;
	(pc) =	sbr.rel @p0 .LBB2_9-.Ltmp7, $4  }
.Ltmp8:
0x3e: {  	_ = 	snop;
	(pc) =	sbr.rel @!p0 .LBB2_8-.Ltmp8, $4  }
0x3f: {  	_ =	swait.ge [sflag:s21], $0x2780  }
0x40: {  	[sflag:s21] =	ssyncset.done $0x0  }
0x41: {  	[sflag:s21] =	ssyncadd.s32 $0xFFFFD880  }
0x42: {  	_ = 	snop  }
.LBB2_5:
.Ltmp9:
0x43: {  	s0 =	sshrl.u32 s6, $0x3;
	s5 =	rddreg [dreg:$0x4];
	(pc) =	sbr.rel @!p4 .LBB2_9-.Ltmp9, $4  }
0x44: {  	[spmem:s0], [sflag:s22] =	dma.local [hbm:s5], $0x2780  }
0x45: {  	_ =	swait.ge [sflag:s21], $0x2780  }
0x46: {  	[sflag:s21] =	ssyncset.done $0x0  }
0x47: {  	[sflag:s21] =	ssyncadd.s32 $0xFFFFD880  }
.LBB2_8:
0x48: {  	s0 =	rddreg [dreg:$0x3]  }
0x49: {  	s5 =	rddreg [dreg:$0x5]  }
0x4a: {  	[spmem:s5], [sflag:s22] =	dma.local [hbm:s0], $0x100  }
0x4b: {  	_ =	swait.ge [sflag:s21], $0x100  }
0x4c: {  	[sflag:s21] =	ssyncset.done $0x0  }
0x4d: {  	[sflag:s21] =	ssyncadd.s32 $0xFFFFFF00  }
.LBB2_9:
0x4e: {  	[bflag:$0x0] =	sbarrier.arrive $0xFFFF;
	s0 =	simm.s32 $0x0  }
0x4f: {  	[tilespmem:s0], [sflag:$0x2] =	stream.linear.gather [hbm4b:s12+s0], $0x2F00, $0x38;
	[tilespmem:$0x1D900] =	vst v63  }
0x50: {  	_ =	swait.ge [sflag:s21], $0x2F00  }
0x51: {  	[sflag:s21] =	ssyncset.done $0x0  }
.Ltmp10:
0x52: {  	[sflag:s21] =	ssyncadd.s32 $0xFFFFD100;
	(pc) =	sbr.rel @p1 .LBB2_13-.Ltmp10, $4  }
0x53: {  	[tilespmem:s23], [sflag:$0x2] =	stream.linear.gather [hbm4b:s13+s0], $0x2F00, $0x38;
	[tilespmem:$0x1D900] =	vst v63  }
0x54: {  	s31 =	sshrl.u32 @p3 s8, $0x3;
	_ =	swait.ge [sflag:s21], $0x2F00  }
0x55: {  	s29 =	sshrl.u32 @!p3 s6, $0x3;
	s0 =	sshll.u32 @!p3 s1, $0x6;
	[sflag:s21] =	ssyncset.done $0x0  }
0x56: {  	s30 =	sor.u32 @!p3 $0x1C02, s0;
	s0 =	simm.s32 $0x0;
	[sflag:s21] =	ssyncadd.s32 $0xFFFFD100  }
0x57: {  	[tilespmem:s26], [sflag:$0x1] =	stream.indirect.gather [hbm4b:s4+s24], $0x80, s0, s24, $0xb8;
	[tilespmem:$0x1D900] =	vst v63  }
0x58: {  	_ =	swait.ge [sflag:s28], $0x4000  }
0x59: {  	[sflag:s28] =	ssyncset.done $0x0  }
0x5a: {  	s25 =	simm.s32 $0x3000;
	[sflag:s28] =	ssyncadd.s32 $0xFFFFC000  }
0x5b: {  	[spmem:s2] =	stream.indirect.scatter.add.f32 [tilespmem:s26], [sflag:$0x2], $0x80, s25, s24, $0xb8;
	[tilespmem:$0x1D900] =	vst v63  }
0x5c: {  	_ =	swait.ge [sflag:s21], $0x4000  }
0x5d: {  	s0 =	simm.s32 $0x200;
	s5 =	simm.s32 $0x400;
	[sflag:s21] =	ssyncset.done $0x0  }
.LBB2_11:
0x5e: {  	s25 =	sshra.s32 s0, $0x2  }
0x5f: {  	[sflag:s21] =	ssyncadd.s32 $0xFFFFC000;
	s0 =	smov.u32 s5;
	s7 =	sadd.s32 $0x200, s5  }
0x60: {  	[tilespmem:s26], [sflag:$0x1] =	stream.indirect.gather [hbm4b:s4+s24], $0x80, s25, s24, $0xb8;
	[tilespmem:$0x1D900] =	vst v63  }
0x61: {  	p5 =	sne.s32 s5, $0xBA00;
	_ =	swait.ge [sflag:s28], $0x4000  }
.Ltmp11:
0x62: {  	[sflag:s28] =	ssyncset.done $0x0;
	(pc) =	sbr.rel @p5 .LBB2_11-.Ltmp11, $4  }
0x63: {  	s5 =	sadd.s32 $0x3000, s25;
	[sflag:s28] =	ssyncadd.s32 $0xFFFFC000  }
0x64: {  	[spmem:s2] =	stream.indirect.scatter.add.f32 [tilespmem:s26], [sflag:$0x2], $0x80, s5, s24, $0xb8;
	[tilespmem:$0x1D900] =	vst v63  }
0x65: {  	_ =	swait.ge [sflag:s21], $0x4000  }
0x66: {  	s5 =	smov.u32 s7;
	[sflag:s21] =	ssyncset.done $0x0  }
0x67: {  	s0 =	sshra.s32 s0, $0x2;
	[sflag:s21] =	ssyncadd.s32 $0xFFFFC000  }
0x68: {  	[tilespmem:s26], [sflag:$0x1] =	stream.indirect.gather [hbm4b:s4+s24], $0x80, s0, s24, $0xb8;
	[tilespmem:$0x1D900] =	vst v63  }
0x69: {  	_ =	swait.ge [sflag:s28], $0x4000  }
0x6a: {  	[sflag:s28] =	ssyncset.done $0x0  }
0x6b: {  	s0 =	sadd.s32 $0x3000, s0;
	[sflag:s28] =	ssyncadd.s32 $0xFFFFC000  }
0x6c: {  	[spmem:s2] =	stream.indirect.scatter.add.f32 [tilespmem:s26], [sflag:$0x2], $0x80, s0, s24, $0xb8;
	[tilespmem:$0x1D900] =	vst v63  }
0x6d: {  	_ =	swait.ge [sflag:s21], $0x4000  }
0x6e: {  	[sflag:s21] =	ssyncset.done $0x0  }
0x6f: {  	[sflag:s21] =	ssyncadd.s32 $0xFFFFC000  }
0x70: {  	s0 =	simm.s32 @p3 $0x1FC2;
	[bflag:$0x0] =	sbarrier.arrive $0xFFFF  }
0x71: {  	[hbm:s17], [sflag:s0] =	dma.local @p3 [spmem:s31], $0x2080  }
0x72: {  	s0 =	simm.s32 @p3 $0x2  }
0x73: {  	_ =	swait.ge @p3 [sflag:s0], $0x2080  }
0x74: {  	[sflag:s0] =	ssyncset.done @p3 $0x0  }
.Ltmp12:
0x75: {  	[sflag:s0] =	ssyncadd.s32 @p3 $0xFFFFDF80;
	s0 =	simm.s32 @!p3 $0x2;
	(pc) =	sbr.rel .LBB2_16-.Ltmp12, $4  }
0x76: {  	[hbm:s16], [sflag:s30] =	dma.local @!p3 [spmem:s29], $0x2780  }
0x77: {  	_ =	swait.ge @!p3 [sflag:s0], $0x2780  }
0x78: {  	[sflag:s0] =	ssyncset.done @!p3 $0x0  }
0x79: {  	[sflag:s0] =	ssyncadd.s32 @!p3 $0xFFFFD880  }
.LBB2_13:
0x7a: {  	[tilespmem:s26], [sflag:$0x1] =	stream.indirect.gather [hbm4b:s4+s24], $0x80, s0, s24, $0xb8;
	[tilespmem:$0x1D900] =	vst v63  }
0x7b: {  	_ =	swait.ge [sflag:s28], $0x4000  }
0x7c: {  	[sflag:s28] =	ssyncset.done $0x0  }
0x7d: {  	s25 =	simm.s32 $0x3000;
	[sflag:s28] =	ssyncadd.s32 $0xFFFFC000  }
0x7e: {  	[spmem:s2] =	stream.indirect.scatter.add.f32 [tilespmem:s26], [sflag:$0x2], $0x80, s25, s24, $0xb8;
	[tilespmem:$0x1D900] =	vst v63  }
0x7f: {  	_ =	swait.ge [sflag:s21], $0x4000  }
0x80: {  	s0 =	simm.s32 $0x200;
	s5 =	simm.s32 $0x400;
	[sflag:s21] =	ssyncset.done $0x0  }
.LBB2_14:
0x81: {  	s7 =	sshra.s32 s0, $0x2  }
0x82: {  	[sflag:s21] =	ssyncadd.s32 $0xFFFFC000;
	s0 =	smov.u32 s5;
	s25 =	sadd.s32 $0x200, s5  }
0x83: {  	[tilespmem:s26], [sflag:$0x1] =	stream.indirect.gather [hbm4b:s4+s24], $0x80, s7, s24, $0xb8;
	[tilespmem:$0x1D900] =	vst v63  }
0x84: {  	p5 =	sne.s32 s5, $0x7E00;
	_ =	swait.ge [sflag:s28], $0x4000  }
.Ltmp13:
0x85: {  	[sflag:s28] =	ssyncset.done $0x0;
	(pc) =	sbr.rel @p5 .LBB2_14-.Ltmp13, $4  }
0x86: {  	s5 =	sadd.s32 $0x3000, s7;
	[sflag:s28] =	ssyncadd.s32 $0xFFFFC000  }
0x87: {  	[spmem:s2] =	stream.indirect.scatter.add.f32 [tilespmem:s26], [sflag:$0x2], $0x80, s5, s24, $0xb8;
	[tilespmem:$0x1D900] =	vst v63  }
0x88: {  	_ =	swait.ge [sflag:s21], $0x4000  }
0x89: {  	s5 =	smov.u32 s25;
	[sflag:s21] =	ssyncset.done $0x0  }
.Ltmp14:
0x8a: {  	_ = 	snop;
	(pc) =	sbr.rel .LBB2_15-.Ltmp14, $1  }
0x8b: {  	_ =	sdelay $0x3  }
.LBB2_17:
0x8c: {  	_ =	sfence.sel $0x180000  }
0x8d: {  	[bflag:$0x0] =	sbarrier.arrive $0xFFFF  }
0x8e: {  	_ =	strace $0x9000004A  }
0x8f: {  	[bflag:$0x2] =	sbarrier.arrive $0xFFFF  }
0x90: {  	s0 =	rddreg [dreg:$0x2]  }
0x91: {  	s0 =	sadd.s32 @!p0 $0x100000, s0  }
0x92: {  	[sflag:s0] =	ssyncadd.tile.s32 @!p0 $0x1;
	_ =	shalt  }
.Lfunc_end2:
_tile_overlayer_lowered:
.L_overlay_start_2:
0x93: {  	(tag) =	ssettag $0x2  }
0x94: {  	s0 =	rddreg [dreg:$0x0];
	s2 =	stileid.u32  }
0x95: {  	s1 =	rddreg [dreg:$0x1];
	p0 =	sne.s32 s2, $0x0  }
0x96: {  	s3 =	rddreg [dreg:$0x2];
	[bflag:$0x3] =	sbarrier.arrive $0xFFFF;
	s2 =	simm.s32 @!p0 $0x1C02  }
0x97: {  	[timem:s3], [sflag:s2] =	dma.local @!p0 [hbm:s0], s1  }
0x98: {  	s0 =	simm.s32 @!p0 $0x2  }
0x99: {  	_ =	swait.ge @!p0 [sflag:s0], s1  }
0x9a: {  	s1 =	ssub.s32 @!p0 $0x0, s1;
	[sflag:s0] =	ssyncset.done @!p0 $0x0  }
0x9b: {  	[sflag:s0] =	ssyncadd.s32 @!p0 s1  }
0x9c: {  	[bflag:$0x3] =	sbarrier.arrive $0xFFFF  }
0x9d: {  	_ =	shalt  }

// kernel: kernel.16.cloned.1.call-start
scs
__scs_entry_jumppad:
0x0: {  	(pc) =	sbr.rel $0x88, $3  }
0x1: {  	(tag) =	ssettag $0x0;
	lr =	simm.s32 $0x1  }
0x2: {  	[smem:$0x3F91] =	sst lr;
	_ =	strace $0xD0000000  }
0x3: {  	_ = 	snop  }
0x4: {  	_ = 	snop  }
0x5: {  	_ = 	snop  }
0x6: {  	_ = 	snop  }
0x7: {  	_ = 	snop  }
__scs_overlays_trampoline_lowered:
0x8: {  	[smem:$0x3FA0] =	sst s0  }
0x9: {  	[smem:$0x3FA1] =	sst s1  }
0xa: {  	[smem:$0x3FA2] =	sst s2  }
0xb: {  	[smem:$0x3FA3] =	sst s3  }
0xc: {  	[smem:$0x3FA4] =	sst s4  }
0xd: {  	[smem:$0x3FA5] =	sst s5  }
0xe: {  	[smem:$0x3FA6] =	sst s6  }
0xf: {  	[smem:$0x3FA7] =	sst s7  }
0x10: {  	[smem:$0x3FA8] =	sst s8  }
0x11: {  	[smem:$0x3FA9] =	sst s9;
	s0 =	simm.s32 @!p0 $0x0  }
0x12: {  	s1 =	sld [smem:$0x3F8F];
	s0 =	simm.s32 @p0 $0x1  }
0x13: {  	[smem:$0x3FAA] =	sst s0;
	s0 =	simm.s32 @!p1 $0x0  }
0x14: {  	s2 =	sld [smem:$0x3F8E];
	s0 =	simm.s32 @p1 $0x1  }
0x15: {  	[smem:$0x3FAB] =	sst s0;
	s0 =	simm.s32 @!p2 $0x0  }
0x16: {  	s3 =	sld [smem:$0x3FDB];
	s0 =	simm.s32 @p2 $0x1  }
0x17: {  	s4 =	simm.s32 $0x1BF5;
	[smem:$0x3FAD] =	sst s0  }
0x18: {  	s0 =	sld [smem:$0x3F90];
	_ =	swait.ge [sflag:s4], $0x0  }
0x19: {  	s7 =	sld [smem:$0x3F91]  }
0x1a: {  	s8 =	sadd.s32 $0xFFFFE003, lr  }
0x1b: {  	s9 =	sadd.s32 $0xFFFFFEF7, lr;
	s5 =	simm.s32 $0xFFFFFFFF;
	p2 =	slt.u32 s8, $0xFFFFF086  }
0x1c: {  	p1 =	slt.u32 s9, $0xF7A;
	s5 =	simm.s32 @!p2 $0x0  }
0x1d: {  	s5 =	simm.s32 @p1 $0x1;
	p0 =	seq.s32 s7, s2  }
0x1e: {  	s7 =	smul.u32 @!p0 $0xF7A, s2;
	p2 =	seq.s32 @!p0 s5, $0x0  }
0x1f: {  	s9 =	smul.u32 $0xF7A, s1;
	s8 =	simm.s32 @!p0 $0x1BF5;
	p2 =	por !p2, p0  }
0x20: {  	[sflag:s8] =	ssyncset.s32 @!p0 $0xFFFFF086;
	s6 =	sadd.s32 @!p0 s3, s7;
	s7 =	simm.s32 @!p0 $0x108  }
0x21: {  	s3 =	sadd.s32 s3, s9;
	s6 =	sadd.s32 @!p0 $0x88, s6;
	s7 =	simm.s32 @p2 $0x1082  }
0x22: {  	[simem:s7], [sflag:s8] =	dma.local @!p0 [hbm:s6], $0xF7A  }
0x23: {  	s9 =	sor.u32 $0xD0000000, s2;
	s6 =	simm.s32 $0x108;
	_ =	swait.ge @!p0 [sflag:s8], $0x0  }
0x24: {  	s3 =	sadd.s32 $0x88, s3;
	s6 =	simm.s32 @!p1 $0x1082;
	[sflag:s4] =	ssyncset.s32 $0xFFFFF086  }
0x25: {  	[simem:s6], [sflag:s4] =	dma.local [hbm:s3], $0xF7A  }
0x26: {  	[smem:$0x3F91] =	sst s1;
	(tag) =	ssettag s2;
	_ =	strace s9  }
0x27: {  	s1 =	sld [smem:$0x3FA1]  }
0x28: {  	s2 =	sld [smem:$0x3FA2]  }
0x29: {  	s4 =	sld [smem:$0x3FA4]  }
0x2a: {  	p0 =	seq.s32 s5, $0x0;
	s5 =	sld [smem:$0x3FA5]  }
0x2b: {  	s6 =	sld [smem:$0x3FA6]  }
0x2c: {  	s7 =	sld [smem:$0x3FA7]  }
0x2d: {  	s3 =	simm.s32 $0x108;
	s8 =	sld [smem:$0x3FA8]  }
0x2e: {  	s3 =	simm.s32 @!p0 $0x1082;
	s9 =	sld [smem:$0x3FA9]  }
0x2f: {  	lr =	sadd.s32 s0, s3;
	s0 =	sld [smem:$0x3FA0]  }
0x30: {  	s3 =	sld [smem:$0x3FA3]  }
0x31: {  	[smem:$0x3FAC] =	sst s10  }
0x32: {  	s10 =	sld [smem:$0x3FAA];
	_ =	sdelay $0x3  }
0x33: {  	p0 =	seq.s32 s10, $0x1;
	s10 =	sld [smem:$0x3FAC];
	_ =	sdelay $0x3  }
0x34: {  	[smem:$0x3FAC] =	sst s10  }
0x35: {  	s10 =	sld [smem:$0x3FAB];
	_ =	sdelay $0x3  }
0x36: {  	p1 =	seq.s32 s10, $0x1;
	s10 =	sld [smem:$0x3FAC];
	_ =	sdelay $0x3  }
0x37: {  	[smem:$0x3FAC] =	sst s10  }
0x38: {  	s10 =	sld [smem:$0x3FAD]  }
0x39: {  	_ = 	snop;
	(pc) =	sbr.ind lr, $3  }
0x3a: {  	_ = 	snop  }
0x3b: {  	_ = 	snop  }
0x3c: {  	p2 =	seq.s32 s10, $0x1;
	s10 =	sld [smem:$0x3FAC]  }
0x3d: {  	_ =	shalt  }
0x3e: {  	_ =	shalt  }
0x3f: {  	_ =	shalt  }
0x40: {  	_ =	shalt  }
0x41: {  	_ =	shalt  }
0x42: {  	_ =	shalt  }
0x43: {  	_ =	shalt  }
0x44: {  	_ =	shalt  }
0x45: {  	_ =	shalt  }
0x46: {  	_ =	shalt  }
0x47: {  	_ =	shalt  }
0x48: {  	_ =	shalt  }
0x49: {  	_ =	shalt  }
0x4a: {  	_ =	shalt  }
0x4b: {  	_ =	shalt  }
0x4c: {  	_ =	shalt  }
0x4d: {  	_ =	shalt  }
0x4e: {  	_ =	shalt  }
0x4f: {  	_ =	shalt  }
0x50: {  	_ =	shalt  }
0x51: {  	_ =	shalt  }
0x52: {  	_ =	shalt  }
0x53: {  	_ =	shalt  }
0x54: {  	_ =	shalt  }
0x55: {  	_ =	shalt  }
0x56: {  	_ =	shalt  }
0x57: {  	_ =	shalt  }
0x58: {  	_ =	shalt  }
0x59: {  	_ =	shalt  }
0x5a: {  	_ =	shalt  }
0x5b: {  	_ =	shalt  }
0x5c: {  	_ =	shalt  }
0x5d: {  	_ =	shalt  }
0x5e: {  	_ =	shalt  }
0x5f: {  	_ =	shalt  }
0x60: {  	_ =	shalt  }
0x61: {  	_ =	shalt  }
0x62: {  	_ =	shalt  }
0x63: {  	_ =	shalt  }
0x64: {  	_ =	shalt  }
0x65: {  	_ =	shalt  }
0x66: {  	_ =	shalt  }
0x67: {  	_ =	shalt  }
0x68: {  	_ =	shalt  }
0x69: {  	_ =	shalt  }
0x6a: {  	_ =	shalt  }
0x6b: {  	_ =	shalt  }
0x6c: {  	_ =	shalt  }
0x6d: {  	_ =	shalt  }
0x6e: {  	_ =	shalt  }
0x6f: {  	_ =	shalt  }
0x70: {  	_ =	shalt  }
0x71: {  	_ =	shalt  }
0x72: {  	_ =	shalt  }
0x73: {  	_ =	shalt  }
0x74: {  	_ =	shalt  }
0x75: {  	_ =	shalt  }
0x76: {  	_ =	shalt  }
0x77: {  	_ =	shalt  }
0x78: {  	_ =	shalt  }
0x79: {  	_ =	shalt  }
0x7a: {  	_ =	shalt  }
0x7b: {  	_ =	shalt  }
0x7c: {  	_ =	shalt  }
0x7d: {  	_ =	shalt  }
0x7e: {  	_ =	shalt  }
0x7f: {  	_ =	shalt  }
0x80: {  	_ =	shalt  }
0x81: {  	_ =	shalt  }
0x82: {  	_ =	shalt  }
0x83: {  	_ =	shalt  }
0x84: {  	_ =	shalt  }
0x85: {  	_ =	shalt  }
0x86: {  	_ =	shalt  }
0x87: {  	_ =	shalt  }
.Lfunc_end0:
.L_simem_size_0:
called_computation.2_lowered:
.L_overlay_start_0:
0x88: {  	s2 =	sld [smem:$0x3FD9]  }
0x89: {  	s3 =	sld [smem:$0x3FFE];
	_ =	sdelay $0x1  }
0x8a: {  	s1 =	srdreg.scid  }
0x8b: {  	s0 =	sand.u32 $0x1, s1  }
0x8c: {  	s16 =	sshll.u32 s0, $0xA;
	s2 =	sadd.s32 s3, s2  }
0x8d: {  	s2 =	sadd.s32 s2, s16  }
0x8e: {  	[smem:$0x3FB8] =	sst s2  }
0x8f: {  	_ = 	snop  }
0x90: {  	(tm) =	ssettm $0x1  }
0x91: {  	s17 =	sld [smem:$0x3FFB];
	_ =	sdelay $0x3  }
0x92: {  	_ =	strace s17  }
0x93: {  	s2 =	sld [smem:$0x3FFC];
	_ =	sdelay $0x3  }
0x94: {  	_ =	strace s2  }
0x95: {  	s2 =	sld [smem:$0x3FFD];
	_ =	sdelay $0x3  }
0x96: {  	_ =	strace s2  }
0x97: {  	_ =	strace $0x8FFFFFFF  }
0x98: {  	s18 =	sld [smem:$0x3FDB];
	_ =	sdelay $0x1  }
0x99: {  	s19 =	simm.s32 $_scs_section_size  }
0x9a: {  	s4 =	simm.s32 $_size__tile_overlayer_lowered;
	s5 =	simm.s32 $_tile_overlayer_lowered  }
0x9b: {  	s22 =	simm.s32 $0x1BFF;
	s21 =	sshll.u32 s5, $0x1;
	s2 =	sadd.s32 s19, s18  }
0x9c: {  	s6 =	simm.s32 $0x0;
	s20 =	sshll.u32 s4, $0x1;
	s4 =	sadd.s32 s21, s2  }
0x9d: {  	[timem:s6], [sflag:s22] =	dma.local [hbm:s4], s20  }
0x9e: {  	_ =	swait.ge [sflag:s22], s20  }
0x9f: {  	s3 =	ssub.s32 $0x0, s20;
	[sflag:s22] =	ssyncset.done $0x0  }
0xa0: {  	[sflag:s22] =	ssyncadd.s32 s3;
	_ =	sdelay $0x1  }
0xa1: {  	s23 =	simm.s32 $0x1B8B  }
0xa2: {  	_ =	swait.ge [sflag:s23], $0x1  }
0xa3: {  	[sflag:s23] =	ssyncset.done $0x0  }
0xa4: {  	s25 =	simm.s32 $0x1B8E;
	s24 =	sld [smem:$0x3FFE];
	[sflag:s23] =	ssyncadd.s32 $0xFFFFFFFF  }
0xa5: {  	s26 =	simm.s32 $execute0_lowered;
	[smem:$0x3FD2] =	sst s25  }
0xa6: {  	s4 =	sshll.u32 s26, $0x1;
	_ =	strace $0x8000004C;
	[dreg:$0x1] =	wrdreg $0xFFFFFFFF  }
0xa7: {  	s28 =	simm.s32 $_size_execute0_lowered;
	s2 =	sadd.s32 s2, s4;
	[dreg:$0x0] =	wrdreg $0x0  }
0xa8: {  	s4 =	sshll.u32 s28, $0x1;
	[dreg:$0x2] =	wrdreg s2  }
0xa9: {  	[dreg:$0x3] =	wrdreg s4  }
0xaa: {  	[dreg:$0x4] =	wrdreg $0xC0  }
0xab: {  	_ =	task [dreg:s6], $0x5FFFF  }
0xac: {  	[dreg:$0x1] =	wrdreg $0xFFFFFFFF  }
0xad: {  	[dreg:$0x0] =	wrdreg $0x60  }
0xae: {  	[dreg:$0x2] =	wrdreg s24  }
0xaf: {  	[dreg:$0x3] =	wrdreg $0xA0000  }
0xb0: {  	[dreg:$0x4] =	wrdreg $0x9  }
0xb1: {  	_ =	task.clear_ibuf [dreg:s6], $0x5FFFF;
	_ =	strace $0x9000004C  }
0xb2: {  	s29 =	simm.s32 $0x9;
	_ =	strace $0x8000004E  }
0xb3: {  	_ =	swait.ge [sflag:s29], $0x1  }
0xb4: {  	[sflag:s29] =	ssyncadd.s32 $0xFFFFFFFF  }
0xb5: {  	_ =	strace $0x9000004E  }
0xb6: {  	_ =	sfence  }
0xb7: {  	s30 =	sld [smem:$0x0];
	_ =	sdelay $0x2  }
0xb8: {  	s31 =	sshll.u32 s1, $0xD;
	s1 =	sshrl.u32 s1, $0x2  }
0xb9: {  	s3 =	sand.u32 $0x4000, s31;
	s1 =	sadd.s32 s1, s30  }
0xba: {  	s0 =	sor.u32 s3, s0;
	s1 =	sshll.u32 s1, $0x11  }
0xbb: {  	s0 =	sor.u32 s1, s0  }
0xbc: {  	s0 =	sadd.s32 $0x8F2B, s0  }
0xbd: {  	[sflag:s0] =	ssyncadd.remote.s32 $0x1  }
0xbe: {  	_ =	sfence.sel $0xFFFF  }
0xbf: {  	[dreg:$0x0] =	wrdreg $0xFFFFFFFF;
	(pc) =	sbr.abs _section_cstart, $3  }
0xc0: {  	[dreg:$0x1] =	wrdreg $0xFFFFFFFF  }
0xc1: {  	_ =	task.clear_ibuf [dreg:s6], $0x2FFFF;
	_ =	strace $0x9FFFFFFF  }
0xc2: {  	(tm) =	ssettm $0x7FFFFFFF  }
0xc3: {  	_ =	shalt  }
tec
execute0_lowered:
.L_overlay_start_1:
0x0: {  	(tag) =	ssettag $0x1  }
0x1: {  	s0 =	srdreg.scid  }
0x2: {  	s5 =	rddreg [dreg:$0x0];
	s1 =	stileid.u32  }
0x3: {  	s2 =	rddreg [dreg:$0x1];
	s20 =	simm.s32 $0x1FC2;
	s21 =	simm.s32 $0x2  }
0x4: {  	s23 =	simm.s32 $0x3000;
	s24 =	simm.s32 $0x80;
	s10 =	smul.u32 $0x2780, s1  }
0x5: {  	s28 =	simm.s32 $0x1;
	s0 =	sand.u32 $0x1, s0;
	s7 =	smul.u32 $0x4F000, s1  }
0x6: {  	s9 =	sadd.s32 $0xF200, s5;
	s25 =	sadd.s32 $0x138800, s2;
	s11 =	sadd.s32 $0x5B480, s5  }
0x7: {  	s15 =	sadd.s32 $0xE9280, s5;
	s17 =	sadd.s32 $0xC2080, s5;
	p2 =	sne.s32 s1, $0xF  }
0x8: {  	s30 =	sshll.u32 s1, $0x6;
	p0 =	sne.s32 s1, $0x0;
	p3 =	seq.s32 s1, $0xF  }
0x9: {  	p4 =	seq.s32 s1, $0x0;
	s3 =	sshll.u32 s0, $0x4;
	s26 =	ssub.s32 $0x2, s0  }
0xa: {  	p1 =	sne.s32 s0, $0x0;
	s22 =	sor.u32 $0x1C02, s30;
	s31 =	sshrl.u32 s25, $0x3  }
0xb: {  	s4 =	sor.u32 s1, s3;
	s3 =	simm.s32 $0x0;
	s16 =	sadd.s32 s10, s5  }
0xc: {  	s8 =	sshrl.u32 s26, $0x1;
	s7 =	sshrl.u32 s7, $0x2;
	s29 =	sadd.s32 s9, s10  }
0xd: {  	s6 =	smul.u32 $0x600, s4;
	[smem:$0x7FF] =	sst s3;
	s4 =	sadd.s32 $0x36400, s5  }
0xe: {  	s18 =	ssub.s32 s26, s8;
	s8 =	sadd.s32 $0x128400, s2;
	s14 =	sadd.s32 $0xC4200, s16  }
.Ltmp0:
0xf: {  	_ =	strace $0x8000004D;
	[dreg:$0x3] =	wrdreg s9;
	(pc) =	sbr.rel .LBB2_1-.Ltmp0, $4  }
0x10: {  	s16 =	sadd.s32 $0x9D000, s16;
	s26 =	simm.s32 $0x6000;
	[dreg:$0x4] =	wrdreg s29  }
0x11: {  	s9 =	sadd.s32 $0x34280, s5;
	s10 =	sadd.s32 s4, s10;
	s18 =	smax.u32 s18, $0x1  }
0x12: {  	s19 =	sshrl.u32 s8, $0x3;
	[dreg:$0x5] =	wrdreg s31;
	s13 =	sadd.s32 s6, s5  }
0x13: {  	s6 =	sadd.s32 s7, s2;
	s12 =	sadd.s32 $0x85000, s13;
	s13 =	sadd.s32 $0x91000, s13  }
.LBB2_15:
0x14: {  	s0 =	sshra.s32 s0, $0x2;
	[sflag:s21] =	ssyncadd.s32 $0xFFFFC000  }
0x15: {  	[tilespmem:s26], [sflag:$0x1] =	stream.indirect.gather [hbm4b:s4+s24], $0x80, s0, s24, $0xb8;
	[tilespmem:$0x1D900] =	vst v63  }
0x16: {  	_ =	swait.ge [sflag:s28], $0x4000  }
0x17: {  	[sflag:s28] =	ssyncset.done $0x0  }
0x18: {  	s0 =	sadd.s32 $0x3000, s0;
	[sflag:s28] =	ssyncadd.s32 $0xFFFFC000  }
0x19: {  	[spmem:s2] =	stream.indirect.scatter.add.f32 [tilespmem:s26], [sflag:$0x2], $0x80, s0, s24, $0xb8;
	[tilespmem:$0x1D900] =	vst v63  }
0x1a: {  	_ =	swait.ge [sflag:s21], $0x4000  }
0x1b: {  	[sflag:s21] =	ssyncset.done $0x0  }
0x1c: {  	[sflag:s21] =	ssyncadd.s32 $0xFFFFC000  }
0x1d: {  	s0 =	simm.s32 @p3 $0x1FC2;
	[bflag:$0x0] =	sbarrier.arrive $0xFFFF  }
0x1e: {  	[hbm:s15], [sflag:s0] =	dma.local @p3 [spmem:s31], $0x2080  }
0x1f: {  	s0 =	simm.s32 @p3 $0x2  }
0x20: {  	_ =	swait.ge @p3 [sflag:s0], $0x2080  }
0x21: {  	[sflag:s0] =	ssyncset.done @p3 $0x0  }
0x22: {  	[sflag:s0] =	ssyncadd.s32 @p3 $0xFFFFDF80;
	s0 =	simm.s32 @!p3 $0x2  }
0x23: {  	[hbm:s14], [sflag:s30] =	dma.local @!p3 [spmem:s29], $0x2780  }
0x24: {  	_ =	swait.ge @!p3 [sflag:s0], $0x2780  }
0x25: {  	[sflag:s0] =	ssyncset.done @!p3 $0x0  }
0x26: {  	[sflag:s0] =	ssyncadd.s32 @!p3 $0xFFFFD880  }
.LBB2_16:
0x27: {  	s3 =	sadd.s32 $0x1, s3  }
0x28: {  	p5 =	sne.s32 s3, s18  }
.Ltmp1:
0x29: {  	_ = 	snop;
	(pc) =	sbr.rel @!p5 .LBB2_17-.Ltmp1, $1  }
0x2a: {  	_ =	sdelay $0x3  }
.LBB2_1:
.Ltmp2:
0x2b: {  	(pc) =	sbr.rel @p1 .LBB2_4-.Ltmp2, $1  }
0x2c: {  	_ =	sdelay $0x3  }
.Ltmp3:
0x2d: {  	(pc) =	sbr.rel @p2 .LBB2_7-.Ltmp3, $1  }
0x2e: {  	_ =	sdelay $0x3  }
.Ltmp4:
0x2f: {  	(pc) =	sbr.rel .LBB2_9-.Ltmp4, $4  }
0x30: {  	[spmem:s19], [sflag:s20] =	dma.local [hbm:s11], $0x2080  }
0x31: {  	_ =	swait.ge [sflag:s21], $0x2080  }
0x32: {  	[sflag:s21] =	ssyncset.done $0x0  }
0x33: {  	[sflag:s21] =	ssyncadd.s32 $0xFFFFDF80  }
.LBB2_4:
.Ltmp5:
0x34: {  	(pc) =	sbr.rel @!p3 .LBB2_5-.Ltmp5, $1  }
0x35: {  	_ =	sdelay $0x3  }
.Ltmp6:
0x36: {  	(pc) =	sbr.rel .LBB2_9-.Ltmp6, $4  }
0x37: {  	[spmem:s19], [sflag:s20] =	dma.local [hbm:s9], $0x2080  }
0x38: {  	_ =	swait.ge [sflag:s21], $0x2080  }
0x39: {  	[sflag:s21] =	ssyncset.done $0x0  }
0x3a: {  	[sflag:s21] =	ssyncadd.s32 $0xFFFFDF80  }
.LBB2_7:
0x3b: {  	s0 =	sshrl.u32 s6, $0x3  }
0x3c: {  	[spmem:s0], [sflag:s22] =	dma.local [hbm:s10], $0x2780  }
.Ltmp7:
0x3d: {  	_ = 	snop;
	(pc) =	sbr.rel @p0 .LBB2_9-.Ltmp7, $4  }
.Ltmp8:
0x3e: {  	_ = 	snop;
	(pc) =	sbr.rel @!p0 .LBB2_8-.Ltmp8, $4  }
0x3f: {  	_ =	swait.ge [sflag:s21], $0x2780  }
0x40: {  	[sflag:s21] =	ssyncset.done $0x0  }
0x41: {  	[sflag:s21] =	ssyncadd.s32 $0xFFFFD880  }
0x42: {  	_ = 	snop  }
.LBB2_5:
.Ltmp9:
0x43: {  	s0 =	sshrl.u32 s6, $0x3;
	s5 =	rddreg [dreg:$0x4];
	(pc) =	sbr.rel @!p4 .LBB2_9-.Ltmp9, $4  }
0x44: {  	[spmem:s0], [sflag:s22] =	dma.local [hbm:s5], $0x2780  }
0x45: {  	_ =	swait.ge [sflag:s21], $0x2780  }
0x46: {  	[sflag:s21] =	ssyncset.done $0x0  }
0x47: {  	[sflag:s21] =	ssyncadd.s32 $0xFFFFD880  }
.LBB2_8:
0x48: {  	s0 =	rddreg [dreg:$0x3]  }
0x49: {  	s5 =	rddreg [dreg:$0x5]  }
0x4a: {  	[spmem:s5], [sflag:s22] =	dma.local [hbm:s0], $0x100  }
0x4b: {  	_ =	swait.ge [sflag:s21], $0x100  }
0x4c: {  	[sflag:s21] =	ssyncset.done $0x0  }
0x4d: {  	[sflag:s21] =	ssyncadd.s32 $0xFFFFFF00  }
.LBB2_9:
0x4e: {  	[bflag:$0x0] =	sbarrier.arrive $0xFFFF;
	s0 =	simm.s32 $0x0  }
0x4f: {  	[tilespmem:s0], [sflag:$0x2] =	stream.linear.gather [hbm4b:s12+s0], $0x2F00, $0x38;
	[tilespmem:$0x1D900] =	vst v63  }
0x50: {  	_ =	swait.ge [sflag:s21], $0x2F00  }
0x51: {  	[sflag:s21] =	ssyncset.done $0x0  }
.Ltmp10:
0x52: {  	[sflag:s21] =	ssyncadd.s32 $0xFFFFD100;
	(pc) =	sbr.rel @p1 .LBB2_13-.Ltmp10, $4  }
0x53: {  	[tilespmem:s23], [sflag:$0x2] =	stream.linear.gather [hbm4b:s13+s0], $0x2F00, $0x38;
	[tilespmem:$0x1D900] =	vst v63  }
0x54: {  	s31 =	sshrl.u32 @p3 s8, $0x3;
	_ =	swait.ge [sflag:s21], $0x2F00  }
0x55: {  	s29 =	sshrl.u32 @!p3 s6, $0x3;
	s0 =	sshll.u32 @!p3 s1, $0x6;
	[sflag:s21] =	ssyncset.done $0x0  }
0x56: {  	s30 =	sor.u32 @!p3 $0x1C02, s0;
	s0 =	simm.s32 $0x0;
	[sflag:s21] =	ssyncadd.s32 $0xFFFFD100  }
0x57: {  	[tilespmem:s26], [sflag:$0x1] =	stream.indirect.gather [hbm4b:s4+s24], $0x80, s0, s24, $0xb8;
	[tilespmem:$0x1D900] =	vst v63  }
0x58: {  	_ =	swait.ge [sflag:s28], $0x4000  }
0x59: {  	[sflag:s28] =	ssyncset.done $0x0  }
0x5a: {  	s25 =	simm.s32 $0x3000;
	[sflag:s28] =	ssyncadd.s32 $0xFFFFC000  }
0x5b: {  	[spmem:s2] =	stream.indirect.scatter.add.f32 [tilespmem:s26], [sflag:$0x2], $0x80, s25, s24, $0xb8;
	[tilespmem:$0x1D900] =	vst v63  }
0x5c: {  	_ =	swait.ge [sflag:s21], $0x4000  }
0x5d: {  	s0 =	simm.s32 $0x200;
	s5 =	simm.s32 $0x400;
	[sflag:s21] =	ssyncset.done $0x0  }
.LBB2_11:
0x5e: {  	s25 =	sshra.s32 s0, $0x2  }
0x5f: {  	[sflag:s21] =	ssyncadd.s32 $0xFFFFC000;
	s0 =	smov.u32 s5;
	s7 =	sadd.s32 $0x200, s5  }
0x60: {  	[tilespmem:s26], [sflag:$0x1] =	stream.indirect.gather [hbm4b:s4+s24], $0x80, s25, s24, $0xb8;
	[tilespmem:$0x1D900] =	vst v63  }
0x61: {  	p5 =	sne.s32 s5, $0xBA00;
	_ =	swait.ge [sflag:s28], $0x4000  }
.Ltmp11:
0x62: {  	[sflag:s28] =	ssyncset.done $0x0;
	(pc) =	sbr.rel @p5 .LBB2_11-.Ltmp11, $4  }
0x63: {  	s5 =	sadd.s32 $0x3000, s25;
	[sflag:s28] =	ssyncadd.s32 $0xFFFFC000  }
0x64: {  	[spmem:s2] =	stream.indirect.scatter.add.f32 [tilespmem:s26], [sflag:$0x2], $0x80, s5, s24, $0xb8;
	[tilespmem:$0x1D900] =	vst v63  }
0x65: {  	_ =	swait.ge [sflag:s21], $0x4000  }
0x66: {  	s5 =	smov.u32 s7;
	[sflag:s21] =	ssyncset.done $0x0  }
0x67: {  	s0 =	sshra.s32 s0, $0x2;
	[sflag:s21] =	ssyncadd.s32 $0xFFFFC000  }
0x68: {  	[tilespmem:s26], [sflag:$0x1] =	stream.indirect.gather [hbm4b:s4+s24], $0x80, s0, s24, $0xb8;
	[tilespmem:$0x1D900] =	vst v63  }
0x69: {  	_ =	swait.ge [sflag:s28], $0x4000  }
0x6a: {  	[sflag:s28] =	ssyncset.done $0x0  }
0x6b: {  	s0 =	sadd.s32 $0x3000, s0;
	[sflag:s28] =	ssyncadd.s32 $0xFFFFC000  }
0x6c: {  	[spmem:s2] =	stream.indirect.scatter.add.f32 [tilespmem:s26], [sflag:$0x2], $0x80, s0, s24, $0xb8;
	[tilespmem:$0x1D900] =	vst v63  }
0x6d: {  	_ =	swait.ge [sflag:s21], $0x4000  }
0x6e: {  	[sflag:s21] =	ssyncset.done $0x0  }
0x6f: {  	[sflag:s21] =	ssyncadd.s32 $0xFFFFC000  }
0x70: {  	s0 =	simm.s32 @p3 $0x1FC2;
	[bflag:$0x0] =	sbarrier.arrive $0xFFFF  }
0x71: {  	[hbm:s17], [sflag:s0] =	dma.local @p3 [spmem:s31], $0x2080  }
0x72: {  	s0 =	simm.s32 @p3 $0x2  }
0x73: {  	_ =	swait.ge @p3 [sflag:s0], $0x2080  }
0x74: {  	[sflag:s0] =	ssyncset.done @p3 $0x0  }
.Ltmp12:
0x75: {  	[sflag:s0] =	ssyncadd.s32 @p3 $0xFFFFDF80;
	s0 =	simm.s32 @!p3 $0x2;
	(pc) =	sbr.rel .LBB2_16-.Ltmp12, $4  }
0x76: {  	[hbm:s16], [sflag:s30] =	dma.local @!p3 [spmem:s29], $0x2780  }
0x77: {  	_ =	swait.ge @!p3 [sflag:s0], $0x2780  }
0x78: {  	[sflag:s0] =	ssyncset.done @!p3 $0x0  }
0x79: {  	[sflag:s0] =	ssyncadd.s32 @!p3 $0xFFFFD880  }
.LBB2_13:
0x7a: {  	[tilespmem:s26], [sflag:$0x1] =	stream.indirect.gather [hbm4b:s4+s24], $0x80, s0, s24, $0xb8;
	[tilespmem:$0x1D900] =	vst v63  }
0x7b: {  	_ =	swait.ge [sflag:s28], $0x4000  }
0x7c: {  	[sflag:s28] =	ssyncset.done $0x0  }
0x7d: {  	s25 =	simm.s32 $0x3000;
	[sflag:s28] =	ssyncadd.s32 $0xFFFFC000  }
0x7e: {  	[spmem:s2] =	stream.indirect.scatter.add.f32 [tilespmem:s26], [sflag:$0x2], $0x80, s25, s24, $0xb8;
	[tilespmem:$0x1D900] =	vst v63  }
0x7f: {  	_ =	swait.ge [sflag:s21], $0x4000  }
0x80: {  	s0 =	simm.s32 $0x200;
	s5 =	simm.s32 $0x400;
	[sflag:s21] =	ssyncset.done $0x0  }
.LBB2_14:
0x81: {  	s7 =	sshra.s32 s0, $0x2  }
0x82: {  	[sflag:s21] =	ssyncadd.s32 $0xFFFFC000;
	s0 =	smov.u32 s5;
	s25 =	sadd.s32 $0x200, s5  }
0x83: {  	[tilespmem:s26], [sflag:$0x1] =	stream.indirect.gather [hbm4b:s4+s24], $0x80, s7, s24, $0xb8;
	[tilespmem:$0x1D900] =	vst v63  }
0x84: {  	p5 =	sne.s32 s5, $0x7E00;
	_ =	swait.ge [sflag:s28], $0x4000  }
.Ltmp13:
0x85: {  	[sflag:s28] =	ssyncset.done $0x0;
	(pc) =	sbr.rel @p5 .LBB2_14-.Ltmp13, $4  }
0x86: {  	s5 =	sadd.s32 $0x3000, s7;
	[sflag:s28] =	ssyncadd.s32 $0xFFFFC000  }
0x87: {  	[spmem:s2] =	stream.indirect.scatter.add.f32 [tilespmem:s26], [sflag:$0x2], $0x80, s5, s24, $0xb8;
	[tilespmem:$0x1D900] =	vst v63  }
0x88: {  	_ =	swait.ge [sflag:s21], $0x4000  }
0x89: {  	s5 =	smov.u32 s25;
	[sflag:s21] =	ssyncset.done $0x0  }
.Ltmp14:
0x8a: {  	_ = 	snop;
	(pc) =	sbr.rel .LBB2_15-.Ltmp14, $1  }
0x8b: {  	_ =	sdelay $0x3  }
.LBB2_17:
0x8c: {  	_ =	sfence.sel $0x180000  }
0x8d: {  	[bflag:$0x0] =	sbarrier.arrive $0xFFFF  }
0x8e: {  	_ =	strace $0x9000004D  }
0x8f: {  	[bflag:$0x2] =	sbarrier.arrive $0xFFFF  }
0x90: {  	s0 =	rddreg [dreg:$0x2]  }
0x91: {  	s0 =	sadd.s32 @!p0 $0x100000, s0  }
0x92: {  	[sflag:s0] =	ssyncadd.tile.s32 @!p0 $0x1;
	_ =	shalt  }
.Lfunc_end2:
_tile_overlayer_lowered:
.L_overlay_start_2:
0x93: {  	(tag) =	ssettag $0x2  }
0x94: {  	s0 =	rddreg [dreg:$0x0];
	s2 =	stileid.u32  }
0x95: {  	s1 =	rddreg [dreg:$0x1];
	p0 =	sne.s32 s2, $0x0  }
0x96: {  	s3 =	rddreg [dreg:$0x2];
	[bflag:$0x3] =	sbarrier.arrive $0xFFFF;
	s2 =	simm.s32 @!p0 $0x1C02  }
0x97: {  	[timem:s3], [sflag:s2] =	dma.local @!p0 [hbm:s0], s1  }
0x98: {  	s0 =	simm.s32 @!p0 $0x2  }
0x99: {  	_ =	swait.ge @!p0 [sflag:s0], s1  }
0x9a: {  	s1 =	ssub.s32 @!p0 $0x0, s1;
	[sflag:s0] =	ssyncset.done @!p0 $0x0  }
0x9b: {  	[sflag:s0] =	ssyncadd.s32 @!p0 s1  }
0x9c: {  	[bflag:$0x3] =	sbarrier.arrive $0xFFFF  }
0x9d: {  	_ =	shalt  }

// kernel: kernel.19.cloned.1.call-start
scs
__scs_entry_jumppad:
0x0: {  	(pc) =	sbr.rel $0x88, $3  }
0x1: {  	(tag) =	ssettag $0x0;
	lr =	simm.s32 $0x1  }
0x2: {  	[smem:$0x3F91] =	sst lr;
	_ =	strace $0xD0000000  }
0x3: {  	_ = 	snop  }
0x4: {  	_ = 	snop  }
0x5: {  	_ = 	snop  }
0x6: {  	_ = 	snop  }
0x7: {  	_ = 	snop  }
__scs_overlays_trampoline_lowered:
0x8: {  	[smem:$0x3FA0] =	sst s0  }
0x9: {  	[smem:$0x3FA1] =	sst s1  }
0xa: {  	[smem:$0x3FA2] =	sst s2  }
0xb: {  	[smem:$0x3FA3] =	sst s3  }
0xc: {  	[smem:$0x3FA4] =	sst s4  }
0xd: {  	[smem:$0x3FA5] =	sst s5  }
0xe: {  	[smem:$0x3FA6] =	sst s6  }
0xf: {  	[smem:$0x3FA7] =	sst s7  }
0x10: {  	[smem:$0x3FA8] =	sst s8  }
0x11: {  	[smem:$0x3FA9] =	sst s9;
	s0 =	simm.s32 @!p0 $0x0  }
0x12: {  	s1 =	sld [smem:$0x3F8F];
	s0 =	simm.s32 @p0 $0x1  }
0x13: {  	[smem:$0x3FAA] =	sst s0;
	s0 =	simm.s32 @!p1 $0x0  }
0x14: {  	s2 =	sld [smem:$0x3F8E];
	s0 =	simm.s32 @p1 $0x1  }
0x15: {  	[smem:$0x3FAB] =	sst s0;
	s0 =	simm.s32 @!p2 $0x0  }
0x16: {  	s3 =	sld [smem:$0x3FDB];
	s0 =	simm.s32 @p2 $0x1  }
0x17: {  	s4 =	simm.s32 $0x1BF5;
	[smem:$0x3FAD] =	sst s0  }
0x18: {  	s0 =	sld [smem:$0x3F90];
	_ =	swait.ge [sflag:s4], $0x0  }
0x19: {  	s7 =	sld [smem:$0x3F91]  }
0x1a: {  	s8 =	sadd.s32 $0xFFFFE003, lr  }
0x1b: {  	s9 =	sadd.s32 $0xFFFFFEF7, lr;
	s5 =	simm.s32 $0xFFFFFFFF;
	p2 =	slt.u32 s8, $0xFFFFF086  }
0x1c: {  	p1 =	slt.u32 s9, $0xF7A;
	s5 =	simm.s32 @!p2 $0x0  }
0x1d: {  	s5 =	simm.s32 @p1 $0x1;
	p0 =	seq.s32 s7, s2  }
0x1e: {  	s7 =	smul.u32 @!p0 $0xF7A, s2;
	p2 =	seq.s32 @!p0 s5, $0x0  }
0x1f: {  	s9 =	smul.u32 $0xF7A, s1;
	s8 =	simm.s32 @!p0 $0x1BF5;
	p2 =	por !p2, p0  }
0x20: {  	[sflag:s8] =	ssyncset.s32 @!p0 $0xFFFFF086;
	s6 =	sadd.s32 @!p0 s3, s7;
	s7 =	simm.s32 @!p0 $0x108  }
0x21: {  	s3 =	sadd.s32 s3, s9;
	s6 =	sadd.s32 @!p0 $0x88, s6;
	s7 =	simm.s32 @p2 $0x1082  }
0x22: {  	[simem:s7], [sflag:s8] =	dma.local @!p0 [hbm:s6], $0xF7A  }
0x23: {  	s9 =	sor.u32 $0xD0000000, s2;
	s6 =	simm.s32 $0x108;
	_ =	swait.ge @!p0 [sflag:s8], $0x0  }
0x24: {  	s3 =	sadd.s32 $0x88, s3;
	s6 =	simm.s32 @!p1 $0x1082;
	[sflag:s4] =	ssyncset.s32 $0xFFFFF086  }
0x25: {  	[simem:s6], [sflag:s4] =	dma.local [hbm:s3], $0xF7A  }
0x26: {  	[smem:$0x3F91] =	sst s1;
	(tag) =	ssettag s2;
	_ =	strace s9  }
0x27: {  	s1 =	sld [smem:$0x3FA1]  }
0x28: {  	s2 =	sld [smem:$0x3FA2]  }
0x29: {  	s4 =	sld [smem:$0x3FA4]  }
0x2a: {  	p0 =	seq.s32 s5, $0x0;
	s5 =	sld [smem:$0x3FA5]  }
0x2b: {  	s6 =	sld [smem:$0x3FA6]  }
0x2c: {  	s7 =	sld [smem:$0x3FA7]  }
0x2d: {  	s3 =	simm.s32 $0x108;
	s8 =	sld [smem:$0x3FA8]  }
0x2e: {  	s3 =	simm.s32 @!p0 $0x1082;
	s9 =	sld [smem:$0x3FA9]  }
0x2f: {  	lr =	sadd.s32 s0, s3;
	s0 =	sld [smem:$0x3FA0]  }
0x30: {  	s3 =	sld [smem:$0x3FA3]  }
0x31: {  	[smem:$0x3FAC] =	sst s10  }
0x32: {  	s10 =	sld [smem:$0x3FAA];
	_ =	sdelay $0x3  }
0x33: {  	p0 =	seq.s32 s10, $0x1;
	s10 =	sld [smem:$0x3FAC];
	_ =	sdelay $0x3  }
0x34: {  	[smem:$0x3FAC] =	sst s10  }
0x35: {  	s10 =	sld [smem:$0x3FAB];
	_ =	sdelay $0x3  }
0x36: {  	p1 =	seq.s32 s10, $0x1;
	s10 =	sld [smem:$0x3FAC];
	_ =	sdelay $0x3  }
0x37: {  	[smem:$0x3FAC] =	sst s10  }
0x38: {  	s10 =	sld [smem:$0x3FAD]  }
0x39: {  	_ = 	snop;
	(pc) =	sbr.ind lr, $3  }
0x3a: {  	_ = 	snop  }
0x3b: {  	_ = 	snop  }
0x3c: {  	p2 =	seq.s32 s10, $0x1;
	s10 =	sld [smem:$0x3FAC]  }
0x3d: {  	_ =	shalt  }
0x3e: {  	_ =	shalt  }
0x3f: {  	_ =	shalt  }
0x40: {  	_ =	shalt  }
0x41: {  	_ =	shalt  }
0x42: {  	_ =	shalt  }
0x43: {  	_ =	shalt  }
0x44: {  	_ =	shalt  }
0x45: {  	_ =	shalt  }
0x46: {  	_ =	shalt  }
0x47: {  	_ =	shalt  }
0x48: {  	_ =	shalt  }
0x49: {  	_ =	shalt  }
0x4a: {  	_ =	shalt  }
0x4b: {  	_ =	shalt  }
0x4c: {  	_ =	shalt  }
0x4d: {  	_ =	shalt  }
0x4e: {  	_ =	shalt  }
0x4f: {  	_ =	shalt  }
0x50: {  	_ =	shalt  }
0x51: {  	_ =	shalt  }
0x52: {  	_ =	shalt  }
0x53: {  	_ =	shalt  }
0x54: {  	_ =	shalt  }
0x55: {  	_ =	shalt  }
0x56: {  	_ =	shalt  }
0x57: {  	_ =	shalt  }
0x58: {  	_ =	shalt  }
0x59: {  	_ =	shalt  }
0x5a: {  	_ =	shalt  }
0x5b: {  	_ =	shalt  }
0x5c: {  	_ =	shalt  }
0x5d: {  	_ =	shalt  }
0x5e: {  	_ =	shalt  }
0x5f: {  	_ =	shalt  }
0x60: {  	_ =	shalt  }
0x61: {  	_ =	shalt  }
0x62: {  	_ =	shalt  }
0x63: {  	_ =	shalt  }
0x64: {  	_ =	shalt  }
0x65: {  	_ =	shalt  }
0x66: {  	_ =	shalt  }
0x67: {  	_ =	shalt  }
0x68: {  	_ =	shalt  }
0x69: {  	_ =	shalt  }
0x6a: {  	_ =	shalt  }
0x6b: {  	_ =	shalt  }
0x6c: {  	_ =	shalt  }
0x6d: {  	_ =	shalt  }
0x6e: {  	_ =	shalt  }
0x6f: {  	_ =	shalt  }
0x70: {  	_ =	shalt  }
0x71: {  	_ =	shalt  }
0x72: {  	_ =	shalt  }
0x73: {  	_ =	shalt  }
0x74: {  	_ =	shalt  }
0x75: {  	_ =	shalt  }
0x76: {  	_ =	shalt  }
0x77: {  	_ =	shalt  }
0x78: {  	_ =	shalt  }
0x79: {  	_ =	shalt  }
0x7a: {  	_ =	shalt  }
0x7b: {  	_ =	shalt  }
0x7c: {  	_ =	shalt  }
0x7d: {  	_ =	shalt  }
0x7e: {  	_ =	shalt  }
0x7f: {  	_ =	shalt  }
0x80: {  	_ =	shalt  }
0x81: {  	_ =	shalt  }
0x82: {  	_ =	shalt  }
0x83: {  	_ =	shalt  }
0x84: {  	_ =	shalt  }
0x85: {  	_ =	shalt  }
0x86: {  	_ =	shalt  }
0x87: {  	_ =	shalt  }
.Lfunc_end0:
.L_simem_size_0:
called_computation.3_lowered:
.L_overlay_start_0:
0x88: {  	s2 =	sld [smem:$0x3FD9]  }
0x89: {  	s3 =	sld [smem:$0x3FFE];
	_ =	sdelay $0x1  }
0x8a: {  	s1 =	srdreg.scid  }
0x8b: {  	s0 =	sand.u32 $0x1, s1  }
0x8c: {  	s16 =	sshll.u32 s0, $0xA;
	s2 =	sadd.s32 s3, s2  }
0x8d: {  	s2 =	sadd.s32 s2, s16  }
0x8e: {  	[smem:$0x3FB8] =	sst s2  }
0x8f: {  	_ = 	snop  }
0x90: {  	(tm) =	ssettm $0x1  }
0x91: {  	s17 =	sld [smem:$0x3FFB];
	_ =	sdelay $0x3  }
0x92: {  	_ =	strace s17  }
0x93: {  	s2 =	sld [smem:$0x3FFC];
	_ =	sdelay $0x3  }
0x94: {  	_ =	strace s2  }
0x95: {  	s2 =	sld [smem:$0x3FFD];
	_ =	sdelay $0x3  }
0x96: {  	_ =	strace s2  }
0x97: {  	_ =	strace $0x8FFFFFFF  }
0x98: {  	s18 =	sld [smem:$0x3FDB];
	_ =	sdelay $0x1  }
0x99: {  	s19 =	simm.s32 $_scs_section_size  }
0x9a: {  	s4 =	simm.s32 $_size__tile_overlayer_lowered;
	s5 =	simm.s32 $_tile_overlayer_lowered  }
0x9b: {  	s22 =	simm.s32 $0x1BFF;
	s21 =	sshll.u32 s5, $0x1;
	s2 =	sadd.s32 s19, s18  }
0x9c: {  	s6 =	simm.s32 $0x0;
	s20 =	sshll.u32 s4, $0x1;
	s4 =	sadd.s32 s21, s2  }
0x9d: {  	[timem:s6], [sflag:s22] =	dma.local [hbm:s4], s20  }
0x9e: {  	_ =	swait.ge [sflag:s22], s20  }
0x9f: {  	s3 =	ssub.s32 $0x0, s20;
	[sflag:s22] =	ssyncset.done $0x0  }
0xa0: {  	[sflag:s22] =	ssyncadd.s32 s3;
	_ =	sdelay $0x1  }
0xa1: {  	s23 =	simm.s32 $0x1B8B  }
0xa2: {  	_ =	swait.ge [sflag:s23], $0x1  }
0xa3: {  	[sflag:s23] =	ssyncset.done $0x0  }
0xa4: {  	s25 =	simm.s32 $0x1B8E;
	s24 =	sld [smem:$0x3FFE];
	[sflag:s23] =	ssyncadd.s32 $0xFFFFFFFF  }
0xa5: {  	s26 =	simm.s32 $execute0_lowered;
	[smem:$0x3FD2] =	sst s25  }
0xa6: {  	s4 =	sshll.u32 s26, $0x1;
	_ =	strace $0x8000004F;
	[dreg:$0x1] =	wrdreg $0xFFFFFFFF  }
0xa7: {  	s28 =	simm.s32 $_size_execute0_lowered;
	s2 =	sadd.s32 s2, s4;
	[dreg:$0x0] =	wrdreg $0x0  }
0xa8: {  	s4 =	sshll.u32 s28, $0x1;
	[dreg:$0x2] =	wrdreg s2  }
0xa9: {  	[dreg:$0x3] =	wrdreg s4  }
0xaa: {  	[dreg:$0x4] =	wrdreg $0xC0  }
0xab: {  	_ =	task [dreg:s6], $0x5FFFF  }
0xac: {  	[dreg:$0x1] =	wrdreg $0xFFFFFFFF  }
0xad: {  	[dreg:$0x0] =	wrdreg $0x60  }
0xae: {  	[dreg:$0x2] =	wrdreg s24  }
0xaf: {  	[dreg:$0x3] =	wrdreg $0xA0000  }
0xb0: {  	[dreg:$0x4] =	wrdreg $0x9  }
0xb1: {  	_ =	task.clear_ibuf [dreg:s6], $0x5FFFF;
	_ =	strace $0x9000004F  }
0xb2: {  	s29 =	simm.s32 $0x9;
	_ =	strace $0x80000051  }
0xb3: {  	_ =	swait.ge [sflag:s29], $0x1  }
0xb4: {  	[sflag:s29] =	ssyncadd.s32 $0xFFFFFFFF  }
0xb5: {  	_ =	strace $0x90000051  }
0xb6: {  	_ =	sfence  }
0xb7: {  	s30 =	sld [smem:$0x0];
	_ =	sdelay $0x2  }
0xb8: {  	s31 =	sshll.u32 s1, $0xD;
	s1 =	sshrl.u32 s1, $0x2  }
0xb9: {  	s3 =	sand.u32 $0x4000, s31;
	s1 =	sadd.s32 s1, s30  }
0xba: {  	s0 =	sor.u32 s3, s0;
	s1 =	sshll.u32 s1, $0x11  }
0xbb: {  	s0 =	sor.u32 s1, s0  }
0xbc: {  	s0 =	sadd.s32 $0x8F2B, s0  }
0xbd: {  	[sflag:s0] =	ssyncadd.remote.s32 $0x1  }
0xbe: {  	_ =	sfence.sel $0xFFFF  }
0xbf: {  	[dreg:$0x0] =	wrdreg $0xFFFFFFFF;
	(pc) =	sbr.abs _section_cstart, $3  }
0xc0: {  	[dreg:$0x1] =	wrdreg $0xFFFFFFFF  }
0xc1: {  	_ =	task.clear_ibuf [dreg:s6], $0x2FFFF;
	_ =	strace $0x9FFFFFFF  }
0xc2: {  	(tm) =	ssettm $0x7FFFFFFF  }
0xc3: {  	_ =	shalt  }
tec
execute0_lowered:
.L_overlay_start_1:
0x0: {  	(tag) =	ssettag $0x1  }
0x1: {  	s0 =	srdreg.scid  }
0x2: {  	s5 =	rddreg [dreg:$0x0];
	s1 =	stileid.u32  }
0x3: {  	s2 =	rddreg [dreg:$0x1];
	s20 =	simm.s32 $0x1FC2;
	s21 =	simm.s32 $0x2  }
0x4: {  	s23 =	simm.s32 $0x3000;
	s24 =	simm.s32 $0x80;
	s10 =	smul.u32 $0x2780, s1  }
0x5: {  	s28 =	simm.s32 $0x1;
	s0 =	sand.u32 $0x1, s0;
	s7 =	smul.u32 $0x4F000, s1  }
0x6: {  	s9 =	sadd.s32 $0xF200, s5;
	s25 =	sadd.s32 $0x138800, s2;
	s11 =	sadd.s32 $0x5B480, s5  }
0x7: {  	s15 =	sadd.s32 $0xE9280, s5;
	s17 =	sadd.s32 $0xC2080, s5;
	p2 =	sne.s32 s1, $0xF  }
0x8: {  	s30 =	sshll.u32 s1, $0x6;
	p0 =	sne.s32 s1, $0x0;
	p3 =	seq.s32 s1, $0xF  }
0x9: {  	p4 =	seq.s32 s1, $0x0;
	s3 =	sshll.u32 s0, $0x4;
	s26 =	ssub.s32 $0x2, s0  }
0xa: {  	p1 =	sne.s32 s0, $0x0;
	s22 =	sor.u32 $0x1C02, s30;
	s31 =	sshrl.u32 s25, $0x3  }
0xb: {  	s4 =	sor.u32 s1, s3;
	s3 =	simm.s32 $0x0;
	s16 =	sadd.s32 s10, s5  }
0xc: {  	s8 =	sshrl.u32 s26, $0x1;
	s7 =	sshrl.u32 s7, $0x2;
	s29 =	sadd.s32 s9, s10  }
0xd: {  	s6 =	smul.u32 $0x600, s4;
	[smem:$0x7FF] =	sst s3;
	s4 =	sadd.s32 $0x36400, s5  }
0xe: {  	s18 =	ssub.s32 s26, s8;
	s8 =	sadd.s32 $0x128400, s2;
	s14 =	sadd.s32 $0xC4200, s16  }
.Ltmp0:
0xf: {  	_ =	strace $0x80000050;
	[dreg:$0x3] =	wrdreg s9;
	(pc) =	sbr.rel .LBB2_1-.Ltmp0, $4  }
0x10: {  	s16 =	sadd.s32 $0x9D000, s16;
	s26 =	simm.s32 $0x6000;
	[dreg:$0x4] =	wrdreg s29  }
0x11: {  	s9 =	sadd.s32 $0x34280, s5;
	s10 =	sadd.s32 s4, s10;
	s18 =	smax.u32 s18, $0x1  }
0x12: {  	s19 =	sshrl.u32 s8, $0x3;
	[dreg:$0x5] =	wrdreg s31;
	s13 =	sadd.s32 s6, s5  }
0x13: {  	s6 =	sadd.s32 s7, s2;
	s12 =	sadd.s32 $0x85000, s13;
	s13 =	sadd.s32 $0x91000, s13  }
.LBB2_15:
0x14: {  	s0 =	sshra.s32 s0, $0x2;
	[sflag:s21] =	ssyncadd.s32 $0xFFFFC000  }
0x15: {  	[tilespmem:s26], [sflag:$0x1] =	stream.indirect.gather [hbm4b:s4+s24], $0x80, s0, s24, $0xb8;
	[tilespmem:$0x1D900] =	vst v63  }
0x16: {  	_ =	swait.ge [sflag:s28], $0x4000  }
0x17: {  	[sflag:s28] =	ssyncset.done $0x0  }
0x18: {  	s0 =	sadd.s32 $0x3000, s0;
	[sflag:s28] =	ssyncadd.s32 $0xFFFFC000  }
0x19: {  	[spmem:s2] =	stream.indirect.scatter.add.f32 [tilespmem:s26], [sflag:$0x2], $0x80, s0, s24, $0xb8;
	[tilespmem:$0x1D900] =	vst v63  }
0x1a: {  	_ =	swait.ge [sflag:s21], $0x4000  }
0x1b: {  	[sflag:s21] =	ssyncset.done $0x0  }
0x1c: {  	[sflag:s21] =	ssyncadd.s32 $0xFFFFC000  }
0x1d: {  	s0 =	simm.s32 @p3 $0x1FC2;
	[bflag:$0x0] =	sbarrier.arrive $0xFFFF  }
0x1e: {  	[hbm:s15], [sflag:s0] =	dma.local @p3 [spmem:s31], $0x2080  }
0x1f: {  	s0 =	simm.s32 @p3 $0x2  }
0x20: {  	_ =	swait.ge @p3 [sflag:s0], $0x2080  }
0x21: {  	[sflag:s0] =	ssyncset.done @p3 $0x0  }
0x22: {  	[sflag:s0] =	ssyncadd.s32 @p3 $0xFFFFDF80;
	s0 =	simm.s32 @!p3 $0x2  }
0x23: {  	[hbm:s14], [sflag:s30] =	dma.local @!p3 [spmem:s29], $0x2780  }
0x24: {  	_ =	swait.ge @!p3 [sflag:s0], $0x2780  }
0x25: {  	[sflag:s0] =	ssyncset.done @!p3 $0x0  }
0x26: {  	[sflag:s0] =	ssyncadd.s32 @!p3 $0xFFFFD880  }
.LBB2_16:
0x27: {  	s3 =	sadd.s32 $0x1, s3  }
0x28: {  	p5 =	sne.s32 s3, s18  }
.Ltmp1:
0x29: {  	_ = 	snop;
	(pc) =	sbr.rel @!p5 .LBB2_17-.Ltmp1, $1  }
0x2a: {  	_ =	sdelay $0x3  }
.LBB2_1:
.Ltmp2:
0x2b: {  	(pc) =	sbr.rel @p1 .LBB2_4-.Ltmp2, $1  }
0x2c: {  	_ =	sdelay $0x3  }
.Ltmp3:
0x2d: {  	(pc) =	sbr.rel @p2 .LBB2_7-.Ltmp3, $1  }
0x2e: {  	_ =	sdelay $0x3  }
.Ltmp4:
0x2f: {  	(pc) =	sbr.rel .LBB2_9-.Ltmp4, $4  }
0x30: {  	[spmem:s19], [sflag:s20] =	dma.local [hbm:s11], $0x2080  }
0x31: {  	_ =	swait.ge [sflag:s21], $0x2080  }
0x32: {  	[sflag:s21] =	ssyncset.done $0x0  }
0x33: {  	[sflag:s21] =	ssyncadd.s32 $0xFFFFDF80  }
.LBB2_4:
.Ltmp5:
0x34: {  	(pc) =	sbr.rel @!p3 .LBB2_5-.Ltmp5, $1  }
0x35: {  	_ =	sdelay $0x3  }
.Ltmp6:
0x36: {  	(pc) =	sbr.rel .LBB2_9-.Ltmp6, $4  }
0x37: {  	[spmem:s19], [sflag:s20] =	dma.local [hbm:s9], $0x2080  }
0x38: {  	_ =	swait.ge [sflag:s21], $0x2080  }
0x39: {  	[sflag:s21] =	ssyncset.done $0x0  }
0x3a: {  	[sflag:s21] =	ssyncadd.s32 $0xFFFFDF80  }
.LBB2_7:
0x3b: {  	s0 =	sshrl.u32 s6, $0x3  }
0x3c: {  	[spmem:s0], [sflag:s22] =	dma.local [hbm:s10], $0x2780  }
.Ltmp7:
0x3d: {  	_ = 	snop;
	(pc) =	sbr.rel @p0 .LBB2_9-.Ltmp7, $4  }
.Ltmp8:
0x3e: {  	_ = 	snop;
	(pc) =	sbr.rel @!p0 .LBB2_8-.Ltmp8, $4  }
0x3f: {  	_ =	swait.ge [sflag:s21], $0x2780  }
0x40: {  	[sflag:s21] =	ssyncset.done $0x0  }
0x41: {  	[sflag:s21] =	ssyncadd.s32 $0xFFFFD880  }
0x42: {  	_ = 	snop  }
.LBB2_5:
.Ltmp9:
0x43: {  	s0 =	sshrl.u32 s6, $0x3;
	s5 =	rddreg [dreg:$0x4];
	(pc) =	sbr.rel @!p4 .LBB2_9-.Ltmp9, $4  }
0x44: {  	[spmem:s0], [sflag:s22] =	dma.local [hbm:s5], $0x2780  }
0x45: {  	_ =	swait.ge [sflag:s21], $0x2780  }
0x46: {  	[sflag:s21] =	ssyncset.done $0x0  }
0x47: {  	[sflag:s21] =	ssyncadd.s32 $0xFFFFD880  }
.LBB2_8:
0x48: {  	s0 =	rddreg [dreg:$0x3]  }
0x49: {  	s5 =	rddreg [dreg:$0x5]  }
0x4a: {  	[spmem:s5], [sflag:s22] =	dma.local [hbm:s0], $0x100  }
0x4b: {  	_ =	swait.ge [sflag:s21], $0x100  }
0x4c: {  	[sflag:s21] =	ssyncset.done $0x0  }
0x4d: {  	[sflag:s21] =	ssyncadd.s32 $0xFFFFFF00  }
.LBB2_9:
0x4e: {  	[bflag:$0x0] =	sbarrier.arrive $0xFFFF;
	s0 =	simm.s32 $0x0  }
0x4f: {  	[tilespmem:s0], [sflag:$0x2] =	stream.linear.gather [hbm4b:s12+s0], $0x2F00, $0x38;
	[tilespmem:$0x1D900] =	vst v63  }
0x50: {  	_ =	swait.ge [sflag:s21], $0x2F00  }
0x51: {  	[sflag:s21] =	ssyncset.done $0x0  }
.Ltmp10:
0x52: {  	[sflag:s21] =	ssyncadd.s32 $0xFFFFD100;
	(pc) =	sbr.rel @p1 .LBB2_13-.Ltmp10, $4  }
0x53: {  	[tilespmem:s23], [sflag:$0x2] =	stream.linear.gather [hbm4b:s13+s0], $0x2F00, $0x38;
	[tilespmem:$0x1D900] =	vst v63  }
0x54: {  	s31 =	sshrl.u32 @p3 s8, $0x3;
	_ =	swait.ge [sflag:s21], $0x2F00  }
0x55: {  	s29 =	sshrl.u32 @!p3 s6, $0x3;
	s0 =	sshll.u32 @!p3 s1, $0x6;
	[sflag:s21] =	ssyncset.done $0x0  }
0x56: {  	s30 =	sor.u32 @!p3 $0x1C02, s0;
	s0 =	simm.s32 $0x0;
	[sflag:s21] =	ssyncadd.s32 $0xFFFFD100  }
0x57: {  	[tilespmem:s26], [sflag:$0x1] =	stream.indirect.gather [hbm4b:s4+s24], $0x80, s0, s24, $0xb8;
	[tilespmem:$0x1D900] =	vst v63  }
0x58: {  	_ =	swait.ge [sflag:s28], $0x4000  }
0x59: {  	[sflag:s28] =	ssyncset.done $0x0  }
0x5a: {  	s25 =	simm.s32 $0x3000;
	[sflag:s28] =	ssyncadd.s32 $0xFFFFC000  }
0x5b: {  	[spmem:s2] =	stream.indirect.scatter.add.f32 [tilespmem:s26], [sflag:$0x2], $0x80, s25, s24, $0xb8;
	[tilespmem:$0x1D900] =	vst v63  }
0x5c: {  	_ =	swait.ge [sflag:s21], $0x4000  }
0x5d: {  	s0 =	simm.s32 $0x200;
	s5 =	simm.s32 $0x400;
	[sflag:s21] =	ssyncset.done $0x0  }
.LBB2_11:
0x5e: {  	s25 =	sshra.s32 s0, $0x2  }
0x5f: {  	[sflag:s21] =	ssyncadd.s32 $0xFFFFC000;
	s0 =	smov.u32 s5;
	s7 =	sadd.s32 $0x200, s5  }
0x60: {  	[tilespmem:s26], [sflag:$0x1] =	stream.indirect.gather [hbm4b:s4+s24], $0x80, s25, s24, $0xb8;
	[tilespmem:$0x1D900] =	vst v63  }
0x61: {  	p5 =	sne.s32 s5, $0xBA00;
	_ =	swait.ge [sflag:s28], $0x4000  }
.Ltmp11:
0x62: {  	[sflag:s28] =	ssyncset.done $0x0;
	(pc) =	sbr.rel @p5 .LBB2_11-.Ltmp11, $4  }
0x63: {  	s5 =	sadd.s32 $0x3000, s25;
	[sflag:s28] =	ssyncadd.s32 $0xFFFFC000  }
0x64: {  	[spmem:s2] =	stream.indirect.scatter.add.f32 [tilespmem:s26], [sflag:$0x2], $0x80, s5, s24, $0xb8;
	[tilespmem:$0x1D900] =	vst v63  }
0x65: {  	_ =	swait.ge [sflag:s21], $0x4000  }
0x66: {  	s5 =	smov.u32 s7;
	[sflag:s21] =	ssyncset.done $0x0  }
0x67: {  	s0 =	sshra.s32 s0, $0x2;
	[sflag:s21] =	ssyncadd.s32 $0xFFFFC000  }
0x68: {  	[tilespmem:s26], [sflag:$0x1] =	stream.indirect.gather [hbm4b:s4+s24], $0x80, s0, s24, $0xb8;
	[tilespmem:$0x1D900] =	vst v63  }
0x69: {  	_ =	swait.ge [sflag:s28], $0x4000  }
0x6a: {  	[sflag:s28] =	ssyncset.done $0x0  }
0x6b: {  	s0 =	sadd.s32 $0x3000, s0;
	[sflag:s28] =	ssyncadd.s32 $0xFFFFC000  }
0x6c: {  	[spmem:s2] =	stream.indirect.scatter.add.f32 [tilespmem:s26], [sflag:$0x2], $0x80, s0, s24, $0xb8;
	[tilespmem:$0x1D900] =	vst v63  }
0x6d: {  	_ =	swait.ge [sflag:s21], $0x4000  }
0x6e: {  	[sflag:s21] =	ssyncset.done $0x0  }
0x6f: {  	[sflag:s21] =	ssyncadd.s32 $0xFFFFC000  }
0x70: {  	s0 =	simm.s32 @p3 $0x1FC2;
	[bflag:$0x0] =	sbarrier.arrive $0xFFFF  }
0x71: {  	[hbm:s17], [sflag:s0] =	dma.local @p3 [spmem:s31], $0x2080  }
0x72: {  	s0 =	simm.s32 @p3 $0x2  }
0x73: {  	_ =	swait.ge @p3 [sflag:s0], $0x2080  }
0x74: {  	[sflag:s0] =	ssyncset.done @p3 $0x0  }
.Ltmp12:
0x75: {  	[sflag:s0] =	ssyncadd.s32 @p3 $0xFFFFDF80;
	s0 =	simm.s32 @!p3 $0x2;
	(pc) =	sbr.rel .LBB2_16-.Ltmp12, $4  }
0x76: {  	[hbm:s16], [sflag:s30] =	dma.local @!p3 [spmem:s29], $0x2780  }
0x77: {  	_ =	swait.ge @!p3 [sflag:s0], $0x2780  }
0x78: {  	[sflag:s0] =	ssyncset.done @!p3 $0x0  }
0x79: {  	[sflag:s0] =	ssyncadd.s32 @!p3 $0xFFFFD880  }
.LBB2_13:
0x7a: {  	[tilespmem:s26], [sflag:$0x1] =	stream.indirect.gather [hbm4b:s4+s24], $0x80, s0, s24, $0xb8;
	[tilespmem:$0x1D900] =	vst v63  }
0x7b: {  	_ =	swait.ge [sflag:s28], $0x4000  }
0x7c: {  	[sflag:s28] =	ssyncset.done $0x0  }
0x7d: {  	s25 =	simm.s32 $0x3000;
	[sflag:s28] =	ssyncadd.s32 $0xFFFFC000  }
0x7e: {  	[spmem:s2] =	stream.indirect.scatter.add.f32 [tilespmem:s26], [sflag:$0x2], $0x80, s25, s24, $0xb8;
	[tilespmem:$0x1D900] =	vst v63  }
0x7f: {  	_ =	swait.ge [sflag:s21], $0x4000  }
0x80: {  	s0 =	simm.s32 $0x200;
	s5 =	simm.s32 $0x400;
	[sflag:s21] =	ssyncset.done $0x0  }
.LBB2_14:
0x81: {  	s7 =	sshra.s32 s0, $0x2  }
0x82: {  	[sflag:s21] =	ssyncadd.s32 $0xFFFFC000;
	s0 =	smov.u32 s5;
	s25 =	sadd.s32 $0x200, s5  }
0x83: {  	[tilespmem:s26], [sflag:$0x1] =	stream.indirect.gather [hbm4b:s4+s24], $0x80, s7, s24, $0xb8;
	[tilespmem:$0x1D900] =	vst v63  }
0x84: {  	p5 =	sne.s32 s5, $0x7E00;
	_ =	swait.ge [sflag:s28], $0x4000  }
.Ltmp13:
0x85: {  	[sflag:s28] =	ssyncset.done $0x0;
	(pc) =	sbr.rel @p5 .LBB2_14-.Ltmp13, $4  }
0x86: {  	s5 =	sadd.s32 $0x3000, s7;
	[sflag:s28] =	ssyncadd.s32 $0xFFFFC000  }
0x87: {  	[spmem:s2] =	stream.indirect.scatter.add.f32 [tilespmem:s26], [sflag:$0x2], $0x80, s5, s24, $0xb8;
	[tilespmem:$0x1D900] =	vst v63  }
0x88: {  	_ =	swait.ge [sflag:s21], $0x4000  }
0x89: {  	s5 =	smov.u32 s25;
	[sflag:s21] =	ssyncset.done $0x0  }
.Ltmp14:
0x8a: {  	_ = 	snop;
	(pc) =	sbr.rel .LBB2_15-.Ltmp14, $1  }
0x8b: {  	_ =	sdelay $0x3  }
.LBB2_17:
0x8c: {  	_ =	sfence.sel $0x180000  }
0x8d: {  	[bflag:$0x0] =	sbarrier.arrive $0xFFFF  }
0x8e: {  	_ =	strace $0x90000050  }
0x8f: {  	[bflag:$0x2] =	sbarrier.arrive $0xFFFF  }
0x90: {  	s0 =	rddreg [dreg:$0x2]  }
0x91: {  	s0 =	sadd.s32 @!p0 $0x100000, s0  }
0x92: {  	[sflag:s0] =	ssyncadd.tile.s32 @!p0 $0x1;
	_ =	shalt  }
.Lfunc_end2:
_tile_overlayer_lowered:
.L_overlay_start_2:
0x93: {  	(tag) =	ssettag $0x2  }
0x94: {  	s0 =	rddreg [dreg:$0x0];
	s2 =	stileid.u32  }
0x95: {  	s1 =	rddreg [dreg:$0x1];
	p0 =	sne.s32 s2, $0x0  }
0x96: {  	s3 =	rddreg [dreg:$0x2];
	[bflag:$0x3] =	sbarrier.arrive $0xFFFF;
	s2 =	simm.s32 @!p0 $0x1C02  }
0x97: {  	[timem:s3], [sflag:s2] =	dma.local @!p0 [hbm:s0], s1  }
0x98: {  	s0 =	simm.s32 @!p0 $0x2  }
0x99: {  	_ =	swait.ge @!p0 [sflag:s0], s1  }
0x9a: {  	s1 =	ssub.s32 @!p0 $0x0, s1;
	[sflag:s0] =	ssyncset.done @!p0 $0x0  }
0x9b: {  	[sflag:s0] =	ssyncadd.s32 @!p0 s1  }
0x9c: {  	[bflag:$0x3] =	sbarrier.arrive $0xFFFF  }
0x9d: {  	_ =	shalt  }

</sc_bundles>
